<compile_context>
chip_gen: v7x
topology: tpu7x:2x2x1
jax: 0.10.2.dev20260603
libtpu: 0.0.44.dev20260713+nightly
codegen_flags: <defaults>
</compile_context>

<pallas_src>
import jax
import jax.numpy as jnp
from jax import lax
from jax.experimental import pallas as pl
from jax.experimental.pallas import tpu as pltpu
from jax.experimental.pallas import tpu_sc as plsc

N_NODE = 10000
N_REL = 16
N_EDGE = 160000
D = 128
NNEG = 16

NPAD = 10240
DUMMY = 10200
QROW = 32
ZROW = 39
NTAB = 40
NC = 2
NS = 16
EPT = N_EDGE // NS
NV = EPT // 16
STRIPE = NPAD // NS
CH = 32
SFL = 2048
U = 5
SCAP = SFL + 6 * CH

_f32 = jnp.float32
_i32 = jnp.int32


def _prep_body(qe_ref, r0_ref, rw0_ref, rb0_ref, rw1_ref, rb1_ref, lw0_ref,
               qrel_ref, rel1_ref, qv_ref, c0_ref):
    r0 = r0_ref[0, 0]
    rmask = jnp.where(
        lax.broadcasted_iota(_i32, (2 * N_REL, 1), 0) == r0, 1.0, 0.0)
    q = jnp.sum(qe_ref[...] * rmask, axis=0, keepdims=True)
    rel0 = (jnp.dot(q, rw0_ref[...], preferred_element_type=_f32)
            + rb0_ref[...]).reshape(2 * N_REL, D)
    rel1 = (jnp.dot(q, rw1_ref[...], preferred_element_type=_f32)
            + rb1_ref[...]).reshape(2 * N_REL, D)
    zpad7 = jnp.zeros((NTAB - QROW - 1, D), _f32)
    qrel_ref[...] = jnp.concatenate([rel0 * q, q, zpad7], axis=0)
    rel1_ref[...] = jnp.concatenate([rel1, jnp.zeros((NTAB - 2 * N_REL, D),
                                                     _f32)], axis=0)
    qv_ref[...] = q
    c0_ref[...] = jnp.dot(q, lw0_ref[...][D:, :], preferred_element_type=_f32)


def _prep(query_emb, r0s, rel_w0, rel_b0, rel_w1, rel_b1, lin_w0):
    return pl.pallas_call(
        _prep_body,
        out_shape=(
            jax.ShapeDtypeStruct((NTAB, D), _f32),
            jax.ShapeDtypeStruct((NTAB, D), _f32),
            jax.ShapeDtypeStruct((1, D), _f32),
            jax.ShapeDtypeStruct((1, D), _f32),
        ),
        in_specs=[
            pl.BlockSpec(memory_space=pltpu.VMEM),
            pl.BlockSpec(memory_space=pltpu.SMEM),
            pl.BlockSpec(memory_space=pltpu.VMEM),
            pl.BlockSpec(memory_space=pltpu.VMEM),
            pl.BlockSpec(memory_space=pltpu.VMEM),
            pl.BlockSpec(memory_space=pltpu.VMEM),
            pl.BlockSpec(memory_space=pltpu.VMEM),
        ],
    )(query_emb, r0s, rel_w0, rel_b0, rel_w1, rel_b1, lin_w0)


def _sc0_body(ei_h, et_h, h0_h, qrel_h, zrows_h, upd0_h,
              e0_v, e1_v, et_v, h0_v, dstage, rstage, didx, ridx, msg, acc,
              sma, smb, smc, smd):
    cid = lax.axis_index("c")
    sid = lax.axis_index("s")
    base = sid * EPT
    rbase = sid * STRIPE

    def stage_fwd():
        pltpu.async_copy(ei_h.at[pl.ds(base, EPT)], e0_v, sma)
        pltpu.async_copy(ei_h.at[pl.ds(N_EDGE + base, EPT)], e1_v, smb)

    def stage_rev():
        pltpu.async_copy(ei_h.at[pl.ds(N_EDGE + base, EPT)], e0_v, sma)
        pltpu.async_copy(ei_h.at[pl.ds(base, EPT)], e1_v, smb)

    pl.when(cid == 0)(stage_fwd)
    pl.when(cid != 0)(stage_rev)
    pltpu.async_copy(et_h.at[pl.ds(base, EPT)], et_v, smc)
    zc = pltpu.async_copy(zrows_h, acc.at[pl.ds(rbase, STRIPE)], smd)
    pltpu.sync_copy(h0_h, h0_v)
    zc.wait()
    plsc.subcore_barrier()
    pltpu.make_async_copy(ei_h.at[pl.ds(base, EPT)], e0_v, sma).wait()
    pltpu.make_async_copy(ei_h.at[pl.ds(base, EPT)], e1_v, smb).wait()
    pltpu.make_async_copy(et_h.at[pl.ds(base, EPT)], et_v, smc).wait()

    h0v = h0_v[...]
    roffv = jnp.full((16,), cid * N_REL, _i32)
    dumv = jnp.full((16,), DUMMY, _i32)
    zrv = jnp.full((16,), ZROW, _i32)
    full_m = jnp.full((16,), True)

    def fbody(c, carry):
        off = c * CH
        for g in range(CH // 16):
            didx[pl.ds(g * 16, 16)] = dstage[pl.ds(off + g * 16, 16)]
            ridx[pl.ds(g * 16, 16)] = rstage[pl.ds(off + g * 16, 16)]
        pltpu.sync_copy(qrel_h.at[ridx], msg)
        pltpu.sync_copy(msg, acc.at[didx], add=True)
        return carry

    def flush_all(fill):
        for p in (0, 16):
            plsc.store_compressed(dstage.at[pl.ds(fill + p, 16)], dumv,
                                  mask=full_m)
            plsc.store_compressed(rstage.at[pl.ds(fill + p, 16)], zrv,
                                  mask=full_m)
        lax.fori_loop(0, (fill + CH - 1) // CH, fbody, 0)
        return 0

    def body(i, fill):
        ms = []
        for u in range(U):
            sv = e0_v[pl.ds((i * U + u) * 16, 16)]
            ms.append(sv == h0v)
        anym = ms[0]
        for u in range(1, U):
            anym = anym | ms[u]
        cnt = plsc.all_reduce_population_count(anym)[0]

        def stage(f):
            for u in range(U):
                dv = e1_v[pl.ds((i * U + u) * 16, 16)]
                rv = et_v[pl.ds((i * U + u) * 16, 16)] + roffv
                plsc.store_compressed(dstage.at[pl.ds(f, 16)], dv, mask=ms[u])
                plsc.store_compressed(rstage.at[pl.ds(f, 16)], rv, mask=ms[u])
                f = f + plsc.all_reduce_population_count(ms[u])[0]
            return f

        fill = lax.cond(cnt > 0, stage, lambda f: f, fill)
        return lax.cond(fill >= SFL, flush_all, lambda f: f, fill)

    fill = lax.fori_loop(0, NV // U, body, 0)

    def vedge(f):
        lane0 = lax.iota(_i32, 16) == 0
        plsc.store_compressed(dstage.at[pl.ds(f, 16)], h0v, mask=lane0)
        plsc.store_compressed(rstage.at[pl.ds(f, 16)],
                              jnp.full((16,), QROW, _i32), mask=lane0)
        return f + 1

    fill = lax.cond((cid == 0) & (sid == 0), vedge, lambda f: f, fill)
    lax.cond(fill > 0, flush_all, lambda f: f, fill)
    plsc.subcore_barrier()
    pltpu.sync_copy(acc.at[pl.ds(rbase, STRIPE)],
                    upd0_h.at[cid, pl.ds(rbase, STRIPE)])


def _sc_layer0(ei, et, h0b, qrel_ext, zrows):
    mesh = plsc.VectorSubcoreMesh(core_axis_name="c", subcore_axis_name="s")
    return pl.kernel(
        _sc0_body,
        out_type=jax.ShapeDtypeStruct((NC, NPAD, D), _f32),
        mesh=mesh,
        compiler_params=pltpu.CompilerParams(needs_layout_passes=False),
        scratch_types=[
            pltpu.VMEM((EPT,), _i32),
            pltpu.VMEM((EPT,), _i32),
            pltpu.VMEM((EPT,), _i32),
            pltpu.VMEM((16,), _i32),
            pltpu.VMEM((SCAP,), _i32),
            pltpu.VMEM((SCAP,), _i32),
            pltpu.VMEM((CH,), _i32),
            pltpu.VMEM((CH,), _i32),
            pltpu.VMEM((CH, D), _f32),
            pltpu.VMEM_SHARED((NPAD, D), _f32),
            pltpu.SemaphoreType.DMA,
            pltpu.SemaphoreType.DMA,
            pltpu.SemaphoreType.DMA,
            pltpu.SemaphoreType.DMA,
        ],
    )(ei, et, h0b, qrel_ext, zrows)


def _dense_body(h0_ref, updp_ref, lw0_ref, lb0_ref, c0_ref, x1_ref):
    i = pl.program_id(0)
    u = updp_ref[0] + updp_ref[1]
    h = jnp.dot(u, lw0_ref[...][:D, :], preferred_element_type=_f32)
    h = h + lb0_ref[...]
    rows = i * x1_ref.shape[0] + lax.broadcasted_iota(
        _i32, (x1_ref.shape[0], 1), 0)
    h = h + jnp.where(rows == h0_ref[0, 0], 1.0, 0.0) * c0_ref[...]
    x1_ref[...] = jnp.maximum(h, 0.0)


def _dense(upd0p, lin_w0, lb0, c0, h0s):
    bm = 1024
    return pl.pallas_call(
        _dense_body,
        grid=(NPAD // bm,),
        out_shape=jax.ShapeDtypeStruct((NPAD, D), _f32),
        in_specs=[
            pl.BlockSpec(memory_space=pltpu.SMEM),
            pl.BlockSpec((NC, bm, D), lambda i: (0, i, 0)),
            pl.BlockSpec((2 * D, D), lambda i: (0, 0)),
            pl.BlockSpec((1, D), lambda i: (0, 0)),
            pl.BlockSpec((1, D), lambda i: (0, 0)),
        ],
        out_specs=pl.BlockSpec((bm, D), lambda i: (i, 0)),
    )(h0s, upd0p, lin_w0, lb0, c0)


def _sc1_body(ei_h, et_h, t16_h, x1_h, rel1_h, z16_h,
              upd1_h, x1t_h, e0_v, e1_v, et_v, t_v, sstage, dstage, rstage,
              sidx, didx, ridx, xbuf, relb, acc, sem1, sem2,
              sma, smb, smc):
    cid = lax.axis_index("c")
    sid = lax.axis_index("s")
    base = sid * EPT

    def stage_fwd():
        pltpu.async_copy(ei_h.at[pl.ds(base, EPT)], e0_v, sma)
        pltpu.async_copy(ei_h.at[pl.ds(N_EDGE + base, EPT)], e1_v, smb)

    def stage_rev():
        pltpu.async_copy(ei_h.at[pl.ds(N_EDGE + base, EPT)], e0_v, sma)
        pltpu.async_copy(ei_h.at[pl.ds(base, EPT)], e1_v, smb)

    pl.when(cid == 0)(stage_fwd)
    pl.when(cid != 0)(stage_rev)
    pltpu.async_copy(et_h.at[pl.ds(base, EPT)], et_v, smc)
    pltpu.sync_copy(t16_h, t_v)

    def zero_targets():
        pltpu.sync_copy(z16_h, xbuf.at[pl.ds(0, NNEG)])
        pltpu.sync_copy(xbuf.at[pl.ds(0, NNEG)], acc.at[t_v])

    pl.when(sid == 0)(zero_targets)
    plsc.subcore_barrier()
    pltpu.make_async_copy(ei_h.at[pl.ds(base, EPT)], e0_v, sma).wait()
    pltpu.make_async_copy(ei_h.at[pl.ds(base, EPT)], e1_v, smb).wait()
    pltpu.make_async_copy(et_h.at[pl.ds(base, EPT)], et_v, smc).wait()

    tvec = t_v[...]
    lanes = lax.iota(_i32, 16)
    tb = [jnp.broadcast_to(
        jnp.max(jnp.where(lanes == j, tvec, jnp.full((16,), -1, _i32))),
        (16,)) for j in range(NNEG)]

    roffv = jnp.full((16,), cid * N_REL, _i32)
    dumv = jnp.full((16,), DUMMY, _i32)
    zrv = jnp.full((16,), ZROW, _i32)
    full_m = jnp.full((16,), True)

    def fbody(c, carry):
        off = c * CH
        for g in range(CH // 16):
            sidx[pl.ds(g * 16, 16)] = sstage[pl.ds(off + g * 16, 16)]
            didx[pl.ds(g * 16, 16)] = dstage[pl.ds(off + g * 16, 16)]
            ridx[pl.ds(g * 16, 16)] = rstage[pl.ds(off + g * 16, 16)]
        g1 = pltpu.async_copy(x1_h.at[sidx], xbuf, sem1)
        g2 = pltpu.async_copy(rel1_h.at[ridx], relb, sem2)
        g1.wait()
        g2.wait()
        for g in range(CH // 16):
            rows = g * 16 + lanes

            def colbody(c2, cc):
                cv = jnp.full((16,), c2, _i32)
                xcol = plsc.load_gather(xbuf, [rows, cv])
                rcol = plsc.load_gather(relb, [rows, cv])
                plsc.store_scatter(xbuf, [rows, cv], xcol * rcol)
                return cc

            lax.fori_loop(0, D, colbody, 0)
        pltpu.sync_copy(xbuf, acc.at[didx], add=True)
        return carry

    def flush_all(fill):
        for p in (0, 16):
            plsc.store_compressed(sstage.at[pl.ds(fill + p, 16)], dumv,
                                  mask=full_m)
            plsc.store_compressed(dstage.at[pl.ds(fill + p, 16)], dumv,
                                  mask=full_m)
            plsc.store_compressed(rstage.at[pl.ds(fill + p, 16)], zrv,
                                  mask=full_m)
        lax.fori_loop(0, (fill + CH - 1) // CH, fbody, 0)
        return 0

    def body(i, fill):
        ms = []
        for u in range(U):
            dv = e1_v[pl.ds((i * U + u) * 16, 16)]
            m = dv == tb[0]
            for j in range(1, NNEG):
                m = m | (dv == tb[j])
            ms.append(m)
        anym = ms[0]
        for u in range(1, U):
            anym = anym | ms[u]
        cnt = plsc.all_reduce_population_count(anym)[0]

        def stage(f):
            for u in range(U):
                sv = e0_v[pl.ds((i * U + u) * 16, 16)]
                dv = e1_v[pl.ds((i * U + u) * 16, 16)]
                rv = et_v[pl.ds((i * U + u) * 16, 16)] + roffv
                plsc.store_compressed(sstage.at[pl.ds(f, 16)], sv, mask=ms[u])
                plsc.store_compressed(dstage.at[pl.ds(f, 16)], dv, mask=ms[u])
                plsc.store_compressed(rstage.at[pl.ds(f, 16)], rv, mask=ms[u])
                f = f + plsc.all_reduce_population_count(ms[u])[0]
            return f

        fill = lax.cond(cnt > 0, stage, lambda f: f, fill)
        return lax.cond(fill >= SFL, flush_all, lambda f: f, fill)

    fill = lax.fori_loop(0, NV // U, body, 0)
    lax.cond(fill > 0, flush_all, lambda f: f, fill)
    plsc.subcore_barrier()

    def readout():
        pltpu.sync_copy(acc.at[t_v], xbuf.at[pl.ds(0, NNEG)])
        pltpu.sync_copy(xbuf.at[pl.ds(0, NNEG)], upd1_h.at[cid])

    pl.when(sid == 0)(readout)

    def x1t_out():
        pltpu.sync_copy(x1_h.at[t_v], relb.at[pl.ds(0, NNEG)])
        pltpu.sync_copy(relb.at[pl.ds(0, NNEG)], x1t_h)

    pl.when((sid == 1) & (cid == 0))(x1t_out)


def _sc_layer1(ei, et, t16, x1, rel1_ext, z16):
    mesh = plsc.VectorSubcoreMesh(core_axis_name="c", subcore_axis_name="s")
    return pl.kernel(
        _sc1_body,
        out_type=(jax.ShapeDtypeStruct((NC, NNEG, D), _f32),
                  jax.ShapeDtypeStruct((NNEG, D), _f32)),
        mesh=mesh,
        compiler_params=pltpu.CompilerParams(needs_layout_passes=False),
        scratch_types=[
            pltpu.VMEM((EPT,), _i32),
            pltpu.VMEM((EPT,), _i32),
            pltpu.VMEM((EPT,), _i32),
            pltpu.VMEM((16,), _i32),
            pltpu.VMEM((SCAP,), _i32),
            pltpu.VMEM((SCAP,), _i32),
            pltpu.VMEM((SCAP,), _i32),
            pltpu.VMEM((CH,), _i32),
            pltpu.VMEM((CH,), _i32),
            pltpu.VMEM((CH,), _i32),
            pltpu.VMEM((CH, D), _f32),
            pltpu.VMEM((CH, D), _f32),
            pltpu.VMEM_SHARED((NPAD, D), _f32),
            pltpu.SemaphoreType.DMA,
            pltpu.SemaphoreType.DMA,
            pltpu.SemaphoreType.DMA,
            pltpu.SemaphoreType.DMA,
            pltpu.SemaphoreType.DMA,
        ],
    )(ei, et, t16, x1, rel1_ext, z16)


def _final_body(h0_ref, updp_ref, tcol_ref, qv_ref, lw1_ref, lb1_ref,
                mw0_ref, mb0_ref, mw1_ref, mb1_ref, xt, out_ref):
    upd1 = updp_ref[0] + updp_ref[1]
    bmask = jnp.where(tcol_ref[...] == h0_ref[0, 0], 1.0, 0.0)
    upd1 = upd1 + bmask * qv_ref[...]
    x2 = jnp.dot(upd1, lw1_ref[...][:D, :], preferred_element_type=_f32)
    x2 = x2 + jnp.dot(xt[...], lw1_ref[...][D:, :],
                      preferred_element_type=_f32) + lb1_ref[...]
    x2 = jnp.maximum(x2, 0.0)
    cat = jnp.concatenate([x2, jnp.broadcast_to(qv_ref[...], (NNEG, D))],
                          axis=1)
    hmid = jnp.maximum(jnp.dot(cat, mw0_ref[...],
                               preferred_element_type=_f32) + mb0_ref[...],
                       0.0)
    score = jnp.sum(hmid * mw1_ref[...], axis=1, keepdims=True) + mb1_ref[...]
    out_ref[...] = score


def _final(h0s, upd1p, tcol, qv, lin_w1, lb1, mlp_w0, mb0, mw1r, mb1, x1t):
    return pl.pallas_call(
        _final_body,
        out_shape=jax.ShapeDtypeStruct((NNEG, 1), _f32),
        in_specs=[
            pl.BlockSpec(memory_space=pltpu.SMEM),
            pl.BlockSpec(memory_space=pltpu.VMEM),
            pl.BlockSpec(memory_space=pltpu.VMEM),
            pl.BlockSpec(memory_space=pltpu.VMEM),
            pl.BlockSpec(memory_space=pltpu.VMEM),
            pl.BlockSpec(memory_space=pltpu.VMEM),
            pl.BlockSpec(memory_space=pltpu.VMEM),
            pl.BlockSpec(memory_space=pltpu.VMEM),
            pl.BlockSpec(memory_space=pltpu.VMEM),
            pl.BlockSpec(memory_space=pltpu.VMEM),
            pl.BlockSpec(memory_space=pltpu.VMEM),
        ],
    )(h0s, upd1p, tcol, qv, lin_w1, lb1, mlp_w0, mb0, mw1r, mb1, x1t)


def kernel(edge_index, edge_type, h_index, t_index, r_index, query_emb,
           rel_w0, rel_b0, lin_w0, lin_b0, rel_w1, rel_b1, lin_w1, lin_b1,
           mlp_w0, mlp_b0, mlp_w1, mlp_b1):
    eif = edge_index.reshape(2 * N_EDGE)
    et = edge_type
    h0b = jnp.full((16,), h_index[0, 0], _i32)
    t16 = t_index[0]
    tcol = t_index.reshape(NNEG, 1)
    h0s = h_index.reshape(1, 1)
    r0s = r_index.reshape(1, 1)
    zrows = jnp.zeros((STRIPE, D), _f32)
    z16 = jnp.zeros((NNEG, D), _f32)

    qrel_ext, rel1_ext, qv, c0 = _prep(
        query_emb, r0s, rel_w0, rel_b0.reshape(1, -1),
        rel_w1, rel_b1.reshape(1, -1), lin_w0)

    upd0p = _sc_layer0(eif, et, h0b, qrel_ext, zrows)
    x1 = _dense(upd0p, lin_w0, lin_b0.reshape(1, D), c0, h0s)
    upd1p, x1t = _sc_layer1(eif, et, t16, x1, rel1_ext, z16)
    score = _final(h0s, upd1p, tcol, qv, lin_w1, lin_b1.reshape(1, D),
                   mlp_w0, mlp_b0.reshape(1, -1), mlp_w1.reshape(1, -1),
                   mlp_b1.reshape(1, 1), x1t)
    return score.reshape(1, NNEG)

# --- scband reference (transcript-rebuilt; emitter-appended) ---
"""Pipeline reference for scband-neural-bellman-ford-network-28346784154118 (READ-ONLY COPY).

The authoritative reference and input builder live on the scoring server;
editing this copy changes nothing except your own understanding.
"""

import jax, jax.numpy as jnp
import numpy as np

NUM_NODE = 10000
NUM_REL = 16
NUM_EDGE = 160000
D = 128
B = 1
NNEG = 16


def setup_inputs(seed: int = 0) -> dict:
    key = jax.random.key(seed)
    ks = jax.random.split(key, 18)
    inp = {}
    inp["edge_index"] = jax.random.randint(ks[0], (2, NUM_EDGE), 0, NUM_NODE, dtype=jnp.int32)
    inp["edge_type"] = jax.random.randint(ks[1], (NUM_EDGE,), 0, NUM_REL, dtype=jnp.int32)
    inp["h_index"] = jax.random.randint(ks[2], (B, 1), 0, NUM_NODE, dtype=jnp.int32)
    inp["t_index"] = jax.random.randint(ks[3], (B, NNEG), 0, NUM_NODE, dtype=jnp.int32)
    inp["r_index"] = jax.random.randint(ks[4], (B, 1), 0, NUM_REL, dtype=jnp.int32)
    dr = 2 * NUM_REL
    inp["query_emb"] = jax.random.normal(ks[5], (dr, D), dtype=jnp.float32) * 0.1
    inp["rel_w0"] = jax.random.normal(ks[6], (D, dr * D), dtype=jnp.float32) * (1.0 / np.sqrt(D))
    inp["rel_b0"] = jnp.zeros((dr * D,), dtype=jnp.float32)
    inp["lin_w0"] = jax.random.normal(ks[7], (2 * D, D), dtype=jnp.float32) * (1.0 / np.sqrt(2 * D))
    inp["lin_b0"] = jnp.zeros((D,), dtype=jnp.float32)
    inp["rel_w1"] = jax.random.normal(ks[8], (D, dr * D), dtype=jnp.float32) * (1.0 / np.sqrt(D))
    inp["rel_b1"] = jnp.zeros((dr * D,), dtype=jnp.float32)
    inp["lin_w1"] = jax.random.normal(ks[9], (2 * D, D), dtype=jnp.float32) * (1.0 / np.sqrt(2 * D))
    inp["lin_b1"] = jnp.zeros((D,), dtype=jnp.float32)
    F = 2 * D
    inp["mlp_w0"] = jax.random.normal(ks[10], (F, F), dtype=jnp.float32) * (1.0 / np.sqrt(F))
    inp["mlp_b0"] = jnp.zeros((F,), dtype=jnp.float32)
    inp["mlp_w1"] = jax.random.normal(ks[11], (F, 1), dtype=jnp.float32) * (1.0 / np.sqrt(F))
    inp["mlp_b1"] = jnp.zeros((1,), dtype=jnp.float32)
    return inp


def reference(edge_index, edge_type, h_index, t_index, r_index,
              query_emb, rel_w0, rel_b0, lin_w0, lin_b0,
              rel_w1, rel_b1, lin_w1, lin_b1,
              mlp_w0, mlp_b0, mlp_w1, mlp_b1):
    # NBFNet forward: undirected graph w/ inverse relations, Bellman-Ford
    # message passing (distmult message, sum aggregation, dependent relations),
    # then per-(h, r, t) scoring MLP.
    src, dst = edge_index[0], edge_index[1]
    src_u = jnp.concatenate([src, dst])
    dst_u = jnp.concatenate([dst, src])
    rel_u = jnp.concatenate([edge_type, edge_type + NUM_REL])
    # negative_sample_to_tail is the identity here: h_index constant per row,
    # all negatives are tail negatives.
    h0 = h_index[:, 0]
    r0 = r_index[:, 0]
    query = query_emb[r0]  # [B, D]
    b = query.shape[0]
    boundary = jnp.zeros((NUM_NODE, b, D), dtype=query.dtype)
    boundary = boundary.at[h0, jnp.arange(b)].add(query)
    node_ids = jnp.arange(NUM_NODE, dtype=dst_u.dtype)
    out_idx = jnp.concatenate([dst_u, node_ids])
    layer_input = boundary
    for rw, rb, lw, lb in ((rel_w0, rel_b0, lin_w0, lin_b0),
                           (rel_w1, rel_b1, lin_w1, lin_b1)):
        relation = (query @ rw + rb).reshape(b, 2 * NUM_REL, D)  # dependent relation embeddings
        rel_pe = jnp.transpose(relation[:, rel_u], (1, 0, 2))  # [E_u, B, D]
        msg = layer_input[src_u] * rel_pe  # distmult message
        msg = jnp.concatenate([msg, boundary], axis=0)  # augment with boundary
        update = jax.ops.segment_sum(msg, out_idx, num_segments=NUM_NODE)
        hidden = jnp.concatenate([update, layer_input], axis=-1) @ lw + lb
        layer_input = jax.nn.relu(hidden)
    node_query = jnp.broadcast_to(query[None], (NUM_NODE, b, D))
    output = jnp.concatenate([layer_input, node_query], axis=-1)  # [N, B, 2D]
    feature = jnp.transpose(output, (1, 0, 2))  # [B, N, 2D]
    feat = feature[jnp.arange(b)[:, None], t_index]  # gather tails [B, NNEG, 2D]
    hmid = jax.nn.relu(feat @ mlp_w0 + mlp_b0)
    score = (hmid @ mlp_w1 + mlp_b1)[..., 0]
    return score

if __name__ == "__main__":
    import jax
    _d = setup_inputs()
    print(jax.jit(kernel)(*tuple(_d.values())))

</pallas_src>

<mosaic_0001>
#map = affine_map<(d0, d1) -> (0)>
#map1 = affine_map<(d0, d1) -> (0, 0)>
#map2 = affine_map<(d0, d1) -> (0, 0, 0)>
module attributes {stable_mosaic.version = 14 : i64} {
  func.func @_sc1_body(%arg0: i32, %arg1: i32, %arg2: memref<320000xi32, #tpu.memory_space<hbm>>, %arg3: memref<160000xi32, #tpu.memory_space<hbm>>, %arg4: memref<16xi32, #tpu.memory_space<hbm>>, %arg5: memref<10240x128xf32, #tpu.memory_space<hbm>>, %arg6: memref<40x128xf32, #tpu.memory_space<hbm>>, %arg7: memref<16x128xf32, #tpu.memory_space<hbm>>, %arg8: memref<2x16x128xf32, #tpu.memory_space<hbm>>, %arg9: memref<16x128xf32, #tpu.memory_space<hbm>>, %arg10: memref<10000xi32, #tpu.memory_space<vmem>>, %arg11: memref<10000xi32, #tpu.memory_space<vmem>>, %arg12: memref<10000xi32, #tpu.memory_space<vmem>>, %arg13: memref<16xi32, #tpu.memory_space<vmem>>, %arg14: memref<2240xi32, #tpu.memory_space<vmem>>, %arg15: memref<2240xi32, #tpu.memory_space<vmem>>, %arg16: memref<2240xi32, #tpu.memory_space<vmem>>, %arg17: memref<32xi32, #tpu.memory_space<vmem>>, %arg18: memref<32xi32, #tpu.memory_space<vmem>>, %arg19: memref<32xi32, #tpu.memory_space<vmem>>, %arg20: memref<32x128xf32, #tpu.memory_space<vmem>>, %arg21: memref<32x128xf32, #tpu.memory_space<vmem>>, %arg22: memref<10240x128xf32, #tpu.memory_space<vmem_shared>>, %arg23: memref<!tpu.dma_semaphore, #tpu.memory_space<semaphore_mem>>, %arg24: memref<!tpu.dma_semaphore, #tpu.memory_space<semaphore_mem>>, %arg25: memref<!tpu.dma_semaphore, #tpu.memory_space<semaphore_mem>>, %arg26: memref<!tpu.dma_semaphore, #tpu.memory_space<semaphore_mem>>, %arg27: memref<!tpu.dma_semaphore, #tpu.memory_space<semaphore_mem>>) attributes {dimension_semantics = [#tpu.dimension_semantics<core_parallel>, #tpu.dimension_semantics<subcore_parallel>], iteration_bounds = array<i64: 2, 16>, scalar_prefetch = 0 : i64, scratch_operands = 18 : i64, tpu.core_type = #tpu.core_type<sc_vector_subcore>, window_params = [{transform_indices = #map}, {transform_indices = #map}, {transform_indices = #map}, {transform_indices = #map1}, {transform_indices = #map1}, {transform_indices = #map1}, {transform_indices = #map2}, {transform_indices = #map1}]} {
    %mul3A = arith.constant 10000 : i32
    %mul3A_0 = arith.muli %arg1, %mul3A : i32
    %eq3A = arith.constant 0 : i32
    %eq3A_1 = arith.cmpi eq, %arg0, %eq3A : i32
    %convert_element_type3A = arith.extui %eq3A_1 : i1 to i32
    %cond3A = arith.constant 0 : i32
    %cond3A_2 = arith.cmpi ne, %convert_element_type3A, %cond3A : i32
    scf.if %cond3A_2 {
      %dma_start3A_289 = tpu.memref_slice %arg2[%mul3A_0] : memref<320000xi32, #tpu.memory_space<hbm>> -> memref<10000xi32, #tpu.memory_space<hbm>>
      %dma_start3A_290 = tpu.memref_slice %arg2[%mul3A_0] : memref<320000xi32, #tpu.memory_space<hbm>> -> memref<10000xi32, #tpu.memory_space<hbm>>
      tpu.enqueue_dma source(%dma_start3A_290 : memref<10000xi32, #tpu.memory_space<hbm>>) target(%arg10 : memref<10000xi32, #tpu.memory_space<vmem>>) target_semaphore(%arg25 : memref<!tpu.dma_semaphore, #tpu.memory_space<semaphore_mem>>)
      %add3A = arith.constant 160000 : i32
      %add3A_291 = arith.addi %add3A, %mul3A_0 : i32
      %dma_start3A_292 = tpu.memref_slice %arg2[%add3A_291] : memref<320000xi32, #tpu.memory_space<hbm>> -> memref<10000xi32, #tpu.memory_space<hbm>>
      %dma_start3A_293 = tpu.memref_slice %arg2[%add3A_291] : memref<320000xi32, #tpu.memory_space<hbm>> -> memref<10000xi32, #tpu.memory_space<hbm>>
      tpu.enqueue_dma source(%dma_start3A_293 : memref<10000xi32, #tpu.memory_space<hbm>>) target(%arg11 : memref<10000xi32, #tpu.memory_space<vmem>>) target_semaphore(%arg26 : memref<!tpu.dma_semaphore, #tpu.memory_space<semaphore_mem>>)
    } else {
    }
    %ne3A = arith.constant 0 : i32
    %ne3A_3 = arith.cmpi ne, %arg0, %ne3A : i32
    %convert_element_type3A_4 = arith.extui %ne3A_3 : i1 to i32
    %cond3A_5 = arith.constant 0 : i32
    %cond3A_6 = arith.cmpi ne, %convert_element_type3A_4, %cond3A_5 : i32
    scf.if %cond3A_6 {
      %add3A = arith.constant 160000 : i32
      %add3A_289 = arith.addi %add3A, %mul3A_0 : i32
      %dma_start3A_290 = tpu.memref_slice %arg2[%add3A_289] : memref<320000xi32, #tpu.memory_space<hbm>> -> memref<10000xi32, #tpu.memory_space<hbm>>
      %dma_start3A_291 = tpu.memref_slice %arg2[%add3A_289] : memref<320000xi32, #tpu.memory_space<hbm>> -> memref<10000xi32, #tpu.memory_space<hbm>>
      tpu.enqueue_dma source(%dma_start3A_291 : memref<10000xi32, #tpu.memory_space<hbm>>) target(%arg10 : memref<10000xi32, #tpu.memory_space<vmem>>) target_semaphore(%arg25 : memref<!tpu.dma_semaphore, #tpu.memory_space<semaphore_mem>>)
      %dma_start3A_292 = tpu.memref_slice %arg2[%mul3A_0] : memref<320000xi32, #tpu.memory_space<hbm>> -> memref<10000xi32, #tpu.memory_space<hbm>>
      %dma_start3A_293 = tpu.memref_slice %arg2[%mul3A_0] : memref<320000xi32, #tpu.memory_space<hbm>> -> memref<10000xi32, #tpu.memory_space<hbm>>
      tpu.enqueue_dma source(%dma_start3A_293 : memref<10000xi32, #tpu.memory_space<hbm>>) target(%arg11 : memref<10000xi32, #tpu.memory_space<vmem>>) target_semaphore(%arg26 : memref<!tpu.dma_semaphore, #tpu.memory_space<semaphore_mem>>)
    } else {
    }
    %dma_start3A = tpu.memref_slice %arg3[%mul3A_0] : memref<160000xi32, #tpu.memory_space<hbm>> -> memref<10000xi32, #tpu.memory_space<hbm>>
    %dma_start3A_7 = tpu.memref_slice %arg3[%mul3A_0] : memref<160000xi32, #tpu.memory_space<hbm>> -> memref<10000xi32, #tpu.memory_space<hbm>>
    tpu.enqueue_dma source(%dma_start3A_7 : memref<10000xi32, #tpu.memory_space<hbm>>) target(%arg12 : memref<10000xi32, #tpu.memory_space<vmem>>) target_semaphore(%arg27 : memref<!tpu.dma_semaphore, #tpu.memory_space<semaphore_mem>>)
    "tpu.region"() ({
      %run_scoped3A = tpu.sem_alloc : memref<!tpu.dma_semaphore, #tpu.memory_space<semaphore_mem>>
      tpu.enqueue_dma source(%arg4 : memref<16xi32, #tpu.memory_space<hbm>>) target(%arg13 : memref<16xi32, #tpu.memory_space<vmem>>) target_semaphore(%run_scoped3A : memref<!tpu.dma_semaphore, #tpu.memory_space<semaphore_mem>>)
      tpu.wait_dma2 semaphore(%run_scoped3A : memref<!tpu.dma_semaphore, #tpu.memory_space<semaphore_mem>>) src(%arg4 : memref<16xi32, #tpu.memory_space<hbm>>) dst(%arg13 : memref<16xi32, #tpu.memory_space<vmem>>)
      tpu.yield
    }) : () -> ()
    %eq3A_8 = arith.constant 0 : i32
    %eq3A_9 = arith.cmpi eq, %arg1, %eq3A_8 : i32
    %convert_element_type3A_10 = arith.extui %eq3A_9 : i1 to i32
    %cond3A_11 = arith.constant 0 : i32
    %cond3A_12 = arith.cmpi ne, %convert_element_type3A_10, %cond3A_11 : i32
    scf.if %cond3A_12 {
      "tpu.region"() ({
        %run_scoped3A = tpu.sem_alloc : memref<!tpu.dma_semaphore, #tpu.memory_space<semaphore_mem>>
        %dma_start3A_289 = arith.constant 0 : i32
        %dma_start3A_290 = arith.constant 0 : i32
        %dma_start3A_291 = tpu.memref_slice %arg20[%dma_start3A_289, %dma_start3A_290] : memref<32x128xf32, #tpu.memory_space<vmem>> -> memref<16x128xf32, #tpu.memory_space<vmem>>
        %dma_start3A_292 = arith.constant 0 : i32
        %dma_start3A_293 = arith.constant 0 : i32
        %dma_start3A_294 = tpu.memref_slice %arg20[%dma_start3A_292, %dma_start3A_293] : memref<32x128xf32, #tpu.memory_space<vmem>> -> memref<16x128xf32, #tpu.memory_space<vmem>>
        tpu.enqueue_dma source(%arg7 : memref<16x128xf32, #tpu.memory_space<hbm>>) target(%dma_start3A_294 : memref<16x128xf32, #tpu.memory_space<vmem>>) target_semaphore(%run_scoped3A : memref<!tpu.dma_semaphore, #tpu.memory_space<semaphore_mem>>)
        %dma_wait3A_295 = arith.constant 0 : i32
        %dma_wait3A_296 = arith.constant 0 : i32
        %dma_wait3A_297 = tpu.memref_slice %arg20[%dma_wait3A_295, %dma_wait3A_296] : memref<32x128xf32, #tpu.memory_space<vmem>> -> memref<16x128xf32, #tpu.memory_space<vmem>>
        %dma_wait3A_298 = arith.constant 0 : i32
        %dma_wait3A_299 = arith.constant 0 : i32
        %dma_wait3A_300 = tpu.memref_slice %arg20[%dma_wait3A_298, %dma_wait3A_299] : memref<32x128xf32, #tpu.memory_space<vmem>> -> memref<16x128xf32, #tpu.memory_space<vmem>>
        tpu.wait_dma2 semaphore(%run_scoped3A : memref<!tpu.dma_semaphore, #tpu.memory_space<semaphore_mem>>) src(%arg7 : memref<16x128xf32, #tpu.memory_space<hbm>>) dst(%dma_wait3A_300 : memref<16x128xf32, #tpu.memory_space<vmem>>)
        tpu.yield
      }) : () -> ()
      "tpu.region"() ({
        %run_scoped3A = tpu.sem_alloc : memref<!tpu.dma_semaphore, #tpu.memory_space<semaphore_mem>>
        %dma_start3A_289 = arith.constant 0 : i32
        %dma_start3A_290 = arith.constant 0 : i32
        %dma_start3A_291 = tpu.memref_slice %arg20[%dma_start3A_289, %dma_start3A_290] : memref<32x128xf32, #tpu.memory_space<vmem>> -> memref<16x128xf32, #tpu.memory_space<vmem>>
        %dma_start3A_292 = arith.constant 0 : i32
        %dma_start3A_293 = arith.constant 0 : i32
        %dma_start3A_294 = tpu.memref_slice %arg22[%dma_start3A_292, %dma_start3A_293] : memref<10240x128xf32, #tpu.memory_space<vmem_shared>> -> memref<10240x128xf32, #tpu.memory_space<vmem_shared>>
        tpu.enqueue_indirect_dma source(%dma_start3A_291 : memref<16x128xf32, #tpu.memory_space<vmem>>) target(%dma_start3A_294 : memref<10240x128xf32, #tpu.memory_space<vmem_shared>>) offsets(%arg13 : memref<16xi32, #tpu.memory_space<vmem>>) semaphore(%run_scoped3A : memref<!tpu.dma_semaphore, #tpu.memory_space<semaphore_mem>>)
        %dma_wait3A_295 = arith.constant 0 : i32
        %dma_wait3A_296 = arith.constant 0 : i32
        %dma_wait3A_297 = tpu.memref_slice %arg20[%dma_wait3A_295, %dma_wait3A_296] : memref<32x128xf32, #tpu.memory_space<vmem>> -> memref<16x128xf32, #tpu.memory_space<vmem>>
        %dma_wait3A_298 = arith.constant 0 : i32
        %dma_wait3A_299 = arith.constant 0 : i32
        %dma_wait3A_300 = tpu.memref_slice %arg22[%dma_wait3A_298, %dma_wait3A_299] : memref<10240x128xf32, #tpu.memory_space<vmem_shared>> -> memref<10240x128xf32, #tpu.memory_space<vmem_shared>>
        tpu.wait_indirect_dma semaphore(%run_scoped3A : memref<!tpu.dma_semaphore, #tpu.memory_space<semaphore_mem>>) src(%dma_wait3A_297 : memref<16x128xf32, #tpu.memory_space<vmem>>) dst(%dma_wait3A_300 : memref<10240x128xf32, #tpu.memory_space<vmem_shared>>)
        tpu.yield
      }) : () -> ()
    } else {
    }
    %barrier3A = arith.constant 0 : index
    tpu.barrier barrier_id(%barrier3A)
    %dma_wait3A = tpu.memref_slice %arg2[%mul3A_0] : memref<320000xi32, #tpu.memory_space<hbm>> -> memref<10000xi32, #tpu.memory_space<hbm>>
    %dma_wait3A_13 = tpu.memref_slice %arg2[%mul3A_0] : memref<320000xi32, #tpu.memory_space<hbm>> -> memref<10000xi32, #tpu.memory_space<hbm>>
    tpu.wait_dma2 semaphore(%arg25 : memref<!tpu.dma_semaphore, #tpu.memory_space<semaphore_mem>>) src(%dma_wait3A_13 : memref<10000xi32, #tpu.memory_space<hbm>>) dst(%arg10 : memref<10000xi32, #tpu.memory_space<vmem>>)
    %dma_wait3A_14 = tpu.memref_slice %arg2[%mul3A_0] : memref<320000xi32, #tpu.memory_space<hbm>> -> memref<10000xi32, #tpu.memory_space<hbm>>
    %dma_wait3A_15 = tpu.memref_slice %arg2[%mul3A_0] : memref<320000xi32, #tpu.memory_space<hbm>> -> memref<10000xi32, #tpu.memory_space<hbm>>
    tpu.wait_dma2 semaphore(%arg26 : memref<!tpu.dma_semaphore, #tpu.memory_space<semaphore_mem>>) src(%dma_wait3A_15 : memref<10000xi32, #tpu.memory_space<hbm>>) dst(%arg11 : memref<10000xi32, #tpu.memory_space<vmem>>)
    %dma_wait3A_16 = tpu.memref_slice %arg3[%mul3A_0] : memref<160000xi32, #tpu.memory_space<hbm>> -> memref<10000xi32, #tpu.memory_space<hbm>>
    %dma_wait3A_17 = tpu.memref_slice %arg3[%mul3A_0] : memref<160000xi32, #tpu.memory_space<hbm>> -> memref<10000xi32, #tpu.memory_space<hbm>>
    tpu.wait_dma2 semaphore(%arg27 : memref<!tpu.dma_semaphore, #tpu.memory_space<semaphore_mem>>) src(%dma_wait3A_17 : memref<10000xi32, #tpu.memory_space<hbm>>) dst(%arg12 : memref<10000xi32, #tpu.memory_space<vmem>>)
    %get3A = arith.constant 0 : index
    %get3A_18 = tpu.vector_load %arg13[%get3A] {strides = array<i32>} : memref<16xi32, #tpu.memory_space<vmem>>, vector<16xi32>,
    %iota3A = tpu.iota {dimensions = array<i32: 0>} : vector<16xi32>
    %eq3A_19 = arith.constant 0 : i32
    %eq3A_20 = vector.broadcast %eq3A_19 : i32 to vector<16xi32>
    %eq3A_21 = arith.cmpi eq, %iota3A, %eq3A_20 : vector<16xi32>
    %broadcast_in_dim3A = arith.constant -1 : i32
    %broadcast_in_dim3A_22 = vector.broadcast %broadcast_in_dim3A : i32 to vector<16xi32>
    %select_n3A = arith.select %eq3A_21, %get3A_18, %broadcast_in_dim3A_22 : vector<16xi1>, vector<16xi32>
    %reduce_max3A = arith.constant true
    %reduce_max3A_23 = vector.broadcast %reduce_max3A : i1 to vector<16xi1>
    %reduce_max3A_24 = arith.constant -2147483648 : i32
    %reduce_max3A_25 = vector.broadcast %reduce_max3A_24 : i32 to vector<16xi32>
    %reduce_max3A_26 = arith.xori %select_n3A, %reduce_max3A_25 : vector<16xi32>
    %reduce_max3A_27 = tpu.scan <max>, %reduce_max3A_26 masked %reduce_max3A_23 : vector<16xi32>, vector<16xi1> -> vector<16xi32>
    %reduce_max3A_28 = arith.xori %reduce_max3A_27, %reduce_max3A_25 : vector<16xi32>
    %reduce_max3A_29 = vector.extract %reduce_max3A_28[15] : i32 from vector<16xi32>
    %broadcast_in_dim3A_30 = vector.broadcast %reduce_max3A_29 : i32 to vector<16xi32>
    %eq3A_31 = arith.constant 1 : i32
    %eq3A_32 = vector.broadcast %eq3A_31 : i32 to vector<16xi32>
    %eq3A_33 = arith.cmpi eq, %iota3A, %eq3A_32 : vector<16xi32>
    %broadcast_in_dim3A_34 = arith.constant -1 : i32
    %broadcast_in_dim3A_35 = vector.broadcast %broadcast_in_dim3A_34 : i32 to vector<16xi32>
    %select_n3A_36 = arith.select %eq3A_33, %get3A_18, %broadcast_in_dim3A_35 : vector<16xi1>, vector<16xi32>
    %reduce_max3A_37 = arith.constant true
    %reduce_max3A_38 = vector.broadcast %reduce_max3A_37 : i1 to vector<16xi1>
    %reduce_max3A_39 = arith.constant -2147483648 : i32
    %reduce_max3A_40 = vector.broadcast %reduce_max3A_39 : i32 to vector<16xi32>
    %reduce_max3A_41 = arith.xori %select_n3A_36, %reduce_max3A_40 : vector<16xi32>
    %reduce_max3A_42 = tpu.scan <max>, %reduce_max3A_41 masked %reduce_max3A_38 : vector<16xi32>, vector<16xi1> -> vector<16xi32>
    %reduce_max3A_43 = arith.xori %reduce_max3A_42, %reduce_max3A_40 : vector<16xi32>
    %reduce_max3A_44 = vector.extract %reduce_max3A_43[15] : i32 from vector<16xi32>
    %broadcast_in_dim3A_45 = vector.broadcast %reduce_max3A_44 : i32 to vector<16xi32>
    %eq3A_46 = arith.constant 2 : i32
    %eq3A_47 = vector.broadcast %eq3A_46 : i32 to vector<16xi32>
    %eq3A_48 = arith.cmpi eq, %iota3A, %eq3A_47 : vector<16xi32>
    %broadcast_in_dim3A_49 = arith.constant -1 : i32
    %broadcast_in_dim3A_50 = vector.broadcast %broadcast_in_dim3A_49 : i32 to vector<16xi32>
    %select_n3A_51 = arith.select %eq3A_48, %get3A_18, %broadcast_in_dim3A_50 : vector<16xi1>, vector<16xi32>
    %reduce_max3A_52 = arith.constant true
    %reduce_max3A_53 = vector.broadcast %reduce_max3A_52 : i1 to vector<16xi1>
    %reduce_max3A_54 = arith.constant -2147483648 : i32
    %reduce_max3A_55 = vector.broadcast %reduce_max3A_54 : i32 to vector<16xi32>
    %reduce_max3A_56 = arith.xori %select_n3A_51, %reduce_max3A_55 : vector<16xi32>
    %reduce_max3A_57 = tpu.scan <max>, %reduce_max3A_56 masked %reduce_max3A_53 : vector<16xi32>, vector<16xi1> -> vector<16xi32>
    %reduce_max3A_58 = arith.xori %reduce_max3A_57, %reduce_max3A_55 : vector<16xi32>
    %reduce_max3A_59 = vector.extract %reduce_max3A_58[15] : i32 from vector<16xi32>
    %broadcast_in_dim3A_60 = vector.broadcast %reduce_max3A_59 : i32 to vector<16xi32>
    %eq3A_61 = arith.constant 3 : i32
    %eq3A_62 = vector.broadcast %eq3A_61 : i32 to vector<16xi32>
    %eq3A_63 = arith.cmpi eq, %iota3A, %eq3A_62 : vector<16xi32>
    %broadcast_in_dim3A_64 = arith.constant -1 : i32
    %broadcast_in_dim3A_65 = vector.broadcast %broadcast_in_dim3A_64 : i32 to vector<16xi32>
    %select_n3A_66 = arith.select %eq3A_63, %get3A_18, %broadcast_in_dim3A_65 : vector<16xi1>, vector<16xi32>
    %reduce_max3A_67 = arith.constant true
    %reduce_max3A_68 = vector.broadcast %reduce_max3A_67 : i1 to vector<16xi1>
    %reduce_max3A_69 = arith.constant -2147483648 : i32
    %reduce_max3A_70 = vector.broadcast %reduce_max3A_69 : i32 to vector<16xi32>
    %reduce_max3A_71 = arith.xori %select_n3A_66, %reduce_max3A_70 : vector<16xi32>
    %reduce_max3A_72 = tpu.scan <max>, %reduce_max3A_71 masked %reduce_max3A_68 : vector<16xi32>, vector<16xi1> -> vector<16xi32>
    %reduce_max3A_73 = arith.xori %reduce_max3A_72, %reduce_max3A_70 : vector<16xi32>
    %reduce_max3A_74 = vector.extract %reduce_max3A_73[15] : i32 from vector<16xi32>
    %broadcast_in_dim3A_75 = vector.broadcast %reduce_max3A_74 : i32 to vector<16xi32>
    %eq3A_76 = arith.constant 4 : i32
    %eq3A_77 = vector.broadcast %eq3A_76 : i32 to vector<16xi32>
    %eq3A_78 = arith.cmpi eq, %iota3A, %eq3A_77 : vector<16xi32>
    %broadcast_in_dim3A_79 = arith.constant -1 : i32
    %broadcast_in_dim3A_80 = vector.broadcast %broadcast_in_dim3A_79 : i32 to vector<16xi32>
    %select_n3A_81 = arith.select %eq3A_78, %get3A_18, %broadcast_in_dim3A_80 : vector<16xi1>, vector<16xi32>
    %reduce_max3A_82 = arith.constant true
    %reduce_max3A_83 = vector.broadcast %reduce_max3A_82 : i1 to vector<16xi1>
    %reduce_max3A_84 = arith.constant -2147483648 : i32
    %reduce_max3A_85 = vector.broadcast %reduce_max3A_84 : i32 to vector<16xi32>
    %reduce_max3A_86 = arith.xori %select_n3A_81, %reduce_max3A_85 : vector<16xi32>
    %reduce_max3A_87 = tpu.scan <max>, %reduce_max3A_86 masked %reduce_max3A_83 : vector<16xi32>, vector<16xi1> -> vector<16xi32>
    %reduce_max3A_88 = arith.xori %reduce_max3A_87, %reduce_max3A_85 : vector<16xi32>
    %reduce_max3A_89 = vector.extract %reduce_max3A_88[15] : i32 from vector<16xi32>
    %broadcast_in_dim3A_90 = vector.broadcast %reduce_max3A_89 : i32 to vector<16xi32>
    %eq3A_91 = arith.constant 5 : i32
    %eq3A_92 = vector.broadcast %eq3A_91 : i32 to vector<16xi32>
    %eq3A_93 = arith.cmpi eq, %iota3A, %eq3A_92 : vector<16xi32>
    %broadcast_in_dim3A_94 = arith.constant -1 : i32
    %broadcast_in_dim3A_95 = vector.broadcast %broadcast_in_dim3A_94 : i32 to vector<16xi32>
    %select_n3A_96 = arith.select %eq3A_93, %get3A_18, %broadcast_in_dim3A_95 : vector<16xi1>, vector<16xi32>
    %reduce_max3A_97 = arith.constant true
    %reduce_max3A_98 = vector.broadcast %reduce_max3A_97 : i1 to vector<16xi1>
    %reduce_max3A_99 = arith.constant -2147483648 : i32
    %reduce_max3A_100 = vector.broadcast %reduce_max3A_99 : i32 to vector<16xi32>
    %reduce_max3A_101 = arith.xori %select_n3A_96, %reduce_max3A_100 : vector<16xi32>
    %reduce_max3A_102 = tpu.scan <max>, %reduce_max3A_101 masked %reduce_max3A_98 : vector<16xi32>, vector<16xi1> -> vector<16xi32>
    %reduce_max3A_103 = arith.xori %reduce_max3A_102, %reduce_max3A_100 : vector<16xi32>
    %reduce_max3A_104 = vector.extract %reduce_max3A_103[15] : i32 from vector<16xi32>
    %broadcast_in_dim3A_105 = vector.broadcast %reduce_max3A_104 : i32 to vector<16xi32>
    %eq3A_106 = arith.constant 6 : i32
    %eq3A_107 = vector.broadcast %eq3A_106 : i32 to vector<16xi32>
    %eq3A_108 = arith.cmpi eq, %iota3A, %eq3A_107 : vector<16xi32>
    %broadcast_in_dim3A_109 = arith.constant -1 : i32
    %broadcast_in_dim3A_110 = vector.broadcast %broadcast_in_dim3A_109 : i32 to vector<16xi32>
    %select_n3A_111 = arith.select %eq3A_108, %get3A_18, %broadcast_in_dim3A_110 : vector<16xi1>, vector<16xi32>
    %reduce_max3A_112 = arith.constant true
    %reduce_max3A_113 = vector.broadcast %reduce_max3A_112 : i1 to vector<16xi1>
    %reduce_max3A_114 = arith.constant -2147483648 : i32
    %reduce_max3A_115 = vector.broadcast %reduce_max3A_114 : i32 to vector<16xi32>
    %reduce_max3A_116 = arith.xori %select_n3A_111, %reduce_max3A_115 : vector<16xi32>
    %reduce_max3A_117 = tpu.scan <max>, %reduce_max3A_116 masked %reduce_max3A_113 : vector<16xi32>, vector<16xi1> -> vector<16xi32>
    %reduce_max3A_118 = arith.xori %reduce_max3A_117, %reduce_max3A_115 : vector<16xi32>
    %reduce_max3A_119 = vector.extract %reduce_max3A_118[15] : i32 from vector<16xi32>
    %broadcast_in_dim3A_120 = vector.broadcast %reduce_max3A_119 : i32 to vector<16xi32>
    %eq3A_121 = arith.constant 7 : i32
    %eq3A_122 = vector.broadcast %eq3A_121 : i32 to vector<16xi32>
    %eq3A_123 = arith.cmpi eq, %iota3A, %eq3A_122 : vector<16xi32>
    %broadcast_in_dim3A_124 = arith.constant -1 : i32
    %broadcast_in_dim3A_125 = vector.broadcast %broadcast_in_dim3A_124 : i32 to vector<16xi32>
    %select_n3A_126 = arith.select %eq3A_123, %get3A_18, %broadcast_in_dim3A_125 : vector<16xi1>, vector<16xi32>
    %reduce_max3A_127 = arith.constant true
    %reduce_max3A_128 = vector.broadcast %reduce_max3A_127 : i1 to vector<16xi1>
    %reduce_max3A_129 = arith.constant -2147483648 : i32
    %reduce_max3A_130 = vector.broadcast %reduce_max3A_129 : i32 to vector<16xi32>
    %reduce_max3A_131 = arith.xori %select_n3A_126, %reduce_max3A_130 : vector<16xi32>
    %reduce_max3A_132 = tpu.scan <max>, %reduce_max3A_131 masked %reduce_max3A_128 : vector<16xi32>, vector<16xi1> -> vector<16xi32>
    %reduce_max3A_133 = arith.xori %reduce_max3A_132, %reduce_max3A_130 : vector<16xi32>
    %reduce_max3A_134 = vector.extract %reduce_max3A_133[15] : i32 from vector<16xi32>
    %broadcast_in_dim3A_135 = vector.broadcast %reduce_max3A_134 : i32 to vector<16xi32>
    %eq3A_136 = arith.constant 8 : i32
    %eq3A_137 = vector.broadcast %eq3A_136 : i32 to vector<16xi32>
    %eq3A_138 = arith.cmpi eq, %iota3A, %eq3A_137 : vector<16xi32>
    %broadcast_in_dim3A_139 = arith.constant -1 : i32
    %broadcast_in_dim3A_140 = vector.broadcast %broadcast_in_dim3A_139 : i32 to vector<16xi32>
    %select_n3A_141 = arith.select %eq3A_138, %get3A_18, %broadcast_in_dim3A_140 : vector<16xi1>, vector<16xi32>
    %reduce_max3A_142 = arith.constant true
    %reduce_max3A_143 = vector.broadcast %reduce_max3A_142 : i1 to vector<16xi1>
    %reduce_max3A_144 = arith.constant -2147483648 : i32
    %reduce_max3A_145 = vector.broadcast %reduce_max3A_144 : i32 to vector<16xi32>
    %reduce_max3A_146 = arith.xori %select_n3A_141, %reduce_max3A_145 : vector<16xi32>
    %reduce_max3A_147 = tpu.scan <max>, %reduce_max3A_146 masked %reduce_max3A_143 : vector<16xi32>, vector<16xi1> -> vector<16xi32>
    %reduce_max3A_148 = arith.xori %reduce_max3A_147, %reduce_max3A_145 : vector<16xi32>
    %reduce_max3A_149 = vector.extract %reduce_max3A_148[15] : i32 from vector<16xi32>
    %broadcast_in_dim3A_150 = vector.broadcast %reduce_max3A_149 : i32 to vector<16xi32>
    %eq3A_151 = arith.constant 9 : i32
    %eq3A_152 = vector.broadcast %eq3A_151 : i32 to vector<16xi32>
    %eq3A_153 = arith.cmpi eq, %iota3A, %eq3A_152 : vector<16xi32>
    %broadcast_in_dim3A_154 = arith.constant -1 : i32
    %broadcast_in_dim3A_155 = vector.broadcast %broadcast_in_dim3A_154 : i32 to vector<16xi32>
    %select_n3A_156 = arith.select %eq3A_153, %get3A_18, %broadcast_in_dim3A_155 : vector<16xi1>, vector<16xi32>
    %reduce_max3A_157 = arith.constant true
    %reduce_max3A_158 = vector.broadcast %reduce_max3A_157 : i1 to vector<16xi1>
    %reduce_max3A_159 = arith.constant -2147483648 : i32
    %reduce_max3A_160 = vector.broadcast %reduce_max3A_159 : i32 to vector<16xi32>
    %reduce_max3A_161 = arith.xori %select_n3A_156, %reduce_max3A_160 : vector<16xi32>
    %reduce_max3A_162 = tpu.scan <max>, %reduce_max3A_161 masked %reduce_max3A_158 : vector<16xi32>, vector<16xi1> -> vector<16xi32>
    %reduce_max3A_163 = arith.xori %reduce_max3A_162, %reduce_max3A_160 : vector<16xi32>
    %reduce_max3A_164 = vector.extract %reduce_max3A_163[15] : i32 from vector<16xi32>
    %broadcast_in_dim3A_165 = vector.broadcast %reduce_max3A_164 : i32 to vector<16xi32>
    %eq3A_166 = arith.constant 10 : i32
    %eq3A_167 = vector.broadcast %eq3A_166 : i32 to vector<16xi32>
    %eq3A_168 = arith.cmpi eq, %iota3A, %eq3A_167 : vector<16xi32>
    %broadcast_in_dim3A_169 = arith.constant -1 : i32
    %broadcast_in_dim3A_170 = vector.broadcast %broadcast_in_dim3A_169 : i32 to vector<16xi32>
    %select_n3A_171 = arith.select %eq3A_168, %get3A_18, %broadcast_in_dim3A_170 : vector<16xi1>, vector<16xi32>
    %reduce_max3A_172 = arith.constant true
    %reduce_max3A_173 = vector.broadcast %reduce_max3A_172 : i1 to vector<16xi1>
    %reduce_max3A_174 = arith.constant -2147483648 : i32
    %reduce_max3A_175 = vector.broadcast %reduce_max3A_174 : i32 to vector<16xi32>
    %reduce_max3A_176 = arith.xori %select_n3A_171, %reduce_max3A_175 : vector<16xi32>
    %reduce_max3A_177 = tpu.scan <max>, %reduce_max3A_176 masked %reduce_max3A_173 : vector<16xi32>, vector<16xi1> -> vector<16xi32>
    %reduce_max3A_178 = arith.xori %reduce_max3A_177, %reduce_max3A_175 : vector<16xi32>
    %reduce_max3A_179 = vector.extract %reduce_max3A_178[15] : i32 from vector<16xi32>
    %broadcast_in_dim3A_180 = vector.broadcast %reduce_max3A_179 : i32 to vector<16xi32>
    %eq3A_181 = arith.constant 11 : i32
    %eq3A_182 = vector.broadcast %eq3A_181 : i32 to vector<16xi32>
    %eq3A_183 = arith.cmpi eq, %iota3A, %eq3A_182 : vector<16xi32>
    %broadcast_in_dim3A_184 = arith.constant -1 : i32
    %broadcast_in_dim3A_185 = vector.broadcast %broadcast_in_dim3A_184 : i32 to vector<16xi32>
    %select_n3A_186 = arith.select %eq3A_183, %get3A_18, %broadcast_in_dim3A_185 : vector<16xi1>, vector<16xi32>
    %reduce_max3A_187 = arith.constant true
    %reduce_max3A_188 = vector.broadcast %reduce_max3A_187 : i1 to vector<16xi1>
    %reduce_max3A_189 = arith.constant -2147483648 : i32
    %reduce_max3A_190 = vector.broadcast %reduce_max3A_189 : i32 to vector<16xi32>
    %reduce_max3A_191 = arith.xori %select_n3A_186, %reduce_max3A_190 : vector<16xi32>
    %reduce_max3A_192 = tpu.scan <max>, %reduce_max3A_191 masked %reduce_max3A_188 : vector<16xi32>, vector<16xi1> -> vector<16xi32>
    %reduce_max3A_193 = arith.xori %reduce_max3A_192, %reduce_max3A_190 : vector<16xi32>
    %reduce_max3A_194 = vector.extract %reduce_max3A_193[15] : i32 from vector<16xi32>
    %broadcast_in_dim3A_195 = vector.broadcast %reduce_max3A_194 : i32 to vector<16xi32>
    %eq3A_196 = arith.constant 12 : i32
    %eq3A_197 = vector.broadcast %eq3A_196 : i32 to vector<16xi32>
    %eq3A_198 = arith.cmpi eq, %iota3A, %eq3A_197 : vector<16xi32>
    %broadcast_in_dim3A_199 = arith.constant -1 : i32
    %broadcast_in_dim3A_200 = vector.broadcast %broadcast_in_dim3A_199 : i32 to vector<16xi32>
    %select_n3A_201 = arith.select %eq3A_198, %get3A_18, %broadcast_in_dim3A_200 : vector<16xi1>, vector<16xi32>
    %reduce_max3A_202 = arith.constant true
    %reduce_max3A_203 = vector.broadcast %reduce_max3A_202 : i1 to vector<16xi1>
    %reduce_max3A_204 = arith.constant -2147483648 : i32
    %reduce_max3A_205 = vector.broadcast %reduce_max3A_204 : i32 to vector<16xi32>
    %reduce_max3A_206 = arith.xori %select_n3A_201, %reduce_max3A_205 : vector<16xi32>
    %reduce_max3A_207 = tpu.scan <max>, %reduce_max3A_206 masked %reduce_max3A_203 : vector<16xi32>, vector<16xi1> -> vector<16xi32>
    %reduce_max3A_208 = arith.xori %reduce_max3A_207, %reduce_max3A_205 : vector<16xi32>
    %reduce_max3A_209 = vector.extract %reduce_max3A_208[15] : i32 from vector<16xi32>
    %broadcast_in_dim3A_210 = vector.broadcast %reduce_max3A_209 : i32 to vector<16xi32>
    %eq3A_211 = arith.constant 13 : i32
    %eq3A_212 = vector.broadcast %eq3A_211 : i32 to vector<16xi32>
    %eq3A_213 = arith.cmpi eq, %iota3A, %eq3A_212 : vector<16xi32>
    %broadcast_in_dim3A_214 = arith.constant -1 : i32
    %broadcast_in_dim3A_215 = vector.broadcast %broadcast_in_dim3A_214 : i32 to vector<16xi32>
    %select_n3A_216 = arith.select %eq3A_213, %get3A_18, %broadcast_in_dim3A_215 : vector<16xi1>, vector<16xi32>
    %reduce_max3A_217 = arith.constant true
    %reduce_max3A_218 = vector.broadcast %reduce_max3A_217 : i1 to vector<16xi1>
    %reduce_max3A_219 = arith.constant -2147483648 : i32
    %reduce_max3A_220 = vector.broadcast %reduce_max3A_219 : i32 to vector<16xi32>
    %reduce_max3A_221 = arith.xori %select_n3A_216, %reduce_max3A_220 : vector<16xi32>
    %reduce_max3A_222 = tpu.scan <max>, %reduce_max3A_221 masked %reduce_max3A_218 : vector<16xi32>, vector<16xi1> -> vector<16xi32>
    %reduce_max3A_223 = arith.xori %reduce_max3A_222, %reduce_max3A_220 : vector<16xi32>
    %reduce_max3A_224 = vector.extract %reduce_max3A_223[15] : i32 from vector<16xi32>
    %broadcast_in_dim3A_225 = vector.broadcast %reduce_max3A_224 : i32 to vector<16xi32>
    %eq3A_226 = arith.constant 14 : i32
    %eq3A_227 = vector.broadcast %eq3A_226 : i32 to vector<16xi32>
    %eq3A_228 = arith.cmpi eq, %iota3A, %eq3A_227 : vector<16xi32>
    %broadcast_in_dim3A_229 = arith.constant -1 : i32
    %broadcast_in_dim3A_230 = vector.broadcast %broadcast_in_dim3A_229 : i32 to vector<16xi32>
    %select_n3A_231 = arith.select %eq3A_228, %get3A_18, %broadcast_in_dim3A_230 : vector<16xi1>, vector<16xi32>
    %reduce_max3A_232 = arith.constant true
    %reduce_max3A_233 = vector.broadcast %reduce_max3A_232 : i1 to vector<16xi1>
    %reduce_max3A_234 = arith.constant -2147483648 : i32
    %reduce_max3A_235 = vector.broadcast %reduce_max3A_234 : i32 to vector<16xi32>
    %reduce_max3A_236 = arith.xori %select_n3A_231, %reduce_max3A_235 : vector<16xi32>
    %reduce_max3A_237 = tpu.scan <max>, %reduce_max3A_236 masked %reduce_max3A_233 : vector<16xi32>, vector<16xi1> -> vector<16xi32>
    %reduce_max3A_238 = arith.xori %reduce_max3A_237, %reduce_max3A_235 : vector<16xi32>
    %reduce_max3A_239 = vector.extract %reduce_max3A_238[15] : i32 from vector<16xi32>
    %broadcast_in_dim3A_240 = vector.broadcast %reduce_max3A_239 : i32 to vector<16xi32>
    %eq3A_241 = arith.constant 15 : i32
    %eq3A_242 = vector.broadcast %eq3A_241 : i32 to vector<16xi32>
    %eq3A_243 = arith.cmpi eq, %iota3A, %eq3A_242 : vector<16xi32>
    %broadcast_in_dim3A_244 = arith.constant -1 : i32
    %broadcast_in_dim3A_245 = vector.broadcast %broadcast_in_dim3A_244 : i32 to vector<16xi32>
    %select_n3A_246 = arith.select %eq3A_243, %get3A_18, %broadcast_in_dim3A_245 : vector<16xi1>, vector<16xi32>
    %reduce_max3A_247 = arith.constant true
    %reduce_max3A_248 = vector.broadcast %reduce_max3A_247 : i1 to vector<16xi1>
    %reduce_max3A_249 = arith.constant -2147483648 : i32
    %reduce_max3A_250 = vector.broadcast %reduce_max3A_249 : i32 to vector<16xi32>
    %reduce_max3A_251 = arith.xori %select_n3A_246, %reduce_max3A_250 : vector<16xi32>
    %reduce_max3A_252 = tpu.scan <max>, %reduce_max3A_251 masked %reduce_max3A_248 : vector<16xi32>, vector<16xi1> -> vector<16xi32>
    %reduce_max3A_253 = arith.xori %reduce_max3A_252, %reduce_max3A_250 : vector<16xi32>
    %reduce_max3A_254 = vector.extract %reduce_max3A_253[15] : i32 from vector<16xi32>
    %broadcast_in_dim3A_255 = vector.broadcast %reduce_max3A_254 : i32 to vector<16xi32>
    %mul3A_256 = arith.constant 16 : i32
    %mul3A_257 = arith.muli %arg0, %mul3A_256 : i32
    %broadcast_in_dim3A_258 = vector.broadcast %mul3A_257 : i32 to vector<16xi32>
    %broadcast_in_dim3A_259 = arith.constant 10200 : i32
    %broadcast_in_dim3A_260 = vector.broadcast %broadcast_in_dim3A_259 : i32 to vector<16xi32>
    %broadcast_in_dim3A_261 = arith.constant 39 : i32
    %broadcast_in_dim3A_262 = vector.broadcast %broadcast_in_dim3A_261 : i32 to vector<16xi32>
    %broadcast_in_dim3A_263 = arith.constant true
    %broadcast_in_dim3A_264 = vector.broadcast %broadcast_in_dim3A_263 : i1 to vector<16xi1>
    %scan3A = arith.constant 0 : i32
    %scan3A_265 = arith.constant 0 : i32
    %scan3A_266 = arith.constant 125 : i32
    %scan3A_267 = arith.addi %scan3A_265, %scan3A_266 : i32
    %scan3A_268 = arith.constant 1 : i32
    %scan3A_269 = scf.for %scan3A_289 = %scan3A_265 to %scan3A_267 step %scan3A_268 iter_args(%scan3A_290 = %scan3A) -> (i32)  : i32 {
      %mul3A_291 = arith.constant 5 : i32
      %mul3A_292 = arith.muli %scan3A_289, %mul3A_291 : i32
      %add3A = arith.constant 0 : i32
      %add3A_293 = arith.addi %mul3A_292, %add3A : i32
      %mul3A_294 = arith.constant 16 : i32
      %mul3A_295 = arith.muli %add3A_293, %mul3A_294 : i32
      %get3A_296 = arith.index_cast %mul3A_295 : i32 to index
      %get3A_297 = tpu.vector_load %arg11[%get3A_296] {strides = array<i32>} : memref<10000xi32, #tpu.memory_space<vmem>>, vector<16xi32>,
      %eq3A_298 = arith.cmpi eq, %get3A_297, %broadcast_in_dim3A_30 : vector<16xi32>
      %eq3A_299 = arith.cmpi eq, %get3A_297, %broadcast_in_dim3A_45 : vector<16xi32>
      %or3A = arith.ori %eq3A_298, %eq3A_299 : vector<16xi1>
      %eq3A_300 = arith.cmpi eq, %get3A_297, %broadcast_in_dim3A_60 : vector<16xi32>
      %or3A_301 = arith.ori %or3A, %eq3A_300 : vector<16xi1>
      %eq3A_302 = arith.cmpi eq, %get3A_297, %broadcast_in_dim3A_75 : vector<16xi32>
      %or3A_303 = arith.ori %or3A_301, %eq3A_302 : vector<16xi1>
      %eq3A_304 = arith.cmpi eq, %get3A_297, %broadcast_in_dim3A_90 : vector<16xi32>
      %or3A_305 = arith.ori %or3A_303, %eq3A_304 : vector<16xi1>
      %eq3A_306 = arith.cmpi eq, %get3A_297, %broadcast_in_dim3A_105 : vector<16xi32>
      %or3A_307 = arith.ori %or3A_305, %eq3A_306 : vector<16xi1>
      %eq3A_308 = arith.cmpi eq, %get3A_297, %broadcast_in_dim3A_120 : vector<16xi32>
      %or3A_309 = arith.ori %or3A_307, %eq3A_308 : vector<16xi1>
      %eq3A_310 = arith.cmpi eq, %get3A_297, %broadcast_in_dim3A_135 : vector<16xi32>
      %or3A_311 = arith.ori %or3A_309, %eq3A_310 : vector<16xi1>
      %eq3A_312 = arith.cmpi eq, %get3A_297, %broadcast_in_dim3A_150 : vector<16xi32>
      %or3A_313 = arith.ori %or3A_311, %eq3A_312 : vector<16xi1>
      %eq3A_314 = arith.cmpi eq, %get3A_297, %broadcast_in_dim3A_165 : vector<16xi32>
      %or3A_315 = arith.ori %or3A_313, %eq3A_314 : vector<16xi1>
      %eq3A_316 = arith.cmpi eq, %get3A_297, %broadcast_in_dim3A_180 : vector<16xi32>
      %or3A_317 = arith.ori %or3A_315, %eq3A_316 : vector<16xi1>
      %eq3A_318 = arith.cmpi eq, %get3A_297, %broadcast_in_dim3A_195 : vector<16xi32>
      %or3A_319 = arith.ori %or3A_317, %eq3A_318 : vector<16xi1>
      %eq3A_320 = arith.cmpi eq, %get3A_297, %broadcast_in_dim3A_210 : vector<16xi32>
      %or3A_321 = arith.ori %or3A_319, %eq3A_320 : vector<16xi1>
      %eq3A_322 = arith.cmpi eq, %get3A_297, %broadcast_in_dim3A_225 : vector<16xi32>
      %or3A_323 = arith.ori %or3A_321, %eq3A_322 : vector<16xi1>
      %eq3A_324 = arith.cmpi eq, %get3A_297, %broadcast_in_dim3A_240 : vector<16xi32>
      %or3A_325 = arith.ori %or3A_323, %eq3A_324 : vector<16xi1>
      %eq3A_326 = arith.cmpi eq, %get3A_297, %broadcast_in_dim3A_255 : vector<16xi32>
      %or3A_327 = arith.ori %or3A_325, %eq3A_326 : vector<16xi1>
      %mul3A_328 = arith.constant 5 : i32
      %mul3A_329 = arith.muli %scan3A_289, %mul3A_328 : i32
      %add3A_330 = arith.constant 1 : i32
      %add3A_331 = arith.addi %mul3A_329, %add3A_330 : i32
      %mul3A_332 = arith.constant 16 : i32
      %mul3A_333 = arith.muli %add3A_331, %mul3A_332 : i32
      %get3A_334 = arith.index_cast %mul3A_333 : i32 to index
      %get3A_335 = tpu.vector_load %arg11[%get3A_334] {strides = array<i32>} : memref<10000xi32, #tpu.memory_space<vmem>>, vector<16xi32>,
      %eq3A_336 = arith.cmpi eq, %get3A_335, %broadcast_in_dim3A_30 : vector<16xi32>
      %eq3A_337 = arith.cmpi eq, %get3A_335, %broadcast_in_dim3A_45 : vector<16xi32>
      %or3A_338 = arith.ori %eq3A_336, %eq3A_337 : vector<16xi1>
      %eq3A_339 = arith.cmpi eq, %get3A_335, %broadcast_in_dim3A_60 : vector<16xi32>
      %or3A_340 = arith.ori %or3A_338, %eq3A_339 : vector<16xi1>
      %eq3A_341 = arith.cmpi eq, %get3A_335, %broadcast_in_dim3A_75 : vector<16xi32>
      %or3A_342 = arith.ori %or3A_340, %eq3A_341 : vector<16xi1>
      %eq3A_343 = arith.cmpi eq, %get3A_335, %broadcast_in_dim3A_90 : vector<16xi32>
      %or3A_344 = arith.ori %or3A_342, %eq3A_343 : vector<16xi1>
      %eq3A_345 = arith.cmpi eq, %get3A_335, %broadcast_in_dim3A_105 : vector<16xi32>
      %or3A_346 = arith.ori %or3A_344, %eq3A_345 : vector<16xi1>
      %eq3A_347 = arith.cmpi eq, %get3A_335, %broadcast_in_dim3A_120 : vector<16xi32>
      %or3A_348 = arith.ori %or3A_346, %eq3A_347 : vector<16xi1>
      %eq3A_349 = arith.cmpi eq, %get3A_335, %broadcast_in_dim3A_135 : vector<16xi32>
      %or3A_350 = arith.ori %or3A_348, %eq3A_349 : vector<16xi1>
      %eq3A_351 = arith.cmpi eq, %get3A_335, %broadcast_in_dim3A_150 : vector<16xi32>
      %or3A_352 = arith.ori %or3A_350, %eq3A_351 : vector<16xi1>
      %eq3A_353 = arith.cmpi eq, %get3A_335, %broadcast_in_dim3A_165 : vector<16xi32>
      %or3A_354 = arith.ori %or3A_352, %eq3A_353 : vector<16xi1>
      %eq3A_355 = arith.cmpi eq, %get3A_335, %broadcast_in_dim3A_180 : vector<16xi32>
      %or3A_356 = arith.ori %or3A_354, %eq3A_355 : vector<16xi1>
      %eq3A_357 = arith.cmpi eq, %get3A_335, %broadcast_in_dim3A_195 : vector<16xi32>
      %or3A_358 = arith.ori %or3A_356, %eq3A_357 : vector<16xi1>
      %eq3A_359 = arith.cmpi eq, %get3A_335, %broadcast_in_dim3A_210 : vector<16xi32>
      %or3A_360 = arith.ori %or3A_358, %eq3A_359 : vector<16xi1>
      %eq3A_361 = arith.cmpi eq, %get3A_335, %broadcast_in_dim3A_225 : vector<16xi32>
      %or3A_362 = arith.ori %or3A_360, %eq3A_361 : vector<16xi1>
      %eq3A_363 = arith.cmpi eq, %get3A_335, %broadcast_in_dim3A_240 : vector<16xi32>
      %or3A_364 = arith.ori %or3A_362, %eq3A_363 : vector<16xi1>
      %eq3A_365 = arith.cmpi eq, %get3A_335, %broadcast_in_dim3A_255 : vector<16xi32>
      %or3A_366 = arith.ori %or3A_364, %eq3A_365 : vector<16xi1>
      %mul3A_367 = arith.constant 5 : i32
      %mul3A_368 = arith.muli %scan3A_289, %mul3A_367 : i32
      %add3A_369 = arith.constant 2 : i32
      %add3A_370 = arith.addi %mul3A_368, %add3A_369 : i32
      %mul3A_371 = arith.constant 16 : i32
      %mul3A_372 = arith.muli %add3A_370, %mul3A_371 : i32
      %get3A_373 = arith.index_cast %mul3A_372 : i32 to index
      %get3A_374 = tpu.vector_load %arg11[%get3A_373] {strides = array<i32>} : memref<10000xi32, #tpu.memory_space<vmem>>, vector<16xi32>,
      %eq3A_375 = arith.cmpi eq, %get3A_374, %broadcast_in_dim3A_30 : vector<16xi32>
      %eq3A_376 = arith.cmpi eq, %get3A_374, %broadcast_in_dim3A_45 : vector<16xi32>
      %or3A_377 = arith.ori %eq3A_375, %eq3A_376 : vector<16xi1>
      %eq3A_378 = arith.cmpi eq, %get3A_374, %broadcast_in_dim3A_60 : vector<16xi32>
      %or3A_379 = arith.ori %or3A_377, %eq3A_378 : vector<16xi1>
      %eq3A_380 = arith.cmpi eq, %get3A_374, %broadcast_in_dim3A_75 : vector<16xi32>
      %or3A_381 = arith.ori %or3A_379, %eq3A_380 : vector<16xi1>
      %eq3A_382 = arith.cmpi eq, %get3A_374, %broadcast_in_dim3A_90 : vector<16xi32>
      %or3A_383 = arith.ori %or3A_381, %eq3A_382 : vector<16xi1>
      %eq3A_384 = arith.cmpi eq, %get3A_374, %broadcast_in_dim3A_105 : vector<16xi32>
      %or3A_385 = arith.ori %or3A_383, %eq3A_384 : vector<16xi1>
      %eq3A_386 = arith.cmpi eq, %get3A_374, %broadcast_in_dim3A_120 : vector<16xi32>
      %or3A_387 = arith.ori %or3A_385, %eq3A_386 : vector<16xi1>
      %eq3A_388 = arith.cmpi eq, %get3A_374, %broadcast_in_dim3A_135 : vector<16xi32>
      %or3A_389 = arith.ori %or3A_387, %eq3A_388 : vector<16xi1>
      %eq3A_390 = arith.cmpi eq, %get3A_374, %broadcast_in_dim3A_150 : vector<16xi32>
      %or3A_391 = arith.ori %or3A_389, %eq3A_390 : vector<16xi1>
      %eq3A_392 = arith.cmpi eq, %get3A_374, %broadcast_in_dim3A_165 : vector<16xi32>
      %or3A_393 = arith.ori %or3A_391, %eq3A_392 : vector<16xi1>
      %eq3A_394 = arith.cmpi eq, %get3A_374, %broadcast_in_dim3A_180 : vector<16xi32>
      %or3A_395 = arith.ori %or3A_393, %eq3A_394 : vector<16xi1>
      %eq3A_396 = arith.cmpi eq, %get3A_374, %broadcast_in_dim3A_195 : vector<16xi32>
      %or3A_397 = arith.ori %or3A_395, %eq3A_396 : vector<16xi1>
      %eq3A_398 = arith.cmpi eq, %get3A_374, %broadcast_in_dim3A_210 : vector<16xi32>
      %or3A_399 = arith.ori %or3A_397, %eq3A_398 : vector<16xi1>
      %eq3A_400 = arith.cmpi eq, %get3A_374, %broadcast_in_dim3A_225 : vector<16xi32>
      %or3A_401 = arith.ori %or3A_399, %eq3A_400 : vector<16xi1>
      %eq3A_402 = arith.cmpi eq, %get3A_374, %broadcast_in_dim3A_240 : vector<16xi32>
      %or3A_403 = arith.ori %or3A_401, %eq3A_402 : vector<16xi1>
      %eq3A_404 = arith.cmpi eq, %get3A_374, %broadcast_in_dim3A_255 : vector<16xi32>
      %or3A_405 = arith.ori %or3A_403, %eq3A_404 : vector<16xi1>
      %mul3A_406 = arith.constant 5 : i32
      %mul3A_407 = arith.muli %scan3A_289, %mul3A_406 : i32
      %add3A_408 = arith.constant 3 : i32
      %add3A_409 = arith.addi %mul3A_407, %add3A_408 : i32
      %mul3A_410 = arith.constant 16 : i32
      %mul3A_411 = arith.muli %add3A_409, %mul3A_410 : i32
      %get3A_412 = arith.index_cast %mul3A_411 : i32 to index
      %get3A_413 = tpu.vector_load %arg11[%get3A_412] {strides = array<i32>} : memref<10000xi32, #tpu.memory_space<vmem>>, vector<16xi32>,
      %eq3A_414 = arith.cmpi eq, %get3A_413, %broadcast_in_dim3A_30 : vector<16xi32>
      %eq3A_415 = arith.cmpi eq, %get3A_413, %broadcast_in_dim3A_45 : vector<16xi32>
      %or3A_416 = arith.ori %eq3A_414, %eq3A_415 : vector<16xi1>
      %eq3A_417 = arith.cmpi eq, %get3A_413, %broadcast_in_dim3A_60 : vector<16xi32>
      %or3A_418 = arith.ori %or3A_416, %eq3A_417 : vector<16xi1>
      %eq3A_419 = arith.cmpi eq, %get3A_413, %broadcast_in_dim3A_75 : vector<16xi32>
      %or3A_420 = arith.ori %or3A_418, %eq3A_419 : vector<16xi1>
      %eq3A_421 = arith.cmpi eq, %get3A_413, %broadcast_in_dim3A_90 : vector<16xi32>
      %or3A_422 = arith.ori %or3A_420, %eq3A_421 : vector<16xi1>
      %eq3A_423 = arith.cmpi eq, %get3A_413, %broadcast_in_dim3A_105 : vector<16xi32>
      %or3A_424 = arith.ori %or3A_422, %eq3A_423 : vector<16xi1>
      %eq3A_425 = arith.cmpi eq, %get3A_413, %broadcast_in_dim3A_120 : vector<16xi32>
      %or3A_426 = arith.ori %or3A_424, %eq3A_425 : vector<16xi1>
      %eq3A_427 = arith.cmpi eq, %get3A_413, %broadcast_in_dim3A_135 : vector<16xi32>
      %or3A_428 = arith.ori %or3A_426, %eq3A_427 : vector<16xi1>
      %eq3A_429 = arith.cmpi eq, %get3A_413, %broadcast_in_dim3A_150 : vector<16xi32>
      %or3A_430 = arith.ori %or3A_428, %eq3A_429 : vector<16xi1>
      %eq3A_431 = arith.cmpi eq, %get3A_413, %broadcast_in_dim3A_165 : vector<16xi32>
      %or3A_432 = arith.ori %or3A_430, %eq3A_431 : vector<16xi1>
      %eq3A_433 = arith.cmpi eq, %get3A_413, %broadcast_in_dim3A_180 : vector<16xi32>
      %or3A_434 = arith.ori %or3A_432, %eq3A_433 : vector<16xi1>
      %eq3A_435 = arith.cmpi eq, %get3A_413, %broadcast_in_dim3A_195 : vector<16xi32>
      %or3A_436 = arith.ori %or3A_434, %eq3A_435 : vector<16xi1>
      %eq3A_437 = arith.cmpi eq, %get3A_413, %broadcast_in_dim3A_210 : vector<16xi32>
      %or3A_438 = arith.ori %or3A_436, %eq3A_437 : vector<16xi1>
      %eq3A_439 = arith.cmpi eq, %get3A_413, %broadcast_in_dim3A_225 : vector<16xi32>
      %or3A_440 = arith.ori %or3A_438, %eq3A_439 : vector<16xi1>
      %eq3A_441 = arith.cmpi eq, %get3A_413, %broadcast_in_dim3A_240 : vector<16xi32>
      %or3A_442 = arith.ori %or3A_440, %eq3A_441 : vector<16xi1>
      %eq3A_443 = arith.cmpi eq, %get3A_413, %broadcast_in_dim3A_255 : vector<16xi32>
      %or3A_444 = arith.ori %or3A_442, %eq3A_443 : vector<16xi1>
      %mul3A_445 = arith.constant 5 : i32
      %mul3A_446 = arith.muli %scan3A_289, %mul3A_445 : i32
      %add3A_447 = arith.constant 4 : i32
      %add3A_448 = arith.addi %mul3A_446, %add3A_447 : i32
      %mul3A_449 = arith.constant 16 : i32
      %mul3A_450 = arith.muli %add3A_448, %mul3A_449 : i32
      %get3A_451 = arith.index_cast %mul3A_450 : i32 to index
      %get3A_452 = tpu.vector_load %arg11[%get3A_451] {strides = array<i32>} : memref<10000xi32, #tpu.memory_space<vmem>>, vector<16xi32>,
      %eq3A_453 = arith.cmpi eq, %get3A_452, %broadcast_in_dim3A_30 : vector<16xi32>
      %eq3A_454 = arith.cmpi eq, %get3A_452, %broadcast_in_dim3A_45 : vector<16xi32>
      %or3A_455 = arith.ori %eq3A_453, %eq3A_454 : vector<16xi1>
      %eq3A_456 = arith.cmpi eq, %get3A_452, %broadcast_in_dim3A_60 : vector<16xi32>
      %or3A_457 = arith.ori %or3A_455, %eq3A_456 : vector<16xi1>
      %eq3A_458 = arith.cmpi eq, %get3A_452, %broadcast_in_dim3A_75 : vector<16xi32>
      %or3A_459 = arith.ori %or3A_457, %eq3A_458 : vector<16xi1>
      %eq3A_460 = arith.cmpi eq, %get3A_452, %broadcast_in_dim3A_90 : vector<16xi32>
      %or3A_461 = arith.ori %or3A_459, %eq3A_460 : vector<16xi1>
      %eq3A_462 = arith.cmpi eq, %get3A_452, %broadcast_in_dim3A_105 : vector<16xi32>
      %or3A_463 = arith.ori %or3A_461, %eq3A_462 : vector<16xi1>
      %eq3A_464 = arith.cmpi eq, %get3A_452, %broadcast_in_dim3A_120 : vector<16xi32>
      %or3A_465 = arith.ori %or3A_463, %eq3A_464 : vector<16xi1>
      %eq3A_466 = arith.cmpi eq, %get3A_452, %broadcast_in_dim3A_135 : vector<16xi32>
      %or3A_467 = arith.ori %or3A_465, %eq3A_466 : vector<16xi1>
      %eq3A_468 = arith.cmpi eq, %get3A_452, %broadcast_in_dim3A_150 : vector<16xi32>
      %or3A_469 = arith.ori %or3A_467, %eq3A_468 : vector<16xi1>
      %eq3A_470 = arith.cmpi eq, %get3A_452, %broadcast_in_dim3A_165 : vector<16xi32>
      %or3A_471 = arith.ori %or3A_469, %eq3A_470 : vector<16xi1>
      %eq3A_472 = arith.cmpi eq, %get3A_452, %broadcast_in_dim3A_180 : vector<16xi32>
      %or3A_473 = arith.ori %or3A_471, %eq3A_472 : vector<16xi1>
      %eq3A_474 = arith.cmpi eq, %get3A_452, %broadcast_in_dim3A_195 : vector<16xi32>
      %or3A_475 = arith.ori %or3A_473, %eq3A_474 : vector<16xi1>
      %eq3A_476 = arith.cmpi eq, %get3A_452, %broadcast_in_dim3A_210 : vector<16xi32>
      %or3A_477 = arith.ori %or3A_475, %eq3A_476 : vector<16xi1>
      %eq3A_478 = arith.cmpi eq, %get3A_452, %broadcast_in_dim3A_225 : vector<16xi32>
      %or3A_479 = arith.ori %or3A_477, %eq3A_478 : vector<16xi1>
      %eq3A_480 = arith.cmpi eq, %get3A_452, %broadcast_in_dim3A_240 : vector<16xi32>
      %or3A_481 = arith.ori %or3A_479, %eq3A_480 : vector<16xi1>
      %eq3A_482 = arith.cmpi eq, %get3A_452, %broadcast_in_dim3A_255 : vector<16xi32>
      %or3A_483 = arith.ori %or3A_481, %eq3A_482 : vector<16xi1>
      %or3A_484 = arith.ori %or3A_327, %or3A_366 : vector<16xi1>
      %or3A_485 = arith.ori %or3A_484, %or3A_405 : vector<16xi1>
      %or3A_486 = arith.ori %or3A_485, %or3A_444 : vector<16xi1>
      %or3A_487 = arith.ori %or3A_486, %or3A_483 : vector<16xi1>
      %all_reduce_population_count3A = tpu.all_reduce %or3A_487 {dim = 0 : i64, kind = #tpu.reduction_kind<sum>} : vector<16xi1> -> vector<16xi32>
      %slice3A = vector.extract_strided_slice %all_reduce_population_count3A {offsets = [0], sizes = [1], strides = [1]} : vector<16xi32> to vector<1xi32>
      %squeeze3A = vector.extract %slice3A[0] : i32 from vector<1xi32>
      %gt3A_488 = arith.constant 0 : i32
      %gt3A_489 = arith.cmpi sgt, %squeeze3A, %gt3A_488 : i32
      %convert_element_type3A_490 = arith.extui %gt3A_489 : i1 to i32
      %cond3A_491 = arith.constant 0 : i32
      %cond3A_492 = arith.cmpi ne, %convert_element_type3A_490, %cond3A_491 : i32
      %cond3A_493 = scf.if %cond3A_492 -> (i32) {
        %mul3A_499 = arith.constant 5 : i32
        %mul3A_500 = arith.muli %scan3A_289, %mul3A_499 : i32
        %add3A_501 = arith.constant 0 : i32
        %add3A_502 = arith.addi %mul3A_500, %add3A_501 : i32
        %mul3A_503 = arith.constant 16 : i32
        %mul3A_504 = arith.muli %add3A_502, %mul3A_503 : i32
        %get3A_505 = arith.index_cast %mul3A_504 : i32 to index
        %get3A_506 = tpu.vector_load %arg10[%get3A_505] {strides = array<i32>} : memref<10000xi32, #tpu.memory_space<vmem>>, vector<16xi32>,
        %mul3A_507 = arith.constant 5 : i32
        %mul3A_508 = arith.muli %scan3A_289, %mul3A_507 : i32
        %add3A_509 = arith.constant 0 : i32
        %add3A_510 = arith.addi %mul3A_508, %add3A_509 : i32
        %mul3A_511 = arith.constant 16 : i32
        %mul3A_512 = arith.muli %add3A_510, %mul3A_511 : i32
        %get3A_513 = arith.index_cast %mul3A_512 : i32 to index
        %get3A_514 = tpu.vector_load %arg11[%get3A_513] {strides = array<i32>} : memref<10000xi32, #tpu.memory_space<vmem>>, vector<16xi32>,
        %mul3A_515 = arith.constant 5 : i32
        %mul3A_516 = arith.muli %scan3A_289, %mul3A_515 : i32
        %add3A_517 = arith.constant 0 : i32
        %add3A_518 = arith.addi %mul3A_516, %add3A_517 : i32
        %mul3A_519 = arith.constant 16 : i32
        %mul3A_520 = arith.muli %add3A_518, %mul3A_519 : i32
        %get3A_521 = arith.index_cast %mul3A_520 : i32 to index
        %get3A_522 = tpu.vector_load %arg12[%get3A_521] {strides = array<i32>} : memref<10000xi32, #tpu.memory_space<vmem>>, vector<16xi32>,
        %add3A_523 = arith.addi %get3A_522, %broadcast_in_dim3A_258 : vector<16xi32>
        %swap3A = arith.index_cast %scan3A_290 : i32 to index
        %swap3A_524 = tpu.vector_load %arg14[%swap3A] masked %or3A_327 {strides = array<i32>} : memref<2240xi32, #tpu.memory_space<vmem>>, vector<16xi32>, vector<16xi1>
        tpu.vector_store %arg14[%swap3A], %get3A_506 masked %or3A_327 {strides = array<i32>} : memref<2240xi32, #tpu.memory_space<vmem>>, vector<16xi32>, vector<16xi1>
        %swap3A_525 = arith.index_cast %scan3A_290 : i32 to index
        %swap3A_526 = tpu.vector_load %arg15[%swap3A_525] masked %or3A_327 {strides = array<i32>} : memref<2240xi32, #tpu.memory_space<vmem>>, vector<16xi32>, vector<16xi1>
        tpu.vector_store %arg15[%swap3A_525], %get3A_514 masked %or3A_327 {strides = array<i32>} : memref<2240xi32, #tpu.memory_space<vmem>>, vector<16xi32>, vector<16xi1>
        %swap3A_527 = arith.index_cast %scan3A_290 : i32 to index
        %swap3A_528 = tpu.vector_load %arg16[%swap3A_527] masked %or3A_327 {strides = array<i32>} : memref<2240xi32, #tpu.memory_space<vmem>>, vector<16xi32>, vector<16xi1>
        tpu.vector_store %arg16[%swap3A_527], %add3A_523 masked %or3A_327 {strides = array<i32>} : memref<2240xi32, #tpu.memory_space<vmem>>, vector<16xi32>, vector<16xi1>
        %all_reduce_population_count3A_529 = tpu.all_reduce %or3A_327 {dim = 0 : i64, kind = #tpu.reduction_kind<sum>} : vector<16xi1> -> vector<16xi32>
        %slice3A_530 = vector.extract_strided_slice %all_reduce_population_count3A_529 {offsets = [0], sizes = [1], strides = [1]} : vector<16xi32> to vector<1xi32>
        %squeeze3A_531 = vector.extract %slice3A_530[0] : i32 from vector<1xi32>
        %add3A_532 = arith.addi %scan3A_290, %squeeze3A_531 : i32
        %mul3A_533 = arith.constant 5 : i32
        %mul3A_534 = arith.muli %scan3A_289, %mul3A_533 : i32
        %add3A_535 = arith.constant 1 : i32
        %add3A_536 = arith.addi %mul3A_534, %add3A_535 : i32
        %mul3A_537 = arith.constant 16 : i32
        %mul3A_538 = arith.muli %add3A_536, %mul3A_537 : i32
        %get3A_539 = arith.index_cast %mul3A_538 : i32 to index
        %get3A_540 = tpu.vector_load %arg10[%get3A_539] {strides = array<i32>} : memref<10000xi32, #tpu.memory_space<vmem>>, vector<16xi32>,
        %mul3A_541 = arith.constant 5 : i32
        %mul3A_542 = arith.muli %scan3A_289, %mul3A_541 : i32
        %add3A_543 = arith.constant 1 : i32
        %add3A_544 = arith.addi %mul3A_542, %add3A_543 : i32
        %mul3A_545 = arith.constant 16 : i32
        %mul3A_546 = arith.muli %add3A_544, %mul3A_545 : i32
        %get3A_547 = arith.index_cast %mul3A_546 : i32 to index
        %get3A_548 = tpu.vector_load %arg11[%get3A_547] {strides = array<i32>} : memref<10000xi32, #tpu.memory_space<vmem>>, vector<16xi32>,
        %mul3A_549 = arith.constant 5 : i32
        %mul3A_550 = arith.muli %scan3A_289, %mul3A_549 : i32
        %add3A_551 = arith.constant 1 : i32
        %add3A_552 = arith.addi %mul3A_550, %add3A_551 : i32
        %mul3A_553 = arith.constant 16 : i32
        %mul3A_554 = arith.muli %add3A_552, %mul3A_553 : i32
        %get3A_555 = arith.index_cast %mul3A_554 : i32 to index
        %get3A_556 = tpu.vector_load %arg12[%get3A_555] {strides = array<i32>} : memref<10000xi32, #tpu.memory_space<vmem>>, vector<16xi32>,
        %add3A_557 = arith.addi %get3A_556, %broadcast_in_dim3A_258 : vector<16xi32>
        %swap3A_558 = arith.index_cast %add3A_532 : i32 to index
        %swap3A_559 = tpu.vector_load %arg14[%swap3A_558] masked %or3A_366 {strides = array<i32>} : memref<2240xi32, #tpu.memory_space<vmem>>, vector<16xi32>, vector<16xi1>
        tpu.vector_store %arg14[%swap3A_558], %get3A_540 masked %or3A_366 {strides = array<i32>} : memref<2240xi32, #tpu.memory_space<vmem>>, vector<16xi32>, vector<16xi1>
        %swap3A_560 = arith.index_cast %add3A_532 : i32 to index
        %swap3A_561 = tpu.vector_load %arg15[%swap3A_560] masked %or3A_366 {strides = array<i32>} : memref<2240xi32, #tpu.memory_space<vmem>>, vector<16xi32>, vector<16xi1>
        tpu.vector_store %arg15[%swap3A_560], %get3A_548 masked %or3A_366 {strides = array<i32>} : memref<2240xi32, #tpu.memory_space<vmem>>, vector<16xi32>, vector<16xi1>
        %swap3A_562 = arith.index_cast %add3A_532 : i32 to index
        %swap3A_563 = tpu.vector_load %arg16[%swap3A_562] masked %or3A_366 {strides = array<i32>} : memref<2240xi32, #tpu.memory_space<vmem>>, vector<16xi32>, vector<16xi1>
        tpu.vector_store %arg16[%swap3A_562], %add3A_557 masked %or3A_366 {strides = array<i32>} : memref<2240xi32, #tpu.memory_space<vmem>>, vector<16xi32>, vector<16xi1>
        %all_reduce_population_count3A_564 = tpu.all_reduce %or3A_366 {dim = 0 : i64, kind = #tpu.reduction_kind<sum>} : vector<16xi1> -> vector<16xi32>
        %slice3A_565 = vector.extract_strided_slice %all_reduce_population_count3A_564 {offsets = [0], sizes = [1], strides = [1]} : vector<16xi32> to vector<1xi32>
        %squeeze3A_566 = vector.extract %slice3A_565[0] : i32 from vector<1xi32>
        %add3A_567 = arith.addi %add3A_532, %squeeze3A_566 : i32
        %mul3A_568 = arith.constant 5 : i32
        %mul3A_569 = arith.muli %scan3A_289, %mul3A_568 : i32
        %add3A_570 = arith.constant 2 : i32
        %add3A_571 = arith.addi %mul3A_569, %add3A_570 : i32
        %mul3A_572 = arith.constant 16 : i32
        %mul3A_573 = arith.muli %add3A_571, %mul3A_572 : i32
        %get3A_574 = arith.index_cast %mul3A_573 : i32 to index
        %get3A_575 = tpu.vector_load %arg10[%get3A_574] {strides = array<i32>} : memref<10000xi32, #tpu.memory_space<vmem>>, vector<16xi32>,
        %mul3A_576 = arith.constant 5 : i32
        %mul3A_577 = arith.muli %scan3A_289, %mul3A_576 : i32
        %add3A_578 = arith.constant 2 : i32
        %add3A_579 = arith.addi %mul3A_577, %add3A_578 : i32
        %mul3A_580 = arith.constant 16 : i32
        %mul3A_581 = arith.muli %add3A_579, %mul3A_580 : i32
        %get3A_582 = arith.index_cast %mul3A_581 : i32 to index
        %get3A_583 = tpu.vector_load %arg11[%get3A_582] {strides = array<i32>} : memref<10000xi32, #tpu.memory_space<vmem>>, vector<16xi32>,
        %mul3A_584 = arith.constant 5 : i32
        %mul3A_585 = arith.muli %scan3A_289, %mul3A_584 : i32
        %add3A_586 = arith.constant 2 : i32
        %add3A_587 = arith.addi %mul3A_585, %add3A_586 : i32
        %mul3A_588 = arith.constant 16 : i32
        %mul3A_589 = arith.muli %add3A_587, %mul3A_588 : i32
        %get3A_590 = arith.index_cast %mul3A_589 : i32 to index
        %get3A_591 = tpu.vector_load %arg12[%get3A_590] {strides = array<i32>} : memref<10000xi32, #tpu.memory_space<vmem>>, vector<16xi32>,
        %add3A_592 = arith.addi %get3A_591, %broadcast_in_dim3A_258 : vector<16xi32>
        %swap3A_593 = arith.index_cast %add3A_567 : i32 to index
        %swap3A_594 = tpu.vector_load %arg14[%swap3A_593] masked %or3A_405 {strides = array<i32>} : memref<2240xi32, #tpu.memory_space<vmem>>, vector<16xi32>, vector<16xi1>
        tpu.vector_store %arg14[%swap3A_593], %get3A_575 masked %or3A_405 {strides = array<i32>} : memref<2240xi32, #tpu.memory_space<vmem>>, vector<16xi32>, vector<16xi1>
        %swap3A_595 = arith.index_cast %add3A_567 : i32 to index
        %swap3A_596 = tpu.vector_load %arg15[%swap3A_595] masked %or3A_405 {strides = array<i32>} : memref<2240xi32, #tpu.memory_space<vmem>>, vector<16xi32>, vector<16xi1>
        tpu.vector_store %arg15[%swap3A_595], %get3A_583 masked %or3A_405 {strides = array<i32>} : memref<2240xi32, #tpu.memory_space<vmem>>, vector<16xi32>, vector<16xi1>
        %swap3A_597 = arith.index_cast %add3A_567 : i32 to index
        %swap3A_598 = tpu.vector_load %arg16[%swap3A_597] masked %or3A_405 {strides = array<i32>} : memref<2240xi32, #tpu.memory_space<vmem>>, vector<16xi32>, vector<16xi1>
        tpu.vector_store %arg16[%swap3A_597], %add3A_592 masked %or3A_405 {strides = array<i32>} : memref<2240xi32, #tpu.memory_space<vmem>>, vector<16xi32>, vector<16xi1>
        %all_reduce_population_count3A_599 = tpu.all_reduce %or3A_405 {dim = 0 : i64, kind = #tpu.reduction_kind<sum>} : vector<16xi1> -> vector<16xi32>
        %slice3A_600 = vector.extract_strided_slice %all_reduce_population_count3A_599 {offsets = [0], sizes = [1], strides = [1]} : vector<16xi32> to vector<1xi32>
        %squeeze3A_601 = vector.extract %slice3A_600[0] : i32 from vector<1xi32>
        %add3A_602 = arith.addi %add3A_567, %squeeze3A_601 : i32
        %mul3A_603 = arith.constant 5 : i32
        %mul3A_604 = arith.muli %scan3A_289, %mul3A_603 : i32
        %add3A_605 = arith.constant 3 : i32
        %add3A_606 = arith.addi %mul3A_604, %add3A_605 : i32
        %mul3A_607 = arith.constant 16 : i32
        %mul3A_608 = arith.muli %add3A_606, %mul3A_607 : i32
        %get3A_609 = arith.index_cast %mul3A_608 : i32 to index
        %get3A_610 = tpu.vector_load %arg10[%get3A_609] {strides = array<i32>} : memref<10000xi32, #tpu.memory_space<vmem>>, vector<16xi32>,
        %mul3A_611 = arith.constant 5 : i32
        %mul3A_612 = arith.muli %scan3A_289, %mul3A_611 : i32
        %add3A_613 = arith.constant 3 : i32
        %add3A_614 = arith.addi %mul3A_612, %add3A_613 : i32
        %mul3A_615 = arith.constant 16 : i32
        %mul3A_616 = arith.muli %add3A_614, %mul3A_615 : i32
        %get3A_617 = arith.index_cast %mul3A_616 : i32 to index
        %get3A_618 = tpu.vector_load %arg11[%get3A_617] {strides = array<i32>} : memref<10000xi32, #tpu.memory_space<vmem>>, vector<16xi32>,
        %mul3A_619 = arith.constant 5 : i32
        %mul3A_620 = arith.muli %scan3A_289, %mul3A_619 : i32
        %add3A_621 = arith.constant 3 : i32
        %add3A_622 = arith.addi %mul3A_620, %add3A_621 : i32
        %mul3A_623 = arith.constant 16 : i32
        %mul3A_624 = arith.muli %add3A_622, %mul3A_623 : i32
        %get3A_625 = arith.index_cast %mul3A_624 : i32 to index
        %get3A_626 = tpu.vector_load %arg12[%get3A_625] {strides = array<i32>} : memref<10000xi32, #tpu.memory_space<vmem>>, vector<16xi32>,
        %add3A_627 = arith.addi %get3A_626, %broadcast_in_dim3A_258 : vector<16xi32>
        %swap3A_628 = arith.index_cast %add3A_602 : i32 to index
        %swap3A_629 = tpu.vector_load %arg14[%swap3A_628] masked %or3A_444 {strides = array<i32>} : memref<2240xi32, #tpu.memory_space<vmem>>, vector<16xi32>, vector<16xi1>
        tpu.vector_store %arg14[%swap3A_628], %get3A_610 masked %or3A_444 {strides = array<i32>} : memref<2240xi32, #tpu.memory_space<vmem>>, vector<16xi32>, vector<16xi1>
        %swap3A_630 = arith.index_cast %add3A_602 : i32 to index
        %swap3A_631 = tpu.vector_load %arg15[%swap3A_630] masked %or3A_444 {strides = array<i32>} : memref<2240xi32, #tpu.memory_space<vmem>>, vector<16xi32>, vector<16xi1>
        tpu.vector_store %arg15[%swap3A_630], %get3A_618 masked %or3A_444 {strides = array<i32>} : memref<2240xi32, #tpu.memory_space<vmem>>, vector<16xi32>, vector<16xi1>
        %swap3A_632 = arith.index_cast %add3A_602 : i32 to index
        %swap3A_633 = tpu.vector_load %arg16[%swap3A_632] masked %or3A_444 {strides = array<i32>} : memref<2240xi32, #tpu.memory_space<vmem>>, vector<16xi32>, vector<16xi1>
        tpu.vector_store %arg16[%swap3A_632], %add3A_627 masked %or3A_444 {strides = array<i32>} : memref<2240xi32, #tpu.memory_space<vmem>>, vector<16xi32>, vector<16xi1>
        %all_reduce_population_count3A_634 = tpu.all_reduce %or3A_444 {dim = 0 : i64, kind = #tpu.reduction_kind<sum>} : vector<16xi1> -> vector<16xi32>
        %slice3A_635 = vector.extract_strided_slice %all_reduce_population_count3A_634 {offsets = [0], sizes = [1], strides = [1]} : vector<16xi32> to vector<1xi32>
        %squeeze3A_636 = vector.extract %slice3A_635[0] : i32 from vector<1xi32>
        %add3A_637 = arith.addi %add3A_602, %squeeze3A_636 : i32
        %mul3A_638 = arith.constant 5 : i32
        %mul3A_639 = arith.muli %scan3A_289, %mul3A_638 : i32
        %add3A_640 = arith.constant 4 : i32
        %add3A_641 = arith.addi %mul3A_639, %add3A_640 : i32
        %mul3A_642 = arith.constant 16 : i32
        %mul3A_643 = arith.muli %add3A_641, %mul3A_642 : i32
        %get3A_644 = arith.index_cast %mul3A_643 : i32 to index
        %get3A_645 = tpu.vector_load %arg10[%get3A_644] {strides = array<i32>} : memref<10000xi32, #tpu.memory_space<vmem>>, vector<16xi32>,
        %mul3A_646 = arith.constant 5 : i32
        %mul3A_647 = arith.muli %scan3A_289, %mul3A_646 : i32
        %add3A_648 = arith.constant 4 : i32
        %add3A_649 = arith.addi %mul3A_647, %add3A_648 : i32
        %mul3A_650 = arith.constant 16 : i32
        %mul3A_651 = arith.muli %add3A_649, %mul3A_650 : i32
        %get3A_652 = arith.index_cast %mul3A_651 : i32 to index
        %get3A_653 = tpu.vector_load %arg11[%get3A_652] {strides = array<i32>} : memref<10000xi32, #tpu.memory_space<vmem>>, vector<16xi32>,
        %mul3A_654 = arith.constant 5 : i32
        %mul3A_655 = arith.muli %scan3A_289, %mul3A_654 : i32
        %add3A_656 = arith.constant 4 : i32
        %add3A_657 = arith.addi %mul3A_655, %add3A_656 : i32
        %mul3A_658 = arith.constant 16 : i32
        %mul3A_659 = arith.muli %add3A_657, %mul3A_658 : i32
        %get3A_660 = arith.index_cast %mul3A_659 : i32 to index
        %get3A_661 = tpu.vector_load %arg12[%get3A_660] {strides = array<i32>} : memref<10000xi32, #tpu.memory_space<vmem>>, vector<16xi32>,
        %add3A_662 = arith.addi %get3A_661, %broadcast_in_dim3A_258 : vector<16xi32>
        %swap3A_663 = arith.index_cast %add3A_637 : i32 to index
        %swap3A_664 = tpu.vector_load %arg14[%swap3A_663] masked %or3A_483 {strides = array<i32>} : memref<2240xi32, #tpu.memory_space<vmem>>, vector<16xi32>, vector<16xi1>
        tpu.vector_store %arg14[%swap3A_663], %get3A_645 masked %or3A_483 {strides = array<i32>} : memref<2240xi32, #tpu.memory_space<vmem>>, vector<16xi32>, vector<16xi1>
        %swap3A_665 = arith.index_cast %add3A_637 : i32 to index
        %swap3A_666 = tpu.vector_load %arg15[%swap3A_665] masked %or3A_483 {strides = array<i32>} : memref<2240xi32, #tpu.memory_space<vmem>>, vector<16xi32>, vector<16xi1>
        tpu.vector_store %arg15[%swap3A_665], %get3A_653 masked %or3A_483 {strides = array<i32>} : memref<2240xi32, #tpu.memory_space<vmem>>, vector<16xi32>, vector<16xi1>
        %swap3A_667 = arith.index_cast %add3A_637 : i32 to index
        %swap3A_668 = tpu.vector_load %arg16[%swap3A_667] masked %or3A_483 {strides = array<i32>} : memref<2240xi32, #tpu.memory_space<vmem>>, vector<16xi32>, vector<16xi1>
        tpu.vector_store %arg16[%swap3A_667], %add3A_662 masked %or3A_483 {strides = array<i32>} : memref<2240xi32, #tpu.memory_space<vmem>>, vector<16xi32>, vector<16xi1>
        %all_reduce_population_count3A_669 = tpu.all_reduce %or3A_483 {dim = 0 : i64, kind = #tpu.reduction_kind<sum>} : vector<16xi1> -> vector<16xi32>
        %slice3A_670 = vector.extract_strided_slice %all_reduce_population_count3A_669 {offsets = [0], sizes = [1], strides = [1]} : vector<16xi32> to vector<1xi32>
        %squeeze3A_671 = vector.extract %slice3A_670[0] : i32 from vector<1xi32>
        %add3A_672 = arith.addi %add3A_637, %squeeze3A_671 : i32
        scf.yield %add3A_672 : i32
      } else {
        scf.yield %scan3A_290 : i32
      }
      %ge3A = arith.constant 2048 : i32
      %ge3A_494 = arith.cmpi sge, %cond3A_493, %ge3A : i32
      %convert_element_type3A_495 = arith.extui %ge3A_494 : i1 to i32
      %cond3A_496 = arith.constant 0 : i32
      %cond3A_497 = arith.cmpi ne, %convert_element_type3A_495, %cond3A_496 : i32
      %cond3A_498 = scf.if %cond3A_497 -> (i32) {
        %add3A_499 = arith.constant 0 : i32
        %add3A_500 = arith.addi %cond3A_493, %add3A_499 : i32
        %swap3A = arith.index_cast %add3A_500 : i32 to index
        %swap3A_501 = tpu.vector_load %arg14[%swap3A] masked %broadcast_in_dim3A_264 {strides = array<i32>} : memref<2240xi32, #tpu.memory_space<vmem>>, vector<16xi32>, vector<16xi1>
        tpu.vector_store %arg14[%swap3A], %broadcast_in_dim3A_260 masked %broadcast_in_dim3A_264 {strides = array<i32>} : memref<2240xi32, #tpu.memory_space<vmem>>, vector<16xi32>, vector<16xi1>
        %add3A_502 = arith.constant 0 : i32
        %add3A_503 = arith.addi %cond3A_493, %add3A_502 : i32
        %swap3A_504 = arith.index_cast %add3A_503 : i32 to index
        %swap3A_505 = tpu.vector_load %arg15[%swap3A_504] masked %broadcast_in_dim3A_264 {strides = array<i32>} : memref<2240xi32, #tpu.memory_space<vmem>>, vector<16xi32>, vector<16xi1>
        tpu.vector_store %arg15[%swap3A_504], %broadcast_in_dim3A_260 masked %broadcast_in_dim3A_264 {strides = array<i32>} : memref<2240xi32, #tpu.memory_space<vmem>>, vector<16xi32>, vector<16xi1>
        %add3A_506 = arith.constant 0 : i32
        %add3A_507 = arith.addi %cond3A_493, %add3A_506 : i32
        %swap3A_508 = arith.index_cast %add3A_507 : i32 to index
        %swap3A_509 = tpu.vector_load %arg16[%swap3A_508] masked %broadcast_in_dim3A_264 {strides = array<i32>} : memref<2240xi32, #tpu.memory_space<vmem>>, vector<16xi32>, vector<16xi1>
        tpu.vector_store %arg16[%swap3A_508], %broadcast_in_dim3A_262 masked %broadcast_in_dim3A_264 {strides = array<i32>} : memref<2240xi32, #tpu.memory_space<vmem>>, vector<16xi32>, vector<16xi1>
        %add3A_510 = arith.constant 16 : i32
        %add3A_511 = arith.addi %cond3A_493, %add3A_510 : i32
        %swap3A_512 = arith.index_cast %add3A_511 : i32 to index
        %swap3A_513 = tpu.vector_load %arg14[%swap3A_512] masked %broadcast_in_dim3A_264 {strides = array<i32>} : memref<2240xi32, #tpu.memory_space<vmem>>, vector<16xi32>, vector<16xi1>
        tpu.vector_store %arg14[%swap3A_512], %broadcast_in_dim3A_260 masked %broadcast_in_dim3A_264 {strides = array<i32>} : memref<2240xi32, #tpu.memory_space<vmem>>, vector<16xi32>, vector<16xi1>
        %add3A_514 = arith.constant 16 : i32
        %add3A_515 = arith.addi %cond3A_493, %add3A_514 : i32
        %swap3A_516 = arith.index_cast %add3A_515 : i32 to index
        %swap3A_517 = tpu.vector_load %arg15[%swap3A_516] masked %broadcast_in_dim3A_264 {strides = array<i32>} : memref<2240xi32, #tpu.memory_space<vmem>>, vector<16xi32>, vector<16xi1>
        tpu.vector_store %arg15[%swap3A_516], %broadcast_in_dim3A_260 masked %broadcast_in_dim3A_264 {strides = array<i32>} : memref<2240xi32, #tpu.memory_space<vmem>>, vector<16xi32>, vector<16xi1>
        %add3A_518 = arith.constant 16 : i32
        %add3A_519 = arith.addi %cond3A_493, %add3A_518 : i32
        %swap3A_520 = arith.index_cast %add3A_519 : i32 to index
        %swap3A_521 = tpu.vector_load %arg16[%swap3A_520] masked %broadcast_in_dim3A_264 {strides = array<i32>} : memref<2240xi32, #tpu.memory_space<vmem>>, vector<16xi32>, vector<16xi1>
        tpu.vector_store %arg16[%swap3A_520], %broadcast_in_dim3A_262 masked %broadcast_in_dim3A_264 {strides = array<i32>} : memref<2240xi32, #tpu.memory_space<vmem>>, vector<16xi32>, vector<16xi1>
        %add3A_522 = arith.constant 32 : i32
        %add3A_523 = arith.addi %cond3A_493, %add3A_522 : i32
        %sub3A = arith.constant 1 : i32
        %sub3A_524 = arith.subi %add3A_523, %sub3A : i32
        %jit3A = arith.constant 32 : i32
        %div3A = arith.divsi %sub3A_524, %jit3A : i32
        %sign3A = arith.constant 0 : i32
        %sign3A_525 = arith.cmpi sgt, %sub3A_524, %sign3A : i32
        %sign3A_526 = arith.extui %sign3A_525 : i1 to i32
        %sign3A_527 = arith.constant 0 : i32
        %sign3A_528 = arith.cmpi slt, %sub3A_524, %sign3A_527 : i32
        %sign3A_529 = arith.extui %sign3A_528 : i1 to i32
        %sign3A_530 = arith.subi %sign3A_526, %sign3A_529 : i32
        %sign3A_531 = arith.constant 0 : i32
        %sign3A_532 = arith.cmpi sgt, %jit3A, %sign3A_531 : i32
        %sign3A_533 = arith.extui %sign3A_532 : i1 to i32
        %sign3A_534 = arith.constant 0 : i32
        %sign3A_535 = arith.cmpi slt, %jit3A, %sign3A_534 : i32
        %sign3A_536 = arith.extui %sign3A_535 : i1 to i32
        %sign3A_537 = arith.subi %sign3A_533, %sign3A_536 : i32
        %ne3A_538 = arith.cmpi ne, %sign3A_530, %sign3A_537 : i32
        %rem3A = arith.remsi %sub3A_524, %jit3A : i32
        %ne3A_539 = arith.constant 0 : i32
        %ne3A_540 = arith.cmpi ne, %rem3A, %ne3A_539 : i32
        %and3A_541 = arith.andi %ne3A_538, %ne3A_540 : i1
        %sub3A_542 = arith.constant 1 : i32
        %sub3A_543 = arith.subi %div3A, %sub3A_542 : i32
        %select_n3A_544 = arith.select %and3A_541, %sub3A_543, %div3A : i32
        %while3A = arith.constant 0 : i32
        %while3A_545 = arith.constant 0 : i32
        %while3A_546 = arith.subi %select_n3A_544, %while3A_545 : i32
        %while3A_547 = arith.addi %while3A_545, %while3A_546 : i32
        %while3A_548 = arith.constant 1 : i32
        %while3A_549 = arith.divsi %while3A_546, %while3A_548 : i32
        %while3A_550 = arith.muli %while3A_549, %while3A_548 : i32
        %while3A_551 = arith.addi %while3A_545, %while3A_550 : i32
        %while3A_552 = arith.constant 1 : i32
        scf.for %while3A_555 = %while3A_545 to %while3A_551 step %while3A_552  : i32 {
          %mul3A_556 = arith.constant 32 : i32
          %mul3A_557 = arith.muli %while3A_555, %mul3A_556 : i32
          %add3A_558 = arith.constant 0 : i32
          %add3A_559 = arith.addi %mul3A_557, %add3A_558 : i32
          %get3A_560 = arith.index_cast %add3A_559 : i32 to index
          %get3A_561 = tpu.vector_load %arg14[%get3A_560] {strides = array<i32>} : memref<2240xi32, #tpu.memory_space<vmem>>, vector<16xi32>,
          %swap3A_562 = arith.constant 0 : index
          %swap3A_563 = tpu.vector_load %arg17[%swap3A_562] {strides = array<i32>} : memref<32xi32, #tpu.memory_space<vmem>>, vector<16xi32>,
          tpu.vector_store %arg17[%swap3A_562], %get3A_561 {strides = array<i32>} : memref<32xi32, #tpu.memory_space<vmem>>, vector<16xi32>,
          %add3A_564 = arith.constant 0 : i32
          %add3A_565 = arith.addi %mul3A_557, %add3A_564 : i32
          %get3A_566 = arith.index_cast %add3A_565 : i32 to index
          %get3A_567 = tpu.vector_load %arg15[%get3A_566] {strides = array<i32>} : memref<2240xi32, #tpu.memory_space<vmem>>, vector<16xi32>,
          %swap3A_568 = arith.constant 0 : index
          %swap3A_569 = tpu.vector_load %arg18[%swap3A_568] {strides = array<i32>} : memref<32xi32, #tpu.memory_space<vmem>>, vector<16xi32>,
          tpu.vector_store %arg18[%swap3A_568], %get3A_567 {strides = array<i32>} : memref<32xi32, #tpu.memory_space<vmem>>, vector<16xi32>,
          %add3A_570 = arith.constant 0 : i32
          %add3A_571 = arith.addi %mul3A_557, %add3A_570 : i32
          %get3A_572 = arith.index_cast %add3A_571 : i32 to index
          %get3A_573 = tpu.vector_load %arg16[%get3A_572] {strides = array<i32>} : memref<2240xi32, #tpu.memory_space<vmem>>, vector<16xi32>,
          %swap3A_574 = arith.constant 0 : index
          %swap3A_575 = tpu.vector_load %arg19[%swap3A_574] {strides = array<i32>} : memref<32xi32, #tpu.memory_space<vmem>>, vector<16xi32>,
          tpu.vector_store %arg19[%swap3A_574], %get3A_573 {strides = array<i32>} : memref<32xi32, #tpu.memory_space<vmem>>, vector<16xi32>,
          %add3A_576 = arith.constant 16 : i32
          %add3A_577 = arith.addi %mul3A_557, %add3A_576 : i32
          %get3A_578 = arith.index_cast %add3A_577 : i32 to index
          %get3A_579 = tpu.vector_load %arg14[%get3A_578] {strides = array<i32>} : memref<2240xi32, #tpu.memory_space<vmem>>, vector<16xi32>,
          %swap3A_580 = arith.constant 16 : index
          %swap3A_581 = tpu.vector_load %arg17[%swap3A_580] {strides = array<i32>} : memref<32xi32, #tpu.memory_space<vmem>>, vector<16xi32>,
          tpu.vector_store %arg17[%swap3A_580], %get3A_579 {strides = array<i32>} : memref<32xi32, #tpu.memory_space<vmem>>, vector<16xi32>,
          %add3A_582 = arith.constant 16 : i32
          %add3A_583 = arith.addi %mul3A_557, %add3A_582 : i32
          %get3A_584 = arith.index_cast %add3A_583 : i32 to index
          %get3A_585 = tpu.vector_load %arg15[%get3A_584] {strides = array<i32>} : memref<2240xi32, #tpu.memory_space<vmem>>, vector<16xi32>,
          %swap3A_586 = arith.constant 16 : index
          %swap3A_587 = tpu.vector_load %arg18[%swap3A_586] {strides = array<i32>} : memref<32xi32, #tpu.memory_space<vmem>>, vector<16xi32>,
          tpu.vector_store %arg18[%swap3A_586], %get3A_585 {strides = array<i32>} : memref<32xi32, #tpu.memory_space<vmem>>, vector<16xi32>,
          %add3A_588 = arith.constant 16 : i32
          %add3A_589 = arith.addi %mul3A_557, %add3A_588 : i32
          %get3A_590 = arith.index_cast %add3A_589 : i32 to index
          %get3A_591 = tpu.vector_load %arg16[%get3A_590] {strides = array<i32>} : memref<2240xi32, #tpu.memory_space<vmem>>, vector<16xi32>,
          %swap3A_592 = arith.constant 16 : index
          %swap3A_593 = tpu.vector_load %arg19[%swap3A_592] {strides = array<i32>} : memref<32xi32, #tpu.memory_space<vmem>>, vector<16xi32>,
          tpu.vector_store %arg19[%swap3A_592], %get3A_591 {strides = array<i32>} : memref<32xi32, #tpu.memory_space<vmem>>, vector<16xi32>,
          %dma_start3A_594 = arith.constant 0 : i32
          %dma_start3A_595 = arith.constant 0 : i32
          %dma_start3A_596 = tpu.memref_slice %arg5[%dma_start3A_594, %dma_start3A_595] : memref<10240x128xf32, #tpu.memory_space<hbm>> -> memref<10240x128xf32, #tpu.memory_space<hbm>>
          tpu.enqueue_indirect_dma source(%dma_start3A_596 : memref<10240x128xf32, #tpu.memory_space<hbm>>) target(%arg20 : memref<32x128xf32, #tpu.memory_space<vmem>>) offsets(%arg17 : memref<32xi32, #tpu.memory_space<vmem>>) semaphore(%arg23 : memref<!tpu.dma_semaphore, #tpu.memory_space<semaphore_mem>>)
          %dma_start3A_597 = arith.constant 0 : i32
          %dma_start3A_598 = arith.constant 0 : i32
          %dma_start3A_599 = tpu.memref_slice %arg6[%dma_start3A_597, %dma_start3A_598] : memref<40x128xf32, #tpu.memory_space<hbm>> -> memref<40x128xf32, #tpu.memory_space<hbm>>
          tpu.enqueue_indirect_dma source(%dma_start3A_599 : memref<40x128xf32, #tpu.memory_space<hbm>>) target(%arg21 : memref<32x128xf32, #tpu.memory_space<vmem>>) offsets(%arg19 : memref<32xi32, #tpu.memory_space<vmem>>) semaphore(%arg24 : memref<!tpu.dma_semaphore, #tpu.memory_space<semaphore_mem>>)
          %dma_wait3A_600 = arith.constant 0 : i32
          %dma_wait3A_601 = arith.constant 0 : i32
          %dma_wait3A_602 = tpu.memref_slice %arg5[%dma_wait3A_600, %dma_wait3A_601] : memref<10240x128xf32, #tpu.memory_space<hbm>> -> memref<10240x128xf32, #tpu.memory_space<hbm>>
          tpu.wait_indirect_dma semaphore(%arg23 : memref<!tpu.dma_semaphore, #tpu.memory_space<semaphore_mem>>) src(%dma_wait3A_602 : memref<10240x128xf32, #tpu.memory_space<hbm>>) dst(%arg20 : memref<32x128xf32, #tpu.memory_space<vmem>>)
          %dma_wait3A_603 = arith.constant 0 : i32
          %dma_wait3A_604 = arith.constant 0 : i32
          %dma_wait3A_605 = tpu.memref_slice %arg6[%dma_wait3A_603, %dma_wait3A_604] : memref<40x128xf32, #tpu.memory_space<hbm>> -> memref<40x128xf32, #tpu.memory_space<hbm>>
          tpu.wait_indirect_dma semaphore(%arg24 : memref<!tpu.dma_semaphore, #tpu.memory_space<semaphore_mem>>) src(%dma_wait3A_605 : memref<40x128xf32, #tpu.memory_space<hbm>>) dst(%arg21 : memref<32x128xf32, #tpu.memory_space<vmem>>)
          %add3A_606 = arith.constant 0 : i32
          %add3A_607 = vector.broadcast %add3A_606 : i32 to vector<16xi32>
          %add3A_608 = arith.addi %add3A_607, %iota3A : vector<16xi32>
          %scan3A_609 = arith.constant 0 : i32
          %scan3A_610 = arith.constant 0 : i32
          %scan3A_611 = arith.constant 128 : i32
          %scan3A_612 = arith.addi %scan3A_610, %scan3A_611 : i32
          %scan3A_613 = arith.constant 1 : i32
          scf.for %scan3A_624 = %scan3A_610 to %scan3A_612 step %scan3A_613  : i32 {
            %broadcast_in_dim3A_625 = vector.broadcast %scan3A_624 : i32 to vector<16xi32>
            %gather3A = tpu.vector_load_idx %arg20[%add3A_608, %broadcast_in_dim3A_625] : memref<32x128xf32, #tpu.memory_space<vmem>>[vector<16xi32>, vector<16xi32>], vector<16xf32>,
            %gather3A_626 = tpu.vector_load_idx %arg21[%add3A_608, %broadcast_in_dim3A_625] : memref<32x128xf32, #tpu.memory_space<vmem>>[vector<16xi32>, vector<16xi32>], vector<16xf32>,
            %mul3A_627 = arith.mulf %gather3A, %gather3A_626 : vector<16xf32>
            tpu.vector_store_idx %arg20[%add3A_608, %broadcast_in_dim3A_625], %mul3A_627 : memref<32x128xf32, #tpu.memory_space<vmem>>[vector<16xi32>, vector<16xi32>], vector<16xf32>,
          }
          %scan3A_614 = arith.constant 128 : i32
          %add3A_615 = arith.constant 16 : i32
          %add3A_616 = vector.broadcast %add3A_615 : i32 to vector<16xi32>
          %add3A_617 = arith.addi %add3A_616, %iota3A : vector<16xi32>
          %scan3A_618 = arith.constant 0 : i32
          %scan3A_619 = arith.constant 0 : i32
          %scan3A_620 = arith.constant 128 : i32
          %scan3A_621 = arith.addi %scan3A_619, %scan3A_620 : i32
          %scan3A_622 = arith.constant 1 : i32
          scf.for %scan3A_624 = %scan3A_619 to %scan3A_621 step %scan3A_622  : i32 {
            %broadcast_in_dim3A_625 = vector.broadcast %scan3A_624 : i32 to vector<16xi32>
            %gather3A = tpu.vector_load_idx %arg20[%add3A_617, %broadcast_in_dim3A_625] : memref<32x128xf32, #tpu.memory_space<vmem>>[vector<16xi32>, vector<16xi32>], vector<16xf32>,
            %gather3A_626 = tpu.vector_load_idx %arg21[%add3A_617, %broadcast_in_dim3A_625] : memref<32x128xf32, #tpu.memory_space<vmem>>[vector<16xi32>, vector<16xi32>], vector<16xf32>,
            %mul3A_627 = arith.mulf %gather3A, %gather3A_626 : vector<16xf32>
            tpu.vector_store_idx %arg20[%add3A_617, %broadcast_in_dim3A_625], %mul3A_627 : memref<32x128xf32, #tpu.memory_space<vmem>>[vector<16xi32>, vector<16xi32>], vector<16xf32>,
          }
          %scan3A_623 = arith.constant 128 : i32
          "tpu.region"() ({
            %run_scoped3A = tpu.sem_alloc : memref<!tpu.dma_semaphore, #tpu.memory_space<semaphore_mem>>
            %dma_start3A_624 = arith.constant 0 : i32
            %dma_start3A_625 = arith.constant 0 : i32
            %dma_start3A_626 = tpu.memref_slice %arg22[%dma_start3A_624, %dma_start3A_625] : memref<10240x128xf32, #tpu.memory_space<vmem_shared>> -> memref<10240x128xf32, #tpu.memory_space<vmem_shared>>
            tpu.enqueue_indirect_dma source(%arg20 : memref<32x128xf32, #tpu.memory_space<vmem>>) target(%dma_start3A_626 : memref<10240x128xf32, #tpu.memory_space<vmem_shared>>) offsets(%arg18 : memref<32xi32, #tpu.memory_space<vmem>>) semaphore(%run_scoped3A : memref<!tpu.dma_semaphore, #tpu.memory_space<semaphore_mem>>) {add = true}
            %dma_wait3A_627 = arith.constant 0 : i32
            %dma_wait3A_628 = arith.constant 0 : i32
            %dma_wait3A_629 = tpu.memref_slice %arg22[%dma_wait3A_627, %dma_wait3A_628] : memref<10240x128xf32, #tpu.memory_space<vmem_shared>> -> memref<10240x128xf32, #tpu.memory_space<vmem_shared>>
            tpu.wait_indirect_dma semaphore(%run_scoped3A : memref<!tpu.dma_semaphore, #tpu.memory_space<semaphore_mem>>) src(%arg20 : memref<32x128xf32, #tpu.memory_space<vmem>>) dst(%dma_wait3A_629 : memref<10240x128xf32, #tpu.memory_space<vmem_shared>>)
            tpu.yield
          }) : () -> ()
        }
        %while3A_553 = arith.constant 1 : i32
        scf.for %while3A_555 = %while3A_551 to %while3A_547 step %while3A_553  : i32 {
          %mul3A_556 = arith.constant 32 : i32
          %mul3A_557 = arith.muli %while3A_555, %mul3A_556 : i32
          %add3A_558 = arith.constant 0 : i32
          %add3A_559 = arith.addi %mul3A_557, %add3A_558 : i32
          %get3A_560 = arith.index_cast %add3A_559 : i32 to index
          %get3A_561 = tpu.vector_load %arg14[%get3A_560] {strides = array<i32>} : memref<2240xi32, #tpu.memory_space<vmem>>, vector<16xi32>,
          %swap3A_562 = arith.constant 0 : index
          %swap3A_563 = tpu.vector_load %arg17[%swap3A_562] {strides = array<i32>} : memref<32xi32, #tpu.memory_space<vmem>>, vector<16xi32>,
          tpu.vector_store %arg17[%swap3A_562], %get3A_561 {strides = array<i32>} : memref<32xi32, #tpu.memory_space<vmem>>, vector<16xi32>,
          %add3A_564 = arith.constant 0 : i32
          %add3A_565 = arith.addi %mul3A_557, %add3A_564 : i32
          %get3A_566 = arith.index_cast %add3A_565 : i32 to index
          %get3A_567 = tpu.vector_load %arg15[%get3A_566] {strides = array<i32>} : memref<2240xi32, #tpu.memory_space<vmem>>, vector<16xi32>,
          %swap3A_568 = arith.constant 0 : index
          %swap3A_569 = tpu.vector_load %arg18[%swap3A_568] {strides = array<i32>} : memref<32xi32, #tpu.memory_space<vmem>>, vector<16xi32>,
          tpu.vector_store %arg18[%swap3A_568], %get3A_567 {strides = array<i32>} : memref<32xi32, #tpu.memory_space<vmem>>, vector<16xi32>,
          %add3A_570 = arith.constant 0 : i32
          %add3A_571 = arith.addi %mul3A_557, %add3A_570 : i32
          %get3A_572 = arith.index_cast %add3A_571 : i32 to index
          %get3A_573 = tpu.vector_load %arg16[%get3A_572] {strides = array<i32>} : memref<2240xi32, #tpu.memory_space<vmem>>, vector<16xi32>,
          %swap3A_574 = arith.constant 0 : index
          %swap3A_575 = tpu.vector_load %arg19[%swap3A_574] {strides = array<i32>} : memref<32xi32, #tpu.memory_space<vmem>>, vector<16xi32>,
          tpu.vector_store %arg19[%swap3A_574], %get3A_573 {strides = array<i32>} : memref<32xi32, #tpu.memory_space<vmem>>, vector<16xi32>,
          %add3A_576 = arith.constant 16 : i32
          %add3A_577 = arith.addi %mul3A_557, %add3A_576 : i32
          %get3A_578 = arith.index_cast %add3A_577 : i32 to index
          %get3A_579 = tpu.vector_load %arg14[%get3A_578] {strides = array<i32>} : memref<2240xi32, #tpu.memory_space<vmem>>, vector<16xi32>,
          %swap3A_580 = arith.constant 16 : index
          %swap3A_581 = tpu.vector_load %arg17[%swap3A_580] {strides = array<i32>} : memref<32xi32, #tpu.memory_space<vmem>>, vector<16xi32>,
          tpu.vector_store %arg17[%swap3A_580], %get3A_579 {strides = array<i32>} : memref<32xi32, #tpu.memory_space<vmem>>, vector<16xi32>,
          %add3A_582 = arith.constant 16 : i32
          %add3A_583 = arith.addi %mul3A_557, %add3A_582 : i32
          %get3A_584 = arith.index_cast %add3A_583 : i32 to index
          %get3A_585 = tpu.vector_load %arg15[%get3A_584] {strides = array<i32>} : memref<2240xi32, #tpu.memory_space<vmem>>, vector<16xi32>,
          %swap3A_586 = arith.constant 16 : index
          %swap3A_587 = tpu.vector_load %arg18[%swap3A_586] {strides = array<i32>} : memref<32xi32, #tpu.memory_space<vmem>>, vector<16xi32>,
          tpu.vector_store %arg18[%swap3A_586], %get3A_585 {strides = array<i32>} : memref<32xi32, #tpu.memory_space<vmem>>, vector<16xi32>,
          %add3A_588 = arith.constant 16 : i32
          %add3A_589 = arith.addi %mul3A_557, %add3A_588 : i32
          %get3A_590 = arith.index_cast %add3A_589 : i32 to index
          %get3A_591 = tpu.vector_load %arg16[%get3A_590] {strides = array<i32>} : memref<2240xi32, #tpu.memory_space<vmem>>, vector<16xi32>,
          %swap3A_592 = arith.constant 16 : index
          %swap3A_593 = tpu.vector_load %arg19[%swap3A_592] {strides = array<i32>} : memref<32xi32, #tpu.memory_space<vmem>>, vector<16xi32>,
          tpu.vector_store %arg19[%swap3A_592], %get3A_591 {strides = array<i32>} : memref<32xi32, #tpu.memory_space<vmem>>, vector<16xi32>,
          %dma_start3A_594 = arith.constant 0 : i32
          %dma_start3A_595 = arith.constant 0 : i32
          %dma_start3A_596 = tpu.memref_slice %arg5[%dma_start3A_594, %dma_start3A_595] : memref<10240x128xf32, #tpu.memory_space<hbm>> -> memref<10240x128xf32, #tpu.memory_space<hbm>>
          tpu.enqueue_indirect_dma source(%dma_start3A_596 : memref<10240x128xf32, #tpu.memory_space<hbm>>) target(%arg20 : memref<32x128xf32, #tpu.memory_space<vmem>>) offsets(%arg17 : memref<32xi32, #tpu.memory_space<vmem>>) semaphore(%arg23 : memref<!tpu.dma_semaphore, #tpu.memory_space<semaphore_mem>>)
          %dma_start3A_597 = arith.constant 0 : i32
          %dma_start3A_598 = arith.constant 0 : i32
          %dma_start3A_599 = tpu.memref_slice %arg6[%dma_start3A_597, %dma_start3A_598] : memref<40x128xf32, #tpu.memory_space<hbm>> -> memref<40x128xf32, #tpu.memory_space<hbm>>
          tpu.enqueue_indirect_dma source(%dma_start3A_599 : memref<40x128xf32, #tpu.memory_space<hbm>>) target(%arg21 : memref<32x128xf32, #tpu.memory_space<vmem>>) offsets(%arg19 : memref<32xi32, #tpu.memory_space<vmem>>) semaphore(%arg24 : memref<!tpu.dma_semaphore, #tpu.memory_space<semaphore_mem>>)
          %dma_wait3A_600 = arith.constant 0 : i32
          %dma_wait3A_601 = arith.constant 0 : i32
          %dma_wait3A_602 = tpu.memref_slice %arg5[%dma_wait3A_600, %dma_wait3A_601] : memref<10240x128xf32, #tpu.memory_space<hbm>> -> memref<10240x128xf32, #tpu.memory_space<hbm>>
          tpu.wait_indirect_dma semaphore(%arg23 : memref<!tpu.dma_semaphore, #tpu.memory_space<semaphore_mem>>) src(%dma_wait3A_602 : memref<10240x128xf32, #tpu.memory_space<hbm>>) dst(%arg20 : memref<32x128xf32, #tpu.memory_space<vmem>>)
          %dma_wait3A_603 = arith.constant 0 : i32
          %dma_wait3A_604 = arith.constant 0 : i32
          %dma_wait3A_605 = tpu.memref_slice %arg6[%dma_wait3A_603, %dma_wait3A_604] : memref<40x128xf32, #tpu.memory_space<hbm>> -> memref<40x128xf32, #tpu.memory_space<hbm>>
          tpu.wait_indirect_dma semaphore(%arg24 : memref<!tpu.dma_semaphore, #tpu.memory_space<semaphore_mem>>) src(%dma_wait3A_605 : memref<40x128xf32, #tpu.memory_space<hbm>>) dst(%arg21 : memref<32x128xf32, #tpu.memory_space<vmem>>)
          %add3A_606 = arith.constant 0 : i32
          %add3A_607 = vector.broadcast %add3A_606 : i32 to vector<16xi32>
          %add3A_608 = arith.addi %add3A_607, %iota3A : vector<16xi32>
          %scan3A_609 = arith.constant 0 : i32
          %scan3A_610 = arith.constant 0 : i32
          %scan3A_611 = arith.constant 128 : i32
          %scan3A_612 = arith.addi %scan3A_610, %scan3A_611 : i32
          %scan3A_613 = arith.constant 1 : i32
          scf.for %scan3A_624 = %scan3A_610 to %scan3A_612 step %scan3A_613  : i32 {
            %broadcast_in_dim3A_625 = vector.broadcast %scan3A_624 : i32 to vector<16xi32>
            %gather3A = tpu.vector_load_idx %arg20[%add3A_608, %broadcast_in_dim3A_625] : memref<32x128xf32, #tpu.memory_space<vmem>>[vector<16xi32>, vector<16xi32>], vector<16xf32>,
            %gather3A_626 = tpu.vector_load_idx %arg21[%add3A_608, %broadcast_in_dim3A_625] : memref<32x128xf32, #tpu.memory_space<vmem>>[vector<16xi32>, vector<16xi32>], vector<16xf32>,
            %mul3A_627 = arith.mulf %gather3A, %gather3A_626 : vector<16xf32>
            tpu.vector_store_idx %arg20[%add3A_608, %broadcast_in_dim3A_625], %mul3A_627 : memref<32x128xf32, #tpu.memory_space<vmem>>[vector<16xi32>, vector<16xi32>], vector<16xf32>,
          }
          %scan3A_614 = arith.constant 128 : i32
          %add3A_615 = arith.constant 16 : i32
          %add3A_616 = vector.broadcast %add3A_615 : i32 to vector<16xi32>
          %add3A_617 = arith.addi %add3A_616, %iota3A : vector<16xi32>
          %scan3A_618 = arith.constant 0 : i32
          %scan3A_619 = arith.constant 0 : i32
          %scan3A_620 = arith.constant 128 : i32
          %scan3A_621 = arith.addi %scan3A_619, %scan3A_620 : i32
          %scan3A_622 = arith.constant 1 : i32
          scf.for %scan3A_624 = %scan3A_619 to %scan3A_621 step %scan3A_622  : i32 {
            %broadcast_in_dim3A_625 = vector.broadcast %scan3A_624 : i32 to vector<16xi32>
            %gather3A = tpu.vector_load_idx %arg20[%add3A_617, %broadcast_in_dim3A_625] : memref<32x128xf32, #tpu.memory_space<vmem>>[vector<16xi32>, vector<16xi32>], vector<16xf32>,
            %gather3A_626 = tpu.vector_load_idx %arg21[%add3A_617, %broadcast_in_dim3A_625] : memref<32x128xf32, #tpu.memory_space<vmem>>[vector<16xi32>, vector<16xi32>], vector<16xf32>,
            %mul3A_627 = arith.mulf %gather3A, %gather3A_626 : vector<16xf32>
            tpu.vector_store_idx %arg20[%add3A_617, %broadcast_in_dim3A_625], %mul3A_627 : memref<32x128xf32, #tpu.memory_space<vmem>>[vector<16xi32>, vector<16xi32>], vector<16xf32>,
          }
          %scan3A_623 = arith.constant 128 : i32
          "tpu.region"() ({
            %run_scoped3A = tpu.sem_alloc : memref<!tpu.dma_semaphore, #tpu.memory_space<semaphore_mem>>
            %dma_start3A_624 = arith.constant 0 : i32
            %dma_start3A_625 = arith.constant 0 : i32
            %dma_start3A_626 = tpu.memref_slice %arg22[%dma_start3A_624, %dma_start3A_625] : memref<10240x128xf32, #tpu.memory_space<vmem_shared>> -> memref<10240x128xf32, #tpu.memory_space<vmem_shared>>
            tpu.enqueue_indirect_dma source(%arg20 : memref<32x128xf32, #tpu.memory_space<vmem>>) target(%dma_start3A_626 : memref<10240x128xf32, #tpu.memory_space<vmem_shared>>) offsets(%arg18 : memref<32xi32, #tpu.memory_space<vmem>>) semaphore(%run_scoped3A : memref<!tpu.dma_semaphore, #tpu.memory_space<semaphore_mem>>) {add = true}
            %dma_wait3A_627 = arith.constant 0 : i32
            %dma_wait3A_628 = arith.constant 0 : i32
            %dma_wait3A_629 = tpu.memref_slice %arg22[%dma_wait3A_627, %dma_wait3A_628] : memref<10240x128xf32, #tpu.memory_space<vmem_shared>> -> memref<10240x128xf32, #tpu.memory_space<vmem_shared>>
            tpu.wait_indirect_dma semaphore(%run_scoped3A : memref<!tpu.dma_semaphore, #tpu.memory_space<semaphore_mem>>) src(%arg20 : memref<32x128xf32, #tpu.memory_space<vmem>>) dst(%dma_wait3A_629 : memref<10240x128xf32, #tpu.memory_space<vmem_shared>>)
            tpu.yield
          }) : () -> ()
        }
        %cond3A_554 = arith.constant 0 : i32
        scf.yield %cond3A_554 : i32
      } else {
        scf.yield %cond3A_493 : i32
      }
      scf.yield %cond3A_498 : i32
    }
    %scan3A_270 = arith.constant 125 : i32
    %gt3A = arith.constant 0 : i32
    %gt3A_271 = arith.cmpi sgt, %scan3A_269, %gt3A : i32
    %convert_element_type3A_272 = arith.extui %gt3A_271 : i1 to i32
    %cond3A_273 = arith.constant 0 : i32
    %cond3A_274 = arith.cmpi ne, %convert_element_type3A_272, %cond3A_273 : i32
    %cond3A_275 = scf.if %cond3A_274 -> (i32) {
      %add3A = arith.constant 0 : i32
      %add3A_289 = arith.addi %scan3A_269, %add3A : i32
      %swap3A = arith.index_cast %add3A_289 : i32 to index
      %swap3A_290 = tpu.vector_load %arg14[%swap3A] masked %broadcast_in_dim3A_264 {strides = array<i32>} : memref<2240xi32, #tpu.memory_space<vmem>>, vector<16xi32>, vector<16xi1>
      tpu.vector_store %arg14[%swap3A], %broadcast_in_dim3A_260 masked %broadcast_in_dim3A_264 {strides = array<i32>} : memref<2240xi32, #tpu.memory_space<vmem>>, vector<16xi32>, vector<16xi1>
      %add3A_291 = arith.constant 0 : i32
      %add3A_292 = arith.addi %scan3A_269, %add3A_291 : i32
      %swap3A_293 = arith.index_cast %add3A_292 : i32 to index
      %swap3A_294 = tpu.vector_load %arg15[%swap3A_293] masked %broadcast_in_dim3A_264 {strides = array<i32>} : memref<2240xi32, #tpu.memory_space<vmem>>, vector<16xi32>, vector<16xi1>
      tpu.vector_store %arg15[%swap3A_293], %broadcast_in_dim3A_260 masked %broadcast_in_dim3A_264 {strides = array<i32>} : memref<2240xi32, #tpu.memory_space<vmem>>, vector<16xi32>, vector<16xi1>
      %add3A_295 = arith.constant 0 : i32
      %add3A_296 = arith.addi %scan3A_269, %add3A_295 : i32
      %swap3A_297 = arith.index_cast %add3A_296 : i32 to index
      %swap3A_298 = tpu.vector_load %arg16[%swap3A_297] masked %broadcast_in_dim3A_264 {strides = array<i32>} : memref<2240xi32, #tpu.memory_space<vmem>>, vector<16xi32>, vector<16xi1>
      tpu.vector_store %arg16[%swap3A_297], %broadcast_in_dim3A_262 masked %broadcast_in_dim3A_264 {strides = array<i32>} : memref<2240xi32, #tpu.memory_space<vmem>>, vector<16xi32>, vector<16xi1>
      %add3A_299 = arith.constant 16 : i32
      %add3A_300 = arith.addi %scan3A_269, %add3A_299 : i32
      %swap3A_301 = arith.index_cast %add3A_300 : i32 to index
      %swap3A_302 = tpu.vector_load %arg14[%swap3A_301] masked %broadcast_in_dim3A_264 {strides = array<i32>} : memref<2240xi32, #tpu.memory_space<vmem>>, vector<16xi32>, vector<16xi1>
      tpu.vector_store %arg14[%swap3A_301], %broadcast_in_dim3A_260 masked %broadcast_in_dim3A_264 {strides = array<i32>} : memref<2240xi32, #tpu.memory_space<vmem>>, vector<16xi32>, vector<16xi1>
      %add3A_303 = arith.constant 16 : i32
      %add3A_304 = arith.addi %scan3A_269, %add3A_303 : i32
      %swap3A_305 = arith.index_cast %add3A_304 : i32 to index
      %swap3A_306 = tpu.vector_load %arg15[%swap3A_305] masked %broadcast_in_dim3A_264 {strides = array<i32>} : memref<2240xi32, #tpu.memory_space<vmem>>, vector<16xi32>, vector<16xi1>
      tpu.vector_store %arg15[%swap3A_305], %broadcast_in_dim3A_260 masked %broadcast_in_dim3A_264 {strides = array<i32>} : memref<2240xi32, #tpu.memory_space<vmem>>, vector<16xi32>, vector<16xi1>
      %add3A_307 = arith.constant 16 : i32
      %add3A_308 = arith.addi %scan3A_269, %add3A_307 : i32
      %swap3A_309 = arith.index_cast %add3A_308 : i32 to index
      %swap3A_310 = tpu.vector_load %arg16[%swap3A_309] masked %broadcast_in_dim3A_264 {strides = array<i32>} : memref<2240xi32, #tpu.memory_space<vmem>>, vector<16xi32>, vector<16xi1>
      tpu.vector_store %arg16[%swap3A_309], %broadcast_in_dim3A_262 masked %broadcast_in_dim3A_264 {strides = array<i32>} : memref<2240xi32, #tpu.memory_space<vmem>>, vector<16xi32>, vector<16xi1>
      %add3A_311 = arith.constant 32 : i32
      %add3A_312 = arith.addi %scan3A_269, %add3A_311 : i32
      %sub3A = arith.constant 1 : i32
      %sub3A_313 = arith.subi %add3A_312, %sub3A : i32
      %jit3A = arith.constant 32 : i32
      %div3A = arith.divsi %sub3A_313, %jit3A : i32
      %sign3A = arith.constant 0 : i32
      %sign3A_314 = arith.cmpi sgt, %sub3A_313, %sign3A : i32
      %sign3A_315 = arith.extui %sign3A_314 : i1 to i32
      %sign3A_316 = arith.constant 0 : i32
      %sign3A_317 = arith.cmpi slt, %sub3A_313, %sign3A_316 : i32
      %sign3A_318 = arith.extui %sign3A_317 : i1 to i32
      %sign3A_319 = arith.subi %sign3A_315, %sign3A_318 : i32
      %sign3A_320 = arith.constant 0 : i32
      %sign3A_321 = arith.cmpi sgt, %jit3A, %sign3A_320 : i32
      %sign3A_322 = arith.extui %sign3A_321 : i1 to i32
      %sign3A_323 = arith.constant 0 : i32
      %sign3A_324 = arith.cmpi slt, %jit3A, %sign3A_323 : i32
      %sign3A_325 = arith.extui %sign3A_324 : i1 to i32
      %sign3A_326 = arith.subi %sign3A_322, %sign3A_325 : i32
      %ne3A_327 = arith.cmpi ne, %sign3A_319, %sign3A_326 : i32
      %rem3A = arith.remsi %sub3A_313, %jit3A : i32
      %ne3A_328 = arith.constant 0 : i32
      %ne3A_329 = arith.cmpi ne, %rem3A, %ne3A_328 : i32
      %and3A_330 = arith.andi %ne3A_327, %ne3A_329 : i1
      %sub3A_331 = arith.constant 1 : i32
      %sub3A_332 = arith.subi %div3A, %sub3A_331 : i32
      %select_n3A_333 = arith.select %and3A_330, %sub3A_332, %div3A : i32
      %while3A = arith.constant 0 : i32
      %while3A_334 = arith.constant 0 : i32
      %while3A_335 = arith.subi %select_n3A_333, %while3A_334 : i32
      %while3A_336 = arith.addi %while3A_334, %while3A_335 : i32
      %while3A_337 = arith.constant 1 : i32
      %while3A_338 = arith.divsi %while3A_335, %while3A_337 : i32
      %while3A_339 = arith.muli %while3A_338, %while3A_337 : i32
      %while3A_340 = arith.addi %while3A_334, %while3A_339 : i32
      %while3A_341 = arith.constant 1 : i32
      scf.for %while3A_344 = %while3A_334 to %while3A_340 step %while3A_341  : i32 {
        %mul3A_345 = arith.constant 32 : i32
        %mul3A_346 = arith.muli %while3A_344, %mul3A_345 : i32
        %add3A_347 = arith.constant 0 : i32
        %add3A_348 = arith.addi %mul3A_346, %add3A_347 : i32
        %get3A_349 = arith.index_cast %add3A_348 : i32 to index
        %get3A_350 = tpu.vector_load %arg14[%get3A_349] {strides = array<i32>} : memref<2240xi32, #tpu.memory_space<vmem>>, vector<16xi32>,
        %swap3A_351 = arith.constant 0 : index
        %swap3A_352 = tpu.vector_load %arg17[%swap3A_351] {strides = array<i32>} : memref<32xi32, #tpu.memory_space<vmem>>, vector<16xi32>,
        tpu.vector_store %arg17[%swap3A_351], %get3A_350 {strides = array<i32>} : memref<32xi32, #tpu.memory_space<vmem>>, vector<16xi32>,
        %add3A_353 = arith.constant 0 : i32
        %add3A_354 = arith.addi %mul3A_346, %add3A_353 : i32
        %get3A_355 = arith.index_cast %add3A_354 : i32 to index
        %get3A_356 = tpu.vector_load %arg15[%get3A_355] {strides = array<i32>} : memref<2240xi32, #tpu.memory_space<vmem>>, vector<16xi32>,
        %swap3A_357 = arith.constant 0 : index
        %swap3A_358 = tpu.vector_load %arg18[%swap3A_357] {strides = array<i32>} : memref<32xi32, #tpu.memory_space<vmem>>, vector<16xi32>,
        tpu.vector_store %arg18[%swap3A_357], %get3A_356 {strides = array<i32>} : memref<32xi32, #tpu.memory_space<vmem>>, vector<16xi32>,
        %add3A_359 = arith.constant 0 : i32
        %add3A_360 = arith.addi %mul3A_346, %add3A_359 : i32
        %get3A_361 = arith.index_cast %add3A_360 : i32 to index
        %get3A_362 = tpu.vector_load %arg16[%get3A_361] {strides = array<i32>} : memref<2240xi32, #tpu.memory_space<vmem>>, vector<16xi32>,
        %swap3A_363 = arith.constant 0 : index
        %swap3A_364 = tpu.vector_load %arg19[%swap3A_363] {strides = array<i32>} : memref<32xi32, #tpu.memory_space<vmem>>, vector<16xi32>,
        tpu.vector_store %arg19[%swap3A_363], %get3A_362 {strides = array<i32>} : memref<32xi32, #tpu.memory_space<vmem>>, vector<16xi32>,
        %add3A_365 = arith.constant 16 : i32
        %add3A_366 = arith.addi %mul3A_346, %add3A_365 : i32
        %get3A_367 = arith.index_cast %add3A_366 : i32 to index
        %get3A_368 = tpu.vector_load %arg14[%get3A_367] {strides = array<i32>} : memref<2240xi32, #tpu.memory_space<vmem>>, vector<16xi32>,
        %swap3A_369 = arith.constant 16 : index
        %swap3A_370 = tpu.vector_load %arg17[%swap3A_369] {strides = array<i32>} : memref<32xi32, #tpu.memory_space<vmem>>, vector<16xi32>,
        tpu.vector_store %arg17[%swap3A_369], %get3A_368 {strides = array<i32>} : memref<32xi32, #tpu.memory_space<vmem>>, vector<16xi32>,
        %add3A_371 = arith.constant 16 : i32
        %add3A_372 = arith.addi %mul3A_346, %add3A_371 : i32
        %get3A_373 = arith.index_cast %add3A_372 : i32 to index
        %get3A_374 = tpu.vector_load %arg15[%get3A_373] {strides = array<i32>} : memref<2240xi32, #tpu.memory_space<vmem>>, vector<16xi32>,
        %swap3A_375 = arith.constant 16 : index
        %swap3A_376 = tpu.vector_load %arg18[%swap3A_375] {strides = array<i32>} : memref<32xi32, #tpu.memory_space<vmem>>, vector<16xi32>,
        tpu.vector_store %arg18[%swap3A_375], %get3A_374 {strides = array<i32>} : memref<32xi32, #tpu.memory_space<vmem>>, vector<16xi32>,
        %add3A_377 = arith.constant 16 : i32
        %add3A_378 = arith.addi %mul3A_346, %add3A_377 : i32
        %get3A_379 = arith.index_cast %add3A_378 : i32 to index
        %get3A_380 = tpu.vector_load %arg16[%get3A_379] {strides = array<i32>} : memref<2240xi32, #tpu.memory_space<vmem>>, vector<16xi32>,
        %swap3A_381 = arith.constant 16 : index
        %swap3A_382 = tpu.vector_load %arg19[%swap3A_381] {strides = array<i32>} : memref<32xi32, #tpu.memory_space<vmem>>, vector<16xi32>,
        tpu.vector_store %arg19[%swap3A_381], %get3A_380 {strides = array<i32>} : memref<32xi32, #tpu.memory_space<vmem>>, vector<16xi32>,
        %dma_start3A_383 = arith.constant 0 : i32
        %dma_start3A_384 = arith.constant 0 : i32
        %dma_start3A_385 = tpu.memref_slice %arg5[%dma_start3A_383, %dma_start3A_384] : memref<10240x128xf32, #tpu.memory_space<hbm>> -> memref<10240x128xf32, #tpu.memory_space<hbm>>
        tpu.enqueue_indirect_dma source(%dma_start3A_385 : memref<10240x128xf32, #tpu.memory_space<hbm>>) target(%arg20 : memref<32x128xf32, #tpu.memory_space<vmem>>) offsets(%arg17 : memref<32xi32, #tpu.memory_space<vmem>>) semaphore(%arg23 : memref<!tpu.dma_semaphore, #tpu.memory_space<semaphore_mem>>)
        %dma_start3A_386 = arith.constant 0 : i32
        %dma_start3A_387 = arith.constant 0 : i32
        %dma_start3A_388 = tpu.memref_slice %arg6[%dma_start3A_386, %dma_start3A_387] : memref<40x128xf32, #tpu.memory_space<hbm>> -> memref<40x128xf32, #tpu.memory_space<hbm>>
        tpu.enqueue_indirect_dma source(%dma_start3A_388 : memref<40x128xf32, #tpu.memory_space<hbm>>) target(%arg21 : memref<32x128xf32, #tpu.memory_space<vmem>>) offsets(%arg19 : memref<32xi32, #tpu.memory_space<vmem>>) semaphore(%arg24 : memref<!tpu.dma_semaphore, #tpu.memory_space<semaphore_mem>>)
        %dma_wait3A_389 = arith.constant 0 : i32
        %dma_wait3A_390 = arith.constant 0 : i32
        %dma_wait3A_391 = tpu.memref_slice %arg5[%dma_wait3A_389, %dma_wait3A_390] : memref<10240x128xf32, #tpu.memory_space<hbm>> -> memref<10240x128xf32, #tpu.memory_space<hbm>>
        tpu.wait_indirect_dma semaphore(%arg23 : memref<!tpu.dma_semaphore, #tpu.memory_space<semaphore_mem>>) src(%dma_wait3A_391 : memref<10240x128xf32, #tpu.memory_space<hbm>>) dst(%arg20 : memref<32x128xf32, #tpu.memory_space<vmem>>)
        %dma_wait3A_392 = arith.constant 0 : i32
        %dma_wait3A_393 = arith.constant 0 : i32
        %dma_wait3A_394 = tpu.memref_slice %arg6[%dma_wait3A_392, %dma_wait3A_393] : memref<40x128xf32, #tpu.memory_space<hbm>> -> memref<40x128xf32, #tpu.memory_space<hbm>>
        tpu.wait_indirect_dma semaphore(%arg24 : memref<!tpu.dma_semaphore, #tpu.memory_space<semaphore_mem>>) src(%dma_wait3A_394 : memref<40x128xf32, #tpu.memory_space<hbm>>) dst(%arg21 : memref<32x128xf32, #tpu.memory_space<vmem>>)
        %add3A_395 = arith.constant 0 : i32
        %add3A_396 = vector.broadcast %add3A_395 : i32 to vector<16xi32>
        %add3A_397 = arith.addi %add3A_396, %iota3A : vector<16xi32>
        %scan3A_398 = arith.constant 0 : i32
        %scan3A_399 = arith.constant 0 : i32
        %scan3A_400 = arith.constant 128 : i32
        %scan3A_401 = arith.addi %scan3A_399, %scan3A_400 : i32
        %scan3A_402 = arith.constant 1 : i32
        scf.for %scan3A_413 = %scan3A_399 to %scan3A_401 step %scan3A_402  : i32 {
          %broadcast_in_dim3A_414 = vector.broadcast %scan3A_413 : i32 to vector<16xi32>
          %gather3A = tpu.vector_load_idx %arg20[%add3A_397, %broadcast_in_dim3A_414] : memref<32x128xf32, #tpu.memory_space<vmem>>[vector<16xi32>, vector<16xi32>], vector<16xf32>,
          %gather3A_415 = tpu.vector_load_idx %arg21[%add3A_397, %broadcast_in_dim3A_414] : memref<32x128xf32, #tpu.memory_space<vmem>>[vector<16xi32>, vector<16xi32>], vector<16xf32>,
          %mul3A_416 = arith.mulf %gather3A, %gather3A_415 : vector<16xf32>
          tpu.vector_store_idx %arg20[%add3A_397, %broadcast_in_dim3A_414], %mul3A_416 : memref<32x128xf32, #tpu.memory_space<vmem>>[vector<16xi32>, vector<16xi32>], vector<16xf32>,
        }
        %scan3A_403 = arith.constant 128 : i32
        %add3A_404 = arith.constant 16 : i32
        %add3A_405 = vector.broadcast %add3A_404 : i32 to vector<16xi32>
        %add3A_406 = arith.addi %add3A_405, %iota3A : vector<16xi32>
        %scan3A_407 = arith.constant 0 : i32
        %scan3A_408 = arith.constant 0 : i32
        %scan3A_409 = arith.constant 128 : i32
        %scan3A_410 = arith.addi %scan3A_408, %scan3A_409 : i32
        %scan3A_411 = arith.constant 1 : i32
        scf.for %scan3A_413 = %scan3A_408 to %scan3A_410 step %scan3A_411  : i32 {
          %broadcast_in_dim3A_414 = vector.broadcast %scan3A_413 : i32 to vector<16xi32>
          %gather3A = tpu.vector_load_idx %arg20[%add3A_406, %broadcast_in_dim3A_414] : memref<32x128xf32, #tpu.memory_space<vmem>>[vector<16xi32>, vector<16xi32>], vector<16xf32>,
          %gather3A_415 = tpu.vector_load_idx %arg21[%add3A_406, %broadcast_in_dim3A_414] : memref<32x128xf32, #tpu.memory_space<vmem>>[vector<16xi32>, vector<16xi32>], vector<16xf32>,
          %mul3A_416 = arith.mulf %gather3A, %gather3A_415 : vector<16xf32>
          tpu.vector_store_idx %arg20[%add3A_406, %broadcast_in_dim3A_414], %mul3A_416 : memref<32x128xf32, #tpu.memory_space<vmem>>[vector<16xi32>, vector<16xi32>], vector<16xf32>,
        }
        %scan3A_412 = arith.constant 128 : i32
        "tpu.region"() ({
          %run_scoped3A = tpu.sem_alloc : memref<!tpu.dma_semaphore, #tpu.memory_space<semaphore_mem>>
          %dma_start3A_413 = arith.constant 0 : i32
          %dma_start3A_414 = arith.constant 0 : i32
          %dma_start3A_415 = tpu.memref_slice %arg22[%dma_start3A_413, %dma_start3A_414] : memref<10240x128xf32, #tpu.memory_space<vmem_shared>> -> memref<10240x128xf32, #tpu.memory_space<vmem_shared>>
          tpu.enqueue_indirect_dma source(%arg20 : memref<32x128xf32, #tpu.memory_space<vmem>>) target(%dma_start3A_415 : memref<10240x128xf32, #tpu.memory_space<vmem_shared>>) offsets(%arg18 : memref<32xi32, #tpu.memory_space<vmem>>) semaphore(%run_scoped3A : memref<!tpu.dma_semaphore, #tpu.memory_space<semaphore_mem>>) {add = true}
          %dma_wait3A_416 = arith.constant 0 : i32
          %dma_wait3A_417 = arith.constant 0 : i32
          %dma_wait3A_418 = tpu.memref_slice %arg22[%dma_wait3A_416, %dma_wait3A_417] : memref<10240x128xf32, #tpu.memory_space<vmem_shared>> -> memref<10240x128xf32, #tpu.memory_space<vmem_shared>>
          tpu.wait_indirect_dma semaphore(%run_scoped3A : memref<!tpu.dma_semaphore, #tpu.memory_space<semaphore_mem>>) src(%arg20 : memref<32x128xf32, #tpu.memory_space<vmem>>) dst(%dma_wait3A_418 : memref<10240x128xf32, #tpu.memory_space<vmem_shared>>)
          tpu.yield
        }) : () -> ()
      }
      %while3A_342 = arith.constant 1 : i32
      scf.for %while3A_344 = %while3A_340 to %while3A_336 step %while3A_342  : i32 {
        %mul3A_345 = arith.constant 32 : i32
        %mul3A_346 = arith.muli %while3A_344, %mul3A_345 : i32
        %add3A_347 = arith.constant 0 : i32
        %add3A_348 = arith.addi %mul3A_346, %add3A_347 : i32
        %get3A_349 = arith.index_cast %add3A_348 : i32 to index
        %get3A_350 = tpu.vector_load %arg14[%get3A_349] {strides = array<i32>} : memref<2240xi32, #tpu.memory_space<vmem>>, vector<16xi32>,
        %swap3A_351 = arith.constant 0 : index
        %swap3A_352 = tpu.vector_load %arg17[%swap3A_351] {strides = array<i32>} : memref<32xi32, #tpu.memory_space<vmem>>, vector<16xi32>,
        tpu.vector_store %arg17[%swap3A_351], %get3A_350 {strides = array<i32>} : memref<32xi32, #tpu.memory_space<vmem>>, vector<16xi32>,
        %add3A_353 = arith.constant 0 : i32
        %add3A_354 = arith.addi %mul3A_346, %add3A_353 : i32
        %get3A_355 = arith.index_cast %add3A_354 : i32 to index
        %get3A_356 = tpu.vector_load %arg15[%get3A_355] {strides = array<i32>} : memref<2240xi32, #tpu.memory_space<vmem>>, vector<16xi32>,
        %swap3A_357 = arith.constant 0 : index
        %swap3A_358 = tpu.vector_load %arg18[%swap3A_357] {strides = array<i32>} : memref<32xi32, #tpu.memory_space<vmem>>, vector<16xi32>,
        tpu.vector_store %arg18[%swap3A_357], %get3A_356 {strides = array<i32>} : memref<32xi32, #tpu.memory_space<vmem>>, vector<16xi32>,
        %add3A_359 = arith.constant 0 : i32
        %add3A_360 = arith.addi %mul3A_346, %add3A_359 : i32
        %get3A_361 = arith.index_cast %add3A_360 : i32 to index
        %get3A_362 = tpu.vector_load %arg16[%get3A_361] {strides = array<i32>} : memref<2240xi32, #tpu.memory_space<vmem>>, vector<16xi32>,
        %swap3A_363 = arith.constant 0 : index
        %swap3A_364 = tpu.vector_load %arg19[%swap3A_363] {strides = array<i32>} : memref<32xi32, #tpu.memory_space<vmem>>, vector<16xi32>,
        tpu.vector_store %arg19[%swap3A_363], %get3A_362 {strides = array<i32>} : memref<32xi32, #tpu.memory_space<vmem>>, vector<16xi32>,
        %add3A_365 = arith.constant 16 : i32
        %add3A_366 = arith.addi %mul3A_346, %add3A_365 : i32
        %get3A_367 = arith.index_cast %add3A_366 : i32 to index
        %get3A_368 = tpu.vector_load %arg14[%get3A_367] {strides = array<i32>} : memref<2240xi32, #tpu.memory_space<vmem>>, vector<16xi32>,
        %swap3A_369 = arith.constant 16 : index
        %swap3A_370 = tpu.vector_load %arg17[%swap3A_369] {strides = array<i32>} : memref<32xi32, #tpu.memory_space<vmem>>, vector<16xi32>,
        tpu.vector_store %arg17[%swap3A_369], %get3A_368 {strides = array<i32>} : memref<32xi32, #tpu.memory_space<vmem>>, vector<16xi32>,
        %add3A_371 = arith.constant 16 : i32
        %add3A_372 = arith.addi %mul3A_346, %add3A_371 : i32
        %get3A_373 = arith.index_cast %add3A_372 : i32 to index
        %get3A_374 = tpu.vector_load %arg15[%get3A_373] {strides = array<i32>} : memref<2240xi32, #tpu.memory_space<vmem>>, vector<16xi32>,
        %swap3A_375 = arith.constant 16 : index
        %swap3A_376 = tpu.vector_load %arg18[%swap3A_375] {strides = array<i32>} : memref<32xi32, #tpu.memory_space<vmem>>, vector<16xi32>,
        tpu.vector_store %arg18[%swap3A_375], %get3A_374 {strides = array<i32>} : memref<32xi32, #tpu.memory_space<vmem>>, vector<16xi32>,
        %add3A_377 = arith.constant 16 : i32
        %add3A_378 = arith.addi %mul3A_346, %add3A_377 : i32
        %get3A_379 = arith.index_cast %add3A_378 : i32 to index
        %get3A_380 = tpu.vector_load %arg16[%get3A_379] {strides = array<i32>} : memref<2240xi32, #tpu.memory_space<vmem>>, vector<16xi32>,
        %swap3A_381 = arith.constant 16 : index
        %swap3A_382 = tpu.vector_load %arg19[%swap3A_381] {strides = array<i32>} : memref<32xi32, #tpu.memory_space<vmem>>, vector<16xi32>,
        tpu.vector_store %arg19[%swap3A_381], %get3A_380 {strides = array<i32>} : memref<32xi32, #tpu.memory_space<vmem>>, vector<16xi32>,
        %dma_start3A_383 = arith.constant 0 : i32
        %dma_start3A_384 = arith.constant 0 : i32
        %dma_start3A_385 = tpu.memref_slice %arg5[%dma_start3A_383, %dma_start3A_384] : memref<10240x128xf32, #tpu.memory_space<hbm>> -> memref<10240x128xf32, #tpu.memory_space<hbm>>
        tpu.enqueue_indirect_dma source(%dma_start3A_385 : memref<10240x128xf32, #tpu.memory_space<hbm>>) target(%arg20 : memref<32x128xf32, #tpu.memory_space<vmem>>) offsets(%arg17 : memref<32xi32, #tpu.memory_space<vmem>>) semaphore(%arg23 : memref<!tpu.dma_semaphore, #tpu.memory_space<semaphore_mem>>)
        %dma_start3A_386 = arith.constant 0 : i32
        %dma_start3A_387 = arith.constant 0 : i32
        %dma_start3A_388 = tpu.memref_slice %arg6[%dma_start3A_386, %dma_start3A_387] : memref<40x128xf32, #tpu.memory_space<hbm>> -> memref<40x128xf32, #tpu.memory_space<hbm>>
        tpu.enqueue_indirect_dma source(%dma_start3A_388 : memref<40x128xf32, #tpu.memory_space<hbm>>) target(%arg21 : memref<32x128xf32, #tpu.memory_space<vmem>>) offsets(%arg19 : memref<32xi32, #tpu.memory_space<vmem>>) semaphore(%arg24 : memref<!tpu.dma_semaphore, #tpu.memory_space<semaphore_mem>>)
        %dma_wait3A_389 = arith.constant 0 : i32
        %dma_wait3A_390 = arith.constant 0 : i32
        %dma_wait3A_391 = tpu.memref_slice %arg5[%dma_wait3A_389, %dma_wait3A_390] : memref<10240x128xf32, #tpu.memory_space<hbm>> -> memref<10240x128xf32, #tpu.memory_space<hbm>>
        tpu.wait_indirect_dma semaphore(%arg23 : memref<!tpu.dma_semaphore, #tpu.memory_space<semaphore_mem>>) src(%dma_wait3A_391 : memref<10240x128xf32, #tpu.memory_space<hbm>>) dst(%arg20 : memref<32x128xf32, #tpu.memory_space<vmem>>)
        %dma_wait3A_392 = arith.constant 0 : i32
        %dma_wait3A_393 = arith.constant 0 : i32
        %dma_wait3A_394 = tpu.memref_slice %arg6[%dma_wait3A_392, %dma_wait3A_393] : memref<40x128xf32, #tpu.memory_space<hbm>> -> memref<40x128xf32, #tpu.memory_space<hbm>>
        tpu.wait_indirect_dma semaphore(%arg24 : memref<!tpu.dma_semaphore, #tpu.memory_space<semaphore_mem>>) src(%dma_wait3A_394 : memref<40x128xf32, #tpu.memory_space<hbm>>) dst(%arg21 : memref<32x128xf32, #tpu.memory_space<vmem>>)
        %add3A_395 = arith.constant 0 : i32
        %add3A_396 = vector.broadcast %add3A_395 : i32 to vector<16xi32>
        %add3A_397 = arith.addi %add3A_396, %iota3A : vector<16xi32>
        %scan3A_398 = arith.constant 0 : i32
        %scan3A_399 = arith.constant 0 : i32
        %scan3A_400 = arith.constant 128 : i32
        %scan3A_401 = arith.addi %scan3A_399, %scan3A_400 : i32
        %scan3A_402 = arith.constant 1 : i32
        scf.for %scan3A_413 = %scan3A_399 to %scan3A_401 step %scan3A_402  : i32 {
          %broadcast_in_dim3A_414 = vector.broadcast %scan3A_413 : i32 to vector<16xi32>
          %gather3A = tpu.vector_load_idx %arg20[%add3A_397, %broadcast_in_dim3A_414] : memref<32x128xf32, #tpu.memory_space<vmem>>[vector<16xi32>, vector<16xi32>], vector<16xf32>,
          %gather3A_415 = tpu.vector_load_idx %arg21[%add3A_397, %broadcast_in_dim3A_414] : memref<32x128xf32, #tpu.memory_space<vmem>>[vector<16xi32>, vector<16xi32>], vector<16xf32>,
          %mul3A_416 = arith.mulf %gather3A, %gather3A_415 : vector<16xf32>
          tpu.vector_store_idx %arg20[%add3A_397, %broadcast_in_dim3A_414], %mul3A_416 : memref<32x128xf32, #tpu.memory_space<vmem>>[vector<16xi32>, vector<16xi32>], vector<16xf32>,
        }
        %scan3A_403 = arith.constant 128 : i32
        %add3A_404 = arith.constant 16 : i32
        %add3A_405 = vector.broadcast %add3A_404 : i32 to vector<16xi32>
        %add3A_406 = arith.addi %add3A_405, %iota3A : vector<16xi32>
        %scan3A_407 = arith.constant 0 : i32
        %scan3A_408 = arith.constant 0 : i32
        %scan3A_409 = arith.constant 128 : i32
        %scan3A_410 = arith.addi %scan3A_408, %scan3A_409 : i32
        %scan3A_411 = arith.constant 1 : i32
        scf.for %scan3A_413 = %scan3A_408 to %scan3A_410 step %scan3A_411  : i32 {
          %broadcast_in_dim3A_414 = vector.broadcast %scan3A_413 : i32 to vector<16xi32>
          %gather3A = tpu.vector_load_idx %arg20[%add3A_406, %broadcast_in_dim3A_414] : memref<32x128xf32, #tpu.memory_space<vmem>>[vector<16xi32>, vector<16xi32>], vector<16xf32>,
          %gather3A_415 = tpu.vector_load_idx %arg21[%add3A_406, %broadcast_in_dim3A_414] : memref<32x128xf32, #tpu.memory_space<vmem>>[vector<16xi32>, vector<16xi32>], vector<16xf32>,
          %mul3A_416 = arith.mulf %gather3A, %gather3A_415 : vector<16xf32>
          tpu.vector_store_idx %arg20[%add3A_406, %broadcast_in_dim3A_414], %mul3A_416 : memref<32x128xf32, #tpu.memory_space<vmem>>[vector<16xi32>, vector<16xi32>], vector<16xf32>,
        }
        %scan3A_412 = arith.constant 128 : i32
        "tpu.region"() ({
          %run_scoped3A = tpu.sem_alloc : memref<!tpu.dma_semaphore, #tpu.memory_space<semaphore_mem>>
          %dma_start3A_413 = arith.constant 0 : i32
          %dma_start3A_414 = arith.constant 0 : i32
          %dma_start3A_415 = tpu.memref_slice %arg22[%dma_start3A_413, %dma_start3A_414] : memref<10240x128xf32, #tpu.memory_space<vmem_shared>> -> memref<10240x128xf32, #tpu.memory_space<vmem_shared>>
          tpu.enqueue_indirect_dma source(%arg20 : memref<32x128xf32, #tpu.memory_space<vmem>>) target(%dma_start3A_415 : memref<10240x128xf32, #tpu.memory_space<vmem_shared>>) offsets(%arg18 : memref<32xi32, #tpu.memory_space<vmem>>) semaphore(%run_scoped3A : memref<!tpu.dma_semaphore, #tpu.memory_space<semaphore_mem>>) {add = true}
          %dma_wait3A_416 = arith.constant 0 : i32
          %dma_wait3A_417 = arith.constant 0 : i32
          %dma_wait3A_418 = tpu.memref_slice %arg22[%dma_wait3A_416, %dma_wait3A_417] : memref<10240x128xf32, #tpu.memory_space<vmem_shared>> -> memref<10240x128xf32, #tpu.memory_space<vmem_shared>>
          tpu.wait_indirect_dma semaphore(%run_scoped3A : memref<!tpu.dma_semaphore, #tpu.memory_space<semaphore_mem>>) src(%arg20 : memref<32x128xf32, #tpu.memory_space<vmem>>) dst(%dma_wait3A_418 : memref<10240x128xf32, #tpu.memory_space<vmem_shared>>)
          tpu.yield
        }) : () -> ()
      }
      %cond3A_343 = arith.constant 0 : i32
      scf.yield %cond3A_343 : i32
    } else {
      scf.yield %scan3A_269 : i32
    }
    %barrier3A_276 = arith.constant 0 : index
    tpu.barrier barrier_id(%barrier3A_276)
    %eq3A_277 = arith.constant 0 : i32
    %eq3A_278 = arith.cmpi eq, %arg1, %eq3A_277 : i32
    %convert_element_type3A_279 = arith.extui %eq3A_278 : i1 to i32
    %cond3A_280 = arith.constant 0 : i32
    %cond3A_281 = arith.cmpi ne, %convert_element_type3A_279, %cond3A_280 : i32
    scf.if %cond3A_281 {
      "tpu.region"() ({
        %run_scoped3A = tpu.sem_alloc : memref<!tpu.dma_semaphore, #tpu.memory_space<semaphore_mem>>
        %dma_start3A_289 = arith.constant 0 : i32
        %dma_start3A_290 = arith.constant 0 : i32
        %dma_start3A_291 = tpu.memref_slice %arg20[%dma_start3A_289, %dma_start3A_290] : memref<32x128xf32, #tpu.memory_space<vmem>> -> memref<16x128xf32, #tpu.memory_space<vmem>>
        %dma_start3A_292 = arith.constant 0 : i32
        %dma_start3A_293 = arith.constant 0 : i32
        %dma_start3A_294 = tpu.memref_slice %arg22[%dma_start3A_292, %dma_start3A_293] : memref<10240x128xf32, #tpu.memory_space<vmem_shared>> -> memref<10240x128xf32, #tpu.memory_space<vmem_shared>>
        tpu.enqueue_indirect_dma source(%dma_start3A_294 : memref<10240x128xf32, #tpu.memory_space<vmem_shared>>) target(%dma_start3A_291 : memref<16x128xf32, #tpu.memory_space<vmem>>) offsets(%arg13 : memref<16xi32, #tpu.memory_space<vmem>>) semaphore(%run_scoped3A : memref<!tpu.dma_semaphore, #tpu.memory_space<semaphore_mem>>)
        %dma_wait3A_295 = arith.constant 0 : i32
        %dma_wait3A_296 = arith.constant 0 : i32
        %dma_wait3A_297 = tpu.memref_slice %arg20[%dma_wait3A_295, %dma_wait3A_296] : memref<32x128xf32, #tpu.memory_space<vmem>> -> memref<16x128xf32, #tpu.memory_space<vmem>>
        %dma_wait3A_298 = arith.constant 0 : i32
        %dma_wait3A_299 = arith.constant 0 : i32
        %dma_wait3A_300 = tpu.memref_slice %arg22[%dma_wait3A_298, %dma_wait3A_299] : memref<10240x128xf32, #tpu.memory_space<vmem_shared>> -> memref<10240x128xf32, #tpu.memory_space<vmem_shared>>
        tpu.wait_indirect_dma semaphore(%run_scoped3A : memref<!tpu.dma_semaphore, #tpu.memory_space<semaphore_mem>>) src(%dma_wait3A_300 : memref<10240x128xf32, #tpu.memory_space<vmem_shared>>) dst(%dma_wait3A_297 : memref<16x128xf32, #tpu.memory_space<vmem>>)
        tpu.yield
      }) : () -> ()
      "tpu.region"() ({
        %run_scoped3A = tpu.sem_alloc : memref<!tpu.dma_semaphore, #tpu.memory_space<semaphore_mem>>
        %dma_start3A_289 = arith.constant 0 : i32
        %dma_start3A_290 = arith.constant 0 : i32
        %dma_start3A_291 = tpu.memref_slice %arg20[%dma_start3A_289, %dma_start3A_290] : memref<32x128xf32, #tpu.memory_space<vmem>> -> memref<16x128xf32, #tpu.memory_space<vmem>>
        %dma_start3A_292 = arith.constant 0 : i32
        %dma_start3A_293 = arith.constant 0 : i32
        %dma_start3A_294 = tpu.memref_slice %arg8[%arg0, %dma_start3A_292, %dma_start3A_293] : memref<2x16x128xf32, #tpu.memory_space<hbm>> -> memref<1x16x128xf32, #tpu.memory_space<hbm>>
        %dma_start3A_295 = tpu.memref_squeeze %dma_start3A_294 : memref<1x16x128xf32, #tpu.memory_space<hbm>> -> memref<16x128xf32, #tpu.memory_space<hbm>>
        %dma_start3A_296 = arith.constant 0 : i32
        %dma_start3A_297 = arith.constant 0 : i32
        %dma_start3A_298 = tpu.memref_slice %arg8[%arg0, %dma_start3A_296, %dma_start3A_297] : memref<2x16x128xf32, #tpu.memory_space<hbm>> -> memref<1x16x128xf32, #tpu.memory_space<hbm>>
        %dma_start3A_299 = tpu.memref_squeeze %dma_start3A_298 : memref<1x16x128xf32, #tpu.memory_space<hbm>> -> memref<16x128xf32, #tpu.memory_space<hbm>>
        %dma_start3A_300 = arith.constant 0 : i32
        %dma_start3A_301 = arith.constant 0 : i32
        %dma_start3A_302 = tpu.memref_slice %arg20[%dma_start3A_300, %dma_start3A_301] : memref<32x128xf32, #tpu.memory_space<vmem>> -> memref<16x128xf32, #tpu.memory_space<vmem>>
        tpu.enqueue_dma source(%dma_start3A_302 : memref<16x128xf32, #tpu.memory_space<vmem>>) target(%dma_start3A_299 : memref<16x128xf32, #tpu.memory_space<hbm>>) target_semaphore(%run_scoped3A : memref<!tpu.dma_semaphore, #tpu.memory_space<semaphore_mem>>)
        %dma_wait3A_303 = arith.constant 0 : i32
        %dma_wait3A_304 = arith.constant 0 : i32
        %dma_wait3A_305 = tpu.memref_slice %arg20[%dma_wait3A_303, %dma_wait3A_304] : memref<32x128xf32, #tpu.memory_space<vmem>> -> memref<16x128xf32, #tpu.memory_space<vmem>>
        %dma_wait3A_306 = arith.constant 0 : i32
        %dma_wait3A_307 = arith.constant 0 : i32
        %dma_wait3A_308 = tpu.memref_slice %arg8[%arg0, %dma_wait3A_306, %dma_wait3A_307] : memref<2x16x128xf32, #tpu.memory_space<hbm>> -> memref<1x16x128xf32, #tpu.memory_space<hbm>>
        %dma_wait3A_309 = tpu.memref_squeeze %dma_wait3A_308 : memref<1x16x128xf32, #tpu.memory_space<hbm>> -> memref<16x128xf32, #tpu.memory_space<hbm>>
        %dma_wait3A_310 = arith.constant 0 : i32
        %dma_wait3A_311 = arith.constant 0 : i32
        %dma_wait3A_312 = tpu.memref_slice %arg8[%arg0, %dma_wait3A_310, %dma_wait3A_311] : memref<2x16x128xf32, #tpu.memory_space<hbm>> -> memref<1x16x128xf32, #tpu.memory_space<hbm>>
        %dma_wait3A_313 = tpu.memref_squeeze %dma_wait3A_312 : memref<1x16x128xf32, #tpu.memory_space<hbm>> -> memref<16x128xf32, #tpu.memory_space<hbm>>
        %dma_wait3A_314 = arith.constant 0 : i32
        %dma_wait3A_315 = arith.constant 0 : i32
        %dma_wait3A_316 = tpu.memref_slice %arg20[%dma_wait3A_314, %dma_wait3A_315] : memref<32x128xf32, #tpu.memory_space<vmem>> -> memref<16x128xf32, #tpu.memory_space<vmem>>
        tpu.wait_dma2 semaphore(%run_scoped3A : memref<!tpu.dma_semaphore, #tpu.memory_space<semaphore_mem>>) src(%dma_wait3A_316 : memref<16x128xf32, #tpu.memory_space<vmem>>) dst(%dma_wait3A_313 : memref<16x128xf32, #tpu.memory_space<hbm>>)
        tpu.yield
      }) : () -> ()
    } else {
    }
    %eq3A_282 = arith.constant 1 : i32
    %eq3A_283 = arith.cmpi eq, %arg1, %eq3A_282 : i32
    %eq3A_284 = arith.constant 0 : i32
    %eq3A_285 = arith.cmpi eq, %arg0, %eq3A_284 : i32
    %and3A = arith.andi %eq3A_283, %eq3A_285 : i1
    %convert_element_type3A_286 = arith.extui %and3A : i1 to i32
    %cond3A_287 = arith.constant 0 : i32
    %cond3A_288 = arith.cmpi ne, %convert_element_type3A_286, %cond3A_287 : i32
    scf.if %cond3A_288 {
      "tpu.region"() ({
        %run_scoped3A = tpu.sem_alloc : memref<!tpu.dma_semaphore, #tpu.memory_space<semaphore_mem>>
        %dma_start3A_289 = arith.constant 0 : i32
        %dma_start3A_290 = arith.constant 0 : i32
        %dma_start3A_291 = tpu.memref_slice %arg21[%dma_start3A_289, %dma_start3A_290] : memref<32x128xf32, #tpu.memory_space<vmem>> -> memref<16x128xf32, #tpu.memory_space<vmem>>
        %dma_start3A_292 = arith.constant 0 : i32
        %dma_start3A_293 = arith.constant 0 : i32
        %dma_start3A_294 = tpu.memref_slice %arg5[%dma_start3A_292, %dma_start3A_293] : memref<10240x128xf32, #tpu.memory_space<hbm>> -> memref<10240x128xf32, #tpu.memory_space<hbm>>
        tpu.enqueue_indirect_dma source(%dma_start3A_294 : memref<10240x128xf32, #tpu.memory_space<hbm>>) target(%dma_start3A_291 : memref<16x128xf32, #tpu.memory_space<vmem>>) offsets(%arg13 : memref<16xi32, #tpu.memory_space<vmem>>) semaphore(%run_scoped3A : memref<!tpu.dma_semaphore, #tpu.memory_space<semaphore_mem>>)
        %dma_wait3A_295 = arith.constant 0 : i32
        %dma_wait3A_296 = arith.constant 0 : i32
        %dma_wait3A_297 = tpu.memref_slice %arg21[%dma_wait3A_295, %dma_wait3A_296] : memref<32x128xf32, #tpu.memory_space<vmem>> -> memref<16x128xf32, #tpu.memory_space<vmem>>
        %dma_wait3A_298 = arith.constant 0 : i32
        %dma_wait3A_299 = arith.constant 0 : i32
        %dma_wait3A_300 = tpu.memref_slice %arg5[%dma_wait3A_298, %dma_wait3A_299] : memref<10240x128xf32, #tpu.memory_space<hbm>> -> memref<10240x128xf32, #tpu.memory_space<hbm>>
        tpu.wait_indirect_dma semaphore(%run_scoped3A : memref<!tpu.dma_semaphore, #tpu.memory_space<semaphore_mem>>) src(%dma_wait3A_300 : memref<10240x128xf32, #tpu.memory_space<hbm>>) dst(%dma_wait3A_297 : memref<16x128xf32, #tpu.memory_space<vmem>>)
        tpu.yield
      }) : () -> ()
      "tpu.region"() ({
        %run_scoped3A = tpu.sem_alloc : memref<!tpu.dma_semaphore, #tpu.memory_space<semaphore_mem>>
        %dma_start3A_289 = arith.constant 0 : i32
        %dma_start3A_290 = arith.constant 0 : i32
        %dma_start3A_291 = tpu.memref_slice %arg21[%dma_start3A_289, %dma_start3A_290] : memref<32x128xf32, #tpu.memory_space<vmem>> -> memref<16x128xf32, #tpu.memory_space<vmem>>
        %dma_start3A_292 = arith.constant 0 : i32
        %dma_start3A_293 = arith.constant 0 : i32
        %dma_start3A_294 = tpu.memref_slice %arg21[%dma_start3A_292, %dma_start3A_293] : memref<32x128xf32, #tpu.memory_space<vmem>> -> memref<16x128xf32, #tpu.memory_space<vmem>>
        tpu.enqueue_dma source(%dma_start3A_294 : memref<16x128xf32, #tpu.memory_space<vmem>>) target(%arg9 : memref<16x128xf32, #tpu.memory_space<hbm>>) target_semaphore(%run_scoped3A : memref<!tpu.dma_semaphore, #tpu.memory_space<semaphore_mem>>)
        %dma_wait3A_295 = arith.constant 0 : i32
        %dma_wait3A_296 = arith.constant 0 : i32
        %dma_wait3A_297 = tpu.memref_slice %arg21[%dma_wait3A_295, %dma_wait3A_296] : memref<32x128xf32, #tpu.memory_space<vmem>> -> memref<16x128xf32, #tpu.memory_space<vmem>>
        %dma_wait3A_298 = arith.constant 0 : i32
        %dma_wait3A_299 = arith.constant 0 : i32
        %dma_wait3A_300 = tpu.memref_slice %arg21[%dma_wait3A_298, %dma_wait3A_299] : memref<32x128xf32, #tpu.memory_space<vmem>> -> memref<16x128xf32, #tpu.memory_space<vmem>>
        tpu.wait_dma2 semaphore(%run_scoped3A : memref<!tpu.dma_semaphore, #tpu.memory_space<semaphore_mem>>) src(%dma_wait3A_300 : memref<16x128xf32, #tpu.memory_space<vmem>>) dst(%arg9 : memref<16x128xf32, #tpu.memory_space<hbm>>)
        tpu.yield
      }) : () -> ()
    } else {
    }
    return
  }
}

#map = affine_map<(d0, d1) -> (0)>
#map1 = affine_map<(d0, d1) -> (0, 0)>
#map2 = affine_map<(d0, d1) -> (0, 0, 0)>
module attributes {stable_mosaic.version = 14 : i64} {
  func.func @_sc0_body(%arg0: i32, %arg1: i32, %arg2: memref<320000xi32, #tpu.memory_space<hbm>>, %arg3: memref<160000xi32, #tpu.memory_space<hbm>>, %arg4: memref<16xi32, #tpu.memory_space<hbm>>, %arg5: memref<40x128xf32, #tpu.memory_space<hbm>>, %arg6: memref<640x128xf32, #tpu.memory_space<hbm>>, %arg7: memref<2x10240x128xf32, #tpu.memory_space<hbm>>, %arg8: memref<10000xi32, #tpu.memory_space<vmem>>, %arg9: memref<10000xi32, #tpu.memory_space<vmem>>, %arg10: memref<10000xi32, #tpu.memory_space<vmem>>, %arg11: memref<16xi32, #tpu.memory_space<vmem>>, %arg12: memref<2240xi32, #tpu.memory_space<vmem>>, %arg13: memref<2240xi32, #tpu.memory_space<vmem>>, %arg14: memref<32xi32, #tpu.memory_space<vmem>>, %arg15: memref<32xi32, #tpu.memory_space<vmem>>, %arg16: memref<32x128xf32, #tpu.memory_space<vmem>>, %arg17: memref<10240x128xf32, #tpu.memory_space<vmem_shared>>, %arg18: memref<!tpu.dma_semaphore, #tpu.memory_space<semaphore_mem>>, %arg19: memref<!tpu.dma_semaphore, #tpu.memory_space<semaphore_mem>>, %arg20: memref<!tpu.dma_semaphore, #tpu.memory_space<semaphore_mem>>, %arg21: memref<!tpu.dma_semaphore, #tpu.memory_space<semaphore_mem>>) attributes {dimension_semantics = [#tpu.dimension_semantics<core_parallel>, #tpu.dimension_semantics<subcore_parallel>], iteration_bounds = array<i64: 2, 16>, scalar_prefetch = 0 : i64, scratch_operands = 14 : i64, tpu.core_type = #tpu.core_type<sc_vector_subcore>, window_params = [{transform_indices = #map}, {transform_indices = #map}, {transform_indices = #map}, {transform_indices = #map1}, {transform_indices = #map1}, {transform_indices = #map2}]} {
    %mul3A = arith.constant 10000 : i32
    %mul3A_0 = arith.muli %arg1, %mul3A : i32
    %mul3A_1 = arith.constant 640 : i32
    %mul3A_2 = arith.muli %arg1, %mul3A_1 : i32
    %eq3A = arith.constant 0 : i32
    %eq3A_3 = arith.cmpi eq, %arg0, %eq3A : i32
    %convert_element_type3A = arith.extui %eq3A_3 : i1 to i32
    %cond3A = arith.constant 0 : i32
    %cond3A_4 = arith.cmpi ne, %convert_element_type3A, %cond3A : i32
    scf.if %cond3A_4 {
      %dma_start3A_48 = tpu.memref_slice %arg2[%mul3A_0] : memref<320000xi32, #tpu.memory_space<hbm>> -> memref<10000xi32, #tpu.memory_space<hbm>>
      %dma_start3A_49 = tpu.memref_slice %arg2[%mul3A_0] : memref<320000xi32, #tpu.memory_space<hbm>> -> memref<10000xi32, #tpu.memory_space<hbm>>
      tpu.enqueue_dma source(%dma_start3A_49 : memref<10000xi32, #tpu.memory_space<hbm>>) target(%arg8 : memref<10000xi32, #tpu.memory_space<vmem>>) target_semaphore(%arg18 : memref<!tpu.dma_semaphore, #tpu.memory_space<semaphore_mem>>)
      %add3A = arith.constant 160000 : i32
      %add3A_50 = arith.addi %add3A, %mul3A_0 : i32
      %dma_start3A_51 = tpu.memref_slice %arg2[%add3A_50] : memref<320000xi32, #tpu.memory_space<hbm>> -> memref<10000xi32, #tpu.memory_space<hbm>>
      %dma_start3A_52 = tpu.memref_slice %arg2[%add3A_50] : memref<320000xi32, #tpu.memory_space<hbm>> -> memref<10000xi32, #tpu.memory_space<hbm>>
      tpu.enqueue_dma source(%dma_start3A_52 : memref<10000xi32, #tpu.memory_space<hbm>>) target(%arg9 : memref<10000xi32, #tpu.memory_space<vmem>>) target_semaphore(%arg19 : memref<!tpu.dma_semaphore, #tpu.memory_space<semaphore_mem>>)
    } else {
    }
    %ne3A = arith.constant 0 : i32
    %ne3A_5 = arith.cmpi ne, %arg0, %ne3A : i32
    %convert_element_type3A_6 = arith.extui %ne3A_5 : i1 to i32
    %cond3A_7 = arith.constant 0 : i32
    %cond3A_8 = arith.cmpi ne, %convert_element_type3A_6, %cond3A_7 : i32
    scf.if %cond3A_8 {
      %add3A = arith.constant 160000 : i32
      %add3A_48 = arith.addi %add3A, %mul3A_0 : i32
      %dma_start3A_49 = tpu.memref_slice %arg2[%add3A_48] : memref<320000xi32, #tpu.memory_space<hbm>> -> memref<10000xi32, #tpu.memory_space<hbm>>
      %dma_start3A_50 = tpu.memref_slice %arg2[%add3A_48] : memref<320000xi32, #tpu.memory_space<hbm>> -> memref<10000xi32, #tpu.memory_space<hbm>>
      tpu.enqueue_dma source(%dma_start3A_50 : memref<10000xi32, #tpu.memory_space<hbm>>) target(%arg8 : memref<10000xi32, #tpu.memory_space<vmem>>) target_semaphore(%arg18 : memref<!tpu.dma_semaphore, #tpu.memory_space<semaphore_mem>>)
      %dma_start3A_51 = tpu.memref_slice %arg2[%mul3A_0] : memref<320000xi32, #tpu.memory_space<hbm>> -> memref<10000xi32, #tpu.memory_space<hbm>>
      %dma_start3A_52 = tpu.memref_slice %arg2[%mul3A_0] : memref<320000xi32, #tpu.memory_space<hbm>> -> memref<10000xi32, #tpu.memory_space<hbm>>
      tpu.enqueue_dma source(%dma_start3A_52 : memref<10000xi32, #tpu.memory_space<hbm>>) target(%arg9 : memref<10000xi32, #tpu.memory_space<vmem>>) target_semaphore(%arg19 : memref<!tpu.dma_semaphore, #tpu.memory_space<semaphore_mem>>)
    } else {
    }
    %dma_start3A = tpu.memref_slice %arg3[%mul3A_0] : memref<160000xi32, #tpu.memory_space<hbm>> -> memref<10000xi32, #tpu.memory_space<hbm>>
    %dma_start3A_9 = tpu.memref_slice %arg3[%mul3A_0] : memref<160000xi32, #tpu.memory_space<hbm>> -> memref<10000xi32, #tpu.memory_space<hbm>>
    tpu.enqueue_dma source(%dma_start3A_9 : memref<10000xi32, #tpu.memory_space<hbm>>) target(%arg10 : memref<10000xi32, #tpu.memory_space<vmem>>) target_semaphore(%arg20 : memref<!tpu.dma_semaphore, #tpu.memory_space<semaphore_mem>>)
    %dma_start3A_10 = arith.constant 0 : i32
    %dma_start3A_11 = tpu.memref_slice %arg17[%mul3A_2, %dma_start3A_10] : memref<10240x128xf32, #tpu.memory_space<vmem_shared>> -> memref<640x128xf32, #tpu.memory_space<vmem_shared>>
    tpu.enqueue_dma source(%arg6 : memref<640x128xf32, #tpu.memory_space<hbm>>) target(%dma_start3A_11 : memref<640x128xf32, #tpu.memory_space<vmem_shared>>) target_semaphore(%arg21 : memref<!tpu.dma_semaphore, #tpu.memory_space<semaphore_mem>>)
    "tpu.region"() ({
      %run_scoped3A = tpu.sem_alloc : memref<!tpu.dma_semaphore, #tpu.memory_space<semaphore_mem>>
      tpu.enqueue_dma source(%arg4 : memref<16xi32, #tpu.memory_space<hbm>>) target(%arg11 : memref<16xi32, #tpu.memory_space<vmem>>) target_semaphore(%run_scoped3A : memref<!tpu.dma_semaphore, #tpu.memory_space<semaphore_mem>>)
      tpu.wait_dma2 semaphore(%run_scoped3A : memref<!tpu.dma_semaphore, #tpu.memory_space<semaphore_mem>>) src(%arg4 : memref<16xi32, #tpu.memory_space<hbm>>) dst(%arg11 : memref<16xi32, #tpu.memory_space<vmem>>)
      tpu.yield
    }) : () -> ()
    %dma_wait3A = arith.constant 0 : i32
    %dma_wait3A_12 = tpu.memref_slice %arg17[%mul3A_2, %dma_wait3A] : memref<10240x128xf32, #tpu.memory_space<vmem_shared>> -> memref<640x128xf32, #tpu.memory_space<vmem_shared>>
    tpu.wait_dma2 semaphore(%arg21 : memref<!tpu.dma_semaphore, #tpu.memory_space<semaphore_mem>>) src(%arg6 : memref<640x128xf32, #tpu.memory_space<hbm>>) dst(%dma_wait3A_12 : memref<640x128xf32, #tpu.memory_space<vmem_shared>>)
    %barrier3A = arith.constant 0 : index
    tpu.barrier barrier_id(%barrier3A)
    %dma_wait3A_13 = tpu.memref_slice %arg2[%mul3A_0] : memref<320000xi32, #tpu.memory_space<hbm>> -> memref<10000xi32, #tpu.memory_space<hbm>>
    %dma_wait3A_14 = tpu.memref_slice %arg2[%mul3A_0] : memref<320000xi32, #tpu.memory_space<hbm>> -> memref<10000xi32, #tpu.memory_space<hbm>>
    tpu.wait_dma2 semaphore(%arg18 : memref<!tpu.dma_semaphore, #tpu.memory_space<semaphore_mem>>) src(%dma_wait3A_14 : memref<10000xi32, #tpu.memory_space<hbm>>) dst(%arg8 : memref<10000xi32, #tpu.memory_space<vmem>>)
    %dma_wait3A_15 = tpu.memref_slice %arg2[%mul3A_0] : memref<320000xi32, #tpu.memory_space<hbm>> -> memref<10000xi32, #tpu.memory_space<hbm>>
    %dma_wait3A_16 = tpu.memref_slice %arg2[%mul3A_0] : memref<320000xi32, #tpu.memory_space<hbm>> -> memref<10000xi32, #tpu.memory_space<hbm>>
    tpu.wait_dma2 semaphore(%arg19 : memref<!tpu.dma_semaphore, #tpu.memory_space<semaphore_mem>>) src(%dma_wait3A_16 : memref<10000xi32, #tpu.memory_space<hbm>>) dst(%arg9 : memref<10000xi32, #tpu.memory_space<vmem>>)
    %dma_wait3A_17 = tpu.memref_slice %arg3[%mul3A_0] : memref<160000xi32, #tpu.memory_space<hbm>> -> memref<10000xi32, #tpu.memory_space<hbm>>
    %dma_wait3A_18 = tpu.memref_slice %arg3[%mul3A_0] : memref<160000xi32, #tpu.memory_space<hbm>> -> memref<10000xi32, #tpu.memory_space<hbm>>
    tpu.wait_dma2 semaphore(%arg20 : memref<!tpu.dma_semaphore, #tpu.memory_space<semaphore_mem>>) src(%dma_wait3A_18 : memref<10000xi32, #tpu.memory_space<hbm>>) dst(%arg10 : memref<10000xi32, #tpu.memory_space<vmem>>)
    %get3A = arith.constant 0 : index
    %get3A_19 = tpu.vector_load %arg11[%get3A] {strides = array<i32>} : memref<16xi32, #tpu.memory_space<vmem>>, vector<16xi32>,
    %mul3A_20 = arith.constant 16 : i32
    %mul3A_21 = arith.muli %arg0, %mul3A_20 : i32
    %broadcast_in_dim3A = vector.broadcast %mul3A_21 : i32 to vector<16xi32>
    %broadcast_in_dim3A_22 = arith.constant 10200 : i32
    %broadcast_in_dim3A_23 = vector.broadcast %broadcast_in_dim3A_22 : i32 to vector<16xi32>
    %broadcast_in_dim3A_24 = arith.constant 39 : i32
    %broadcast_in_dim3A_25 = vector.broadcast %broadcast_in_dim3A_24 : i32 to vector<16xi32>
    %broadcast_in_dim3A_26 = arith.constant true
    %broadcast_in_dim3A_27 = vector.broadcast %broadcast_in_dim3A_26 : i1 to vector<16xi1>
    %scan3A = arith.constant 0 : i32
    %scan3A_28 = arith.constant 0 : i32
    %scan3A_29 = arith.constant 125 : i32
    %scan3A_30 = arith.addi %scan3A_28, %scan3A_29 : i32
    %scan3A_31 = arith.constant 1 : i32
    %scan3A_32 = scf.for %scan3A_48 = %scan3A_28 to %scan3A_30 step %scan3A_31 iter_args(%scan3A_49 = %scan3A) -> (i32)  : i32 {
      %mul3A_50 = arith.constant 5 : i32
      %mul3A_51 = arith.muli %scan3A_48, %mul3A_50 : i32
      %add3A = arith.constant 0 : i32
      %add3A_52 = arith.addi %mul3A_51, %add3A : i32
      %mul3A_53 = arith.constant 16 : i32
      %mul3A_54 = arith.muli %add3A_52, %mul3A_53 : i32
      %get3A_55 = arith.index_cast %mul3A_54 : i32 to index
      %get3A_56 = tpu.vector_load %arg8[%get3A_55] {strides = array<i32>} : memref<10000xi32, #tpu.memory_space<vmem>>, vector<16xi32>,
      %eq3A_57 = arith.cmpi eq, %get3A_56, %get3A_19 : vector<16xi32>
      %mul3A_58 = arith.constant 5 : i32
      %mul3A_59 = arith.muli %scan3A_48, %mul3A_58 : i32
      %add3A_60 = arith.constant 1 : i32
      %add3A_61 = arith.addi %mul3A_59, %add3A_60 : i32
      %mul3A_62 = arith.constant 16 : i32
      %mul3A_63 = arith.muli %add3A_61, %mul3A_62 : i32
      %get3A_64 = arith.index_cast %mul3A_63 : i32 to index
      %get3A_65 = tpu.vector_load %arg8[%get3A_64] {strides = array<i32>} : memref<10000xi32, #tpu.memory_space<vmem>>, vector<16xi32>,
      %eq3A_66 = arith.cmpi eq, %get3A_65, %get3A_19 : vector<16xi32>
      %mul3A_67 = arith.constant 5 : i32
      %mul3A_68 = arith.muli %scan3A_48, %mul3A_67 : i32
      %add3A_69 = arith.constant 2 : i32
      %add3A_70 = arith.addi %mul3A_68, %add3A_69 : i32
      %mul3A_71 = arith.constant 16 : i32
      %mul3A_72 = arith.muli %add3A_70, %mul3A_71 : i32
      %get3A_73 = arith.index_cast %mul3A_72 : i32 to index
      %get3A_74 = tpu.vector_load %arg8[%get3A_73] {strides = array<i32>} : memref<10000xi32, #tpu.memory_space<vmem>>, vector<16xi32>,
      %eq3A_75 = arith.cmpi eq, %get3A_74, %get3A_19 : vector<16xi32>
      %mul3A_76 = arith.constant 5 : i32
      %mul3A_77 = arith.muli %scan3A_48, %mul3A_76 : i32
      %add3A_78 = arith.constant 3 : i32
      %add3A_79 = arith.addi %mul3A_77, %add3A_78 : i32
      %mul3A_80 = arith.constant 16 : i32
      %mul3A_81 = arith.muli %add3A_79, %mul3A_80 : i32
      %get3A_82 = arith.index_cast %mul3A_81 : i32 to index
      %get3A_83 = tpu.vector_load %arg8[%get3A_82] {strides = array<i32>} : memref<10000xi32, #tpu.memory_space<vmem>>, vector<16xi32>,
      %eq3A_84 = arith.cmpi eq, %get3A_83, %get3A_19 : vector<16xi32>
      %mul3A_85 = arith.constant 5 : i32
      %mul3A_86 = arith.muli %scan3A_48, %mul3A_85 : i32
      %add3A_87 = arith.constant 4 : i32
      %add3A_88 = arith.addi %mul3A_86, %add3A_87 : i32
      %mul3A_89 = arith.constant 16 : i32
      %mul3A_90 = arith.muli %add3A_88, %mul3A_89 : i32
      %get3A_91 = arith.index_cast %mul3A_90 : i32 to index
      %get3A_92 = tpu.vector_load %arg8[%get3A_91] {strides = array<i32>} : memref<10000xi32, #tpu.memory_space<vmem>>, vector<16xi32>,
      %eq3A_93 = arith.cmpi eq, %get3A_92, %get3A_19 : vector<16xi32>
      %or3A = arith.ori %eq3A_57, %eq3A_66 : vector<16xi1>
      %or3A_94 = arith.ori %or3A, %eq3A_75 : vector<16xi1>
      %or3A_95 = arith.ori %or3A_94, %eq3A_84 : vector<16xi1>
      %or3A_96 = arith.ori %or3A_95, %eq3A_93 : vector<16xi1>
      %all_reduce_population_count3A = tpu.all_reduce %or3A_96 {dim = 0 : i64, kind = #tpu.reduction_kind<sum>} : vector<16xi1> -> vector<16xi32>
      %slice3A = vector.extract_strided_slice %all_reduce_population_count3A {offsets = [0], sizes = [1], strides = [1]} : vector<16xi32> to vector<1xi32>
      %squeeze3A = vector.extract %slice3A[0] : i32 from vector<1xi32>
      %gt3A_97 = arith.constant 0 : i32
      %gt3A_98 = arith.cmpi sgt, %squeeze3A, %gt3A_97 : i32
      %convert_element_type3A_99 = arith.extui %gt3A_98 : i1 to i32
      %cond3A_100 = arith.constant 0 : i32
      %cond3A_101 = arith.cmpi ne, %convert_element_type3A_99, %cond3A_100 : i32
      %cond3A_102 = scf.if %cond3A_101 -> (i32) {
        %mul3A_108 = arith.constant 5 : i32
        %mul3A_109 = arith.muli %scan3A_48, %mul3A_108 : i32
        %add3A_110 = arith.constant 0 : i32
        %add3A_111 = arith.addi %mul3A_109, %add3A_110 : i32
        %mul3A_112 = arith.constant 16 : i32
        %mul3A_113 = arith.muli %add3A_111, %mul3A_112 : i32
        %get3A_114 = arith.index_cast %mul3A_113 : i32 to index
        %get3A_115 = tpu.vector_load %arg9[%get3A_114] {strides = array<i32>} : memref<10000xi32, #tpu.memory_space<vmem>>, vector<16xi32>,
        %mul3A_116 = arith.constant 5 : i32
        %mul3A_117 = arith.muli %scan3A_48, %mul3A_116 : i32
        %add3A_118 = arith.constant 0 : i32
        %add3A_119 = arith.addi %mul3A_117, %add3A_118 : i32
        %mul3A_120 = arith.constant 16 : i32
        %mul3A_121 = arith.muli %add3A_119, %mul3A_120 : i32
        %get3A_122 = arith.index_cast %mul3A_121 : i32 to index
        %get3A_123 = tpu.vector_load %arg10[%get3A_122] {strides = array<i32>} : memref<10000xi32, #tpu.memory_space<vmem>>, vector<16xi32>,
        %add3A_124 = arith.addi %get3A_123, %broadcast_in_dim3A : vector<16xi32>
        %swap3A = arith.index_cast %scan3A_49 : i32 to index
        %swap3A_125 = tpu.vector_load %arg12[%swap3A] masked %eq3A_57 {strides = array<i32>} : memref<2240xi32, #tpu.memory_space<vmem>>, vector<16xi32>, vector<16xi1>
        tpu.vector_store %arg12[%swap3A], %get3A_115 masked %eq3A_57 {strides = array<i32>} : memref<2240xi32, #tpu.memory_space<vmem>>, vector<16xi32>, vector<16xi1>
        %swap3A_126 = arith.index_cast %scan3A_49 : i32 to index
        %swap3A_127 = tpu.vector_load %arg13[%swap3A_126] masked %eq3A_57 {strides = array<i32>} : memref<2240xi32, #tpu.memory_space<vmem>>, vector<16xi32>, vector<16xi1>
        tpu.vector_store %arg13[%swap3A_126], %add3A_124 masked %eq3A_57 {strides = array<i32>} : memref<2240xi32, #tpu.memory_space<vmem>>, vector<16xi32>, vector<16xi1>
        %all_reduce_population_count3A_128 = tpu.all_reduce %eq3A_57 {dim = 0 : i64, kind = #tpu.reduction_kind<sum>} : vector<16xi1> -> vector<16xi32>
        %slice3A_129 = vector.extract_strided_slice %all_reduce_population_count3A_128 {offsets = [0], sizes = [1], strides = [1]} : vector<16xi32> to vector<1xi32>
        %squeeze3A_130 = vector.extract %slice3A_129[0] : i32 from vector<1xi32>
        %add3A_131 = arith.addi %scan3A_49, %squeeze3A_130 : i32
        %mul3A_132 = arith.constant 5 : i32
        %mul3A_133 = arith.muli %scan3A_48, %mul3A_132 : i32
        %add3A_134 = arith.constant 1 : i32
        %add3A_135 = arith.addi %mul3A_133, %add3A_134 : i32
        %mul3A_136 = arith.constant 16 : i32
        %mul3A_137 = arith.muli %add3A_135, %mul3A_136 : i32
        %get3A_138 = arith.index_cast %mul3A_137 : i32 to index
        %get3A_139 = tpu.vector_load %arg9[%get3A_138] {strides = array<i32>} : memref<10000xi32, #tpu.memory_space<vmem>>, vector<16xi32>,
        %mul3A_140 = arith.constant 5 : i32
        %mul3A_141 = arith.muli %scan3A_48, %mul3A_140 : i32
        %add3A_142 = arith.constant 1 : i32
        %add3A_143 = arith.addi %mul3A_141, %add3A_142 : i32
        %mul3A_144 = arith.constant 16 : i32
        %mul3A_145 = arith.muli %add3A_143, %mul3A_144 : i32
        %get3A_146 = arith.index_cast %mul3A_145 : i32 to index
        %get3A_147 = tpu.vector_load %arg10[%get3A_146] {strides = array<i32>} : memref<10000xi32, #tpu.memory_space<vmem>>, vector<16xi32>,
        %add3A_148 = arith.addi %get3A_147, %broadcast_in_dim3A : vector<16xi32>
        %swap3A_149 = arith.index_cast %add3A_131 : i32 to index
        %swap3A_150 = tpu.vector_load %arg12[%swap3A_149] masked %eq3A_66 {strides = array<i32>} : memref<2240xi32, #tpu.memory_space<vmem>>, vector<16xi32>, vector<16xi1>
        tpu.vector_store %arg12[%swap3A_149], %get3A_139 masked %eq3A_66 {strides = array<i32>} : memref<2240xi32, #tpu.memory_space<vmem>>, vector<16xi32>, vector<16xi1>
        %swap3A_151 = arith.index_cast %add3A_131 : i32 to index
        %swap3A_152 = tpu.vector_load %arg13[%swap3A_151] masked %eq3A_66 {strides = array<i32>} : memref<2240xi32, #tpu.memory_space<vmem>>, vector<16xi32>, vector<16xi1>
        tpu.vector_store %arg13[%swap3A_151], %add3A_148 masked %eq3A_66 {strides = array<i32>} : memref<2240xi32, #tpu.memory_space<vmem>>, vector<16xi32>, vector<16xi1>
        %all_reduce_population_count3A_153 = tpu.all_reduce %eq3A_66 {dim = 0 : i64, kind = #tpu.reduction_kind<sum>} : vector<16xi1> -> vector<16xi32>
        %slice3A_154 = vector.extract_strided_slice %all_reduce_population_count3A_153 {offsets = [0], sizes = [1], strides = [1]} : vector<16xi32> to vector<1xi32>
        %squeeze3A_155 = vector.extract %slice3A_154[0] : i32 from vector<1xi32>
        %add3A_156 = arith.addi %add3A_131, %squeeze3A_155 : i32
        %mul3A_157 = arith.constant 5 : i32
        %mul3A_158 = arith.muli %scan3A_48, %mul3A_157 : i32
        %add3A_159 = arith.constant 2 : i32
        %add3A_160 = arith.addi %mul3A_158, %add3A_159 : i32
        %mul3A_161 = arith.constant 16 : i32
        %mul3A_162 = arith.muli %add3A_160, %mul3A_161 : i32
        %get3A_163 = arith.index_cast %mul3A_162 : i32 to index
        %get3A_164 = tpu.vector_load %arg9[%get3A_163] {strides = array<i32>} : memref<10000xi32, #tpu.memory_space<vmem>>, vector<16xi32>,
        %mul3A_165 = arith.constant 5 : i32
        %mul3A_166 = arith.muli %scan3A_48, %mul3A_165 : i32
        %add3A_167 = arith.constant 2 : i32
        %add3A_168 = arith.addi %mul3A_166, %add3A_167 : i32
        %mul3A_169 = arith.constant 16 : i32
        %mul3A_170 = arith.muli %add3A_168, %mul3A_169 : i32
        %get3A_171 = arith.index_cast %mul3A_170 : i32 to index
        %get3A_172 = tpu.vector_load %arg10[%get3A_171] {strides = array<i32>} : memref<10000xi32, #tpu.memory_space<vmem>>, vector<16xi32>,
        %add3A_173 = arith.addi %get3A_172, %broadcast_in_dim3A : vector<16xi32>
        %swap3A_174 = arith.index_cast %add3A_156 : i32 to index
        %swap3A_175 = tpu.vector_load %arg12[%swap3A_174] masked %eq3A_75 {strides = array<i32>} : memref<2240xi32, #tpu.memory_space<vmem>>, vector<16xi32>, vector<16xi1>
        tpu.vector_store %arg12[%swap3A_174], %get3A_164 masked %eq3A_75 {strides = array<i32>} : memref<2240xi32, #tpu.memory_space<vmem>>, vector<16xi32>, vector<16xi1>
        %swap3A_176 = arith.index_cast %add3A_156 : i32 to index
        %swap3A_177 = tpu.vector_load %arg13[%swap3A_176] masked %eq3A_75 {strides = array<i32>} : memref<2240xi32, #tpu.memory_space<vmem>>, vector<16xi32>, vector<16xi1>
        tpu.vector_store %arg13[%swap3A_176], %add3A_173 masked %eq3A_75 {strides = array<i32>} : memref<2240xi32, #tpu.memory_space<vmem>>, vector<16xi32>, vector<16xi1>
        %all_reduce_population_count3A_178 = tpu.all_reduce %eq3A_75 {dim = 0 : i64, kind = #tpu.reduction_kind<sum>} : vector<16xi1> -> vector<16xi32>
        %slice3A_179 = vector.extract_strided_slice %all_reduce_population_count3A_178 {offsets = [0], sizes = [1], strides = [1]} : vector<16xi32> to vector<1xi32>
        %squeeze3A_180 = vector.extract %slice3A_179[0] : i32 from vector<1xi32>
        %add3A_181 = arith.addi %add3A_156, %squeeze3A_180 : i32
        %mul3A_182 = arith.constant 5 : i32
        %mul3A_183 = arith.muli %scan3A_48, %mul3A_182 : i32
        %add3A_184 = arith.constant 3 : i32
        %add3A_185 = arith.addi %mul3A_183, %add3A_184 : i32
        %mul3A_186 = arith.constant 16 : i32
        %mul3A_187 = arith.muli %add3A_185, %mul3A_186 : i32
        %get3A_188 = arith.index_cast %mul3A_187 : i32 to index
        %get3A_189 = tpu.vector_load %arg9[%get3A_188] {strides = array<i32>} : memref<10000xi32, #tpu.memory_space<vmem>>, vector<16xi32>,
        %mul3A_190 = arith.constant 5 : i32
        %mul3A_191 = arith.muli %scan3A_48, %mul3A_190 : i32
        %add3A_192 = arith.constant 3 : i32
        %add3A_193 = arith.addi %mul3A_191, %add3A_192 : i32
        %mul3A_194 = arith.constant 16 : i32
        %mul3A_195 = arith.muli %add3A_193, %mul3A_194 : i32
        %get3A_196 = arith.index_cast %mul3A_195 : i32 to index
        %get3A_197 = tpu.vector_load %arg10[%get3A_196] {strides = array<i32>} : memref<10000xi32, #tpu.memory_space<vmem>>, vector<16xi32>,
        %add3A_198 = arith.addi %get3A_197, %broadcast_in_dim3A : vector<16xi32>
        %swap3A_199 = arith.index_cast %add3A_181 : i32 to index
        %swap3A_200 = tpu.vector_load %arg12[%swap3A_199] masked %eq3A_84 {strides = array<i32>} : memref<2240xi32, #tpu.memory_space<vmem>>, vector<16xi32>, vector<16xi1>
        tpu.vector_store %arg12[%swap3A_199], %get3A_189 masked %eq3A_84 {strides = array<i32>} : memref<2240xi32, #tpu.memory_space<vmem>>, vector<16xi32>, vector<16xi1>
        %swap3A_201 = arith.index_cast %add3A_181 : i32 to index
        %swap3A_202 = tpu.vector_load %arg13[%swap3A_201] masked %eq3A_84 {strides = array<i32>} : memref<2240xi32, #tpu.memory_space<vmem>>, vector<16xi32>, vector<16xi1>
        tpu.vector_store %arg13[%swap3A_201], %add3A_198 masked %eq3A_84 {strides = array<i32>} : memref<2240xi32, #tpu.memory_space<vmem>>, vector<16xi32>, vector<16xi1>
        %all_reduce_population_count3A_203 = tpu.all_reduce %eq3A_84 {dim = 0 : i64, kind = #tpu.reduction_kind<sum>} : vector<16xi1> -> vector<16xi32>
        %slice3A_204 = vector.extract_strided_slice %all_reduce_population_count3A_203 {offsets = [0], sizes = [1], strides = [1]} : vector<16xi32> to vector<1xi32>
        %squeeze3A_205 = vector.extract %slice3A_204[0] : i32 from vector<1xi32>
        %add3A_206 = arith.addi %add3A_181, %squeeze3A_205 : i32
        %mul3A_207 = arith.constant 5 : i32
        %mul3A_208 = arith.muli %scan3A_48, %mul3A_207 : i32
        %add3A_209 = arith.constant 4 : i32
        %add3A_210 = arith.addi %mul3A_208, %add3A_209 : i32
        %mul3A_211 = arith.constant 16 : i32
        %mul3A_212 = arith.muli %add3A_210, %mul3A_211 : i32
        %get3A_213 = arith.index_cast %mul3A_212 : i32 to index
        %get3A_214 = tpu.vector_load %arg9[%get3A_213] {strides = array<i32>} : memref<10000xi32, #tpu.memory_space<vmem>>, vector<16xi32>,
        %mul3A_215 = arith.constant 5 : i32
        %mul3A_216 = arith.muli %scan3A_48, %mul3A_215 : i32
        %add3A_217 = arith.constant 4 : i32
        %add3A_218 = arith.addi %mul3A_216, %add3A_217 : i32
        %mul3A_219 = arith.constant 16 : i32
        %mul3A_220 = arith.muli %add3A_218, %mul3A_219 : i32
        %get3A_221 = arith.index_cast %mul3A_220 : i32 to index
        %get3A_222 = tpu.vector_load %arg10[%get3A_221] {strides = array<i32>} : memref<10000xi32, #tpu.memory_space<vmem>>, vector<16xi32>,
        %add3A_223 = arith.addi %get3A_222, %broadcast_in_dim3A : vector<16xi32>
        %swap3A_224 = arith.index_cast %add3A_206 : i32 to index
        %swap3A_225 = tpu.vector_load %arg12[%swap3A_224] masked %eq3A_93 {strides = array<i32>} : memref<2240xi32, #tpu.memory_space<vmem>>, vector<16xi32>, vector<16xi1>
        tpu.vector_store %arg12[%swap3A_224], %get3A_214 masked %eq3A_93 {strides = array<i32>} : memref<2240xi32, #tpu.memory_space<vmem>>, vector<16xi32>, vector<16xi1>
        %swap3A_226 = arith.index_cast %add3A_206 : i32 to index
        %swap3A_227 = tpu.vector_load %arg13[%swap3A_226] masked %eq3A_93 {strides = array<i32>} : memref<2240xi32, #tpu.memory_space<vmem>>, vector<16xi32>, vector<16xi1>
        tpu.vector_store %arg13[%swap3A_226], %add3A_223 masked %eq3A_93 {strides = array<i32>} : memref<2240xi32, #tpu.memory_space<vmem>>, vector<16xi32>, vector<16xi1>
        %all_reduce_population_count3A_228 = tpu.all_reduce %eq3A_93 {dim = 0 : i64, kind = #tpu.reduction_kind<sum>} : vector<16xi1> -> vector<16xi32>
        %slice3A_229 = vector.extract_strided_slice %all_reduce_population_count3A_228 {offsets = [0], sizes = [1], strides = [1]} : vector<16xi32> to vector<1xi32>
        %squeeze3A_230 = vector.extract %slice3A_229[0] : i32 from vector<1xi32>
        %add3A_231 = arith.addi %add3A_206, %squeeze3A_230 : i32
        scf.yield %add3A_231 : i32
      } else {
        scf.yield %scan3A_49 : i32
      }
      %ge3A = arith.constant 2048 : i32
      %ge3A_103 = arith.cmpi sge, %cond3A_102, %ge3A : i32
      %convert_element_type3A_104 = arith.extui %ge3A_103 : i1 to i32
      %cond3A_105 = arith.constant 0 : i32
      %cond3A_106 = arith.cmpi ne, %convert_element_type3A_104, %cond3A_105 : i32
      %cond3A_107 = scf.if %cond3A_106 -> (i32) {
        %add3A_108 = arith.constant 0 : i32
        %add3A_109 = arith.addi %cond3A_102, %add3A_108 : i32
        %swap3A = arith.index_cast %add3A_109 : i32 to index
        %swap3A_110 = tpu.vector_load %arg12[%swap3A] masked %broadcast_in_dim3A_27 {strides = array<i32>} : memref<2240xi32, #tpu.memory_space<vmem>>, vector<16xi32>, vector<16xi1>
        tpu.vector_store %arg12[%swap3A], %broadcast_in_dim3A_23 masked %broadcast_in_dim3A_27 {strides = array<i32>} : memref<2240xi32, #tpu.memory_space<vmem>>, vector<16xi32>, vector<16xi1>
        %add3A_111 = arith.constant 0 : i32
        %add3A_112 = arith.addi %cond3A_102, %add3A_111 : i32
        %swap3A_113 = arith.index_cast %add3A_112 : i32 to index
        %swap3A_114 = tpu.vector_load %arg13[%swap3A_113] masked %broadcast_in_dim3A_27 {strides = array<i32>} : memref<2240xi32, #tpu.memory_space<vmem>>, vector<16xi32>, vector<16xi1>
        tpu.vector_store %arg13[%swap3A_113], %broadcast_in_dim3A_25 masked %broadcast_in_dim3A_27 {strides = array<i32>} : memref<2240xi32, #tpu.memory_space<vmem>>, vector<16xi32>, vector<16xi1>
        %add3A_115 = arith.constant 16 : i32
        %add3A_116 = arith.addi %cond3A_102, %add3A_115 : i32
        %swap3A_117 = arith.index_cast %add3A_116 : i32 to index
        %swap3A_118 = tpu.vector_load %arg12[%swap3A_117] masked %broadcast_in_dim3A_27 {strides = array<i32>} : memref<2240xi32, #tpu.memory_space<vmem>>, vector<16xi32>, vector<16xi1>
        tpu.vector_store %arg12[%swap3A_117], %broadcast_in_dim3A_23 masked %broadcast_in_dim3A_27 {strides = array<i32>} : memref<2240xi32, #tpu.memory_space<vmem>>, vector<16xi32>, vector<16xi1>
        %add3A_119 = arith.constant 16 : i32
        %add3A_120 = arith.addi %cond3A_102, %add3A_119 : i32
        %swap3A_121 = arith.index_cast %add3A_120 : i32 to index
        %swap3A_122 = tpu.vector_load %arg13[%swap3A_121] masked %broadcast_in_dim3A_27 {strides = array<i32>} : memref<2240xi32, #tpu.memory_space<vmem>>, vector<16xi32>, vector<16xi1>
        tpu.vector_store %arg13[%swap3A_121], %broadcast_in_dim3A_25 masked %broadcast_in_dim3A_27 {strides = array<i32>} : memref<2240xi32, #tpu.memory_space<vmem>>, vector<16xi32>, vector<16xi1>
        %add3A_123 = arith.constant 32 : i32
        %add3A_124 = arith.addi %cond3A_102, %add3A_123 : i32
        %sub3A = arith.constant 1 : i32
        %sub3A_125 = arith.subi %add3A_124, %sub3A : i32
        %jit3A = arith.constant 32 : i32
        %div3A = arith.divsi %sub3A_125, %jit3A : i32
        %sign3A = arith.constant 0 : i32
        %sign3A_126 = arith.cmpi sgt, %sub3A_125, %sign3A : i32
        %sign3A_127 = arith.extui %sign3A_126 : i1 to i32
        %sign3A_128 = arith.constant 0 : i32
        %sign3A_129 = arith.cmpi slt, %sub3A_125, %sign3A_128 : i32
        %sign3A_130 = arith.extui %sign3A_129 : i1 to i32
        %sign3A_131 = arith.subi %sign3A_127, %sign3A_130 : i32
        %sign3A_132 = arith.constant 0 : i32
        %sign3A_133 = arith.cmpi sgt, %jit3A, %sign3A_132 : i32
        %sign3A_134 = arith.extui %sign3A_133 : i1 to i32
        %sign3A_135 = arith.constant 0 : i32
        %sign3A_136 = arith.cmpi slt, %jit3A, %sign3A_135 : i32
        %sign3A_137 = arith.extui %sign3A_136 : i1 to i32
        %sign3A_138 = arith.subi %sign3A_134, %sign3A_137 : i32
        %ne3A_139 = arith.cmpi ne, %sign3A_131, %sign3A_138 : i32
        %rem3A = arith.remsi %sub3A_125, %jit3A : i32
        %ne3A_140 = arith.constant 0 : i32
        %ne3A_141 = arith.cmpi ne, %rem3A, %ne3A_140 : i32
        %and3A_142 = arith.andi %ne3A_139, %ne3A_141 : i1
        %sub3A_143 = arith.constant 1 : i32
        %sub3A_144 = arith.subi %div3A, %sub3A_143 : i32
        %select_n3A = arith.select %and3A_142, %sub3A_144, %div3A : i32
        %while3A = arith.constant 0 : i32
        %while3A_145 = arith.constant 0 : i32
        %while3A_146 = arith.subi %select_n3A, %while3A_145 : i32
        %while3A_147 = arith.addi %while3A_145, %while3A_146 : i32
        %while3A_148 = arith.constant 1 : i32
        %while3A_149 = arith.divsi %while3A_146, %while3A_148 : i32
        %while3A_150 = arith.muli %while3A_149, %while3A_148 : i32
        %while3A_151 = arith.addi %while3A_145, %while3A_150 : i32
        %while3A_152 = arith.constant 1 : i32
        scf.for %while3A_155 = %while3A_145 to %while3A_151 step %while3A_152  : i32 {
          %mul3A_156 = arith.constant 32 : i32
          %mul3A_157 = arith.muli %while3A_155, %mul3A_156 : i32
          %add3A_158 = arith.constant 0 : i32
          %add3A_159 = arith.addi %mul3A_157, %add3A_158 : i32
          %get3A_160 = arith.index_cast %add3A_159 : i32 to index
          %get3A_161 = tpu.vector_load %arg12[%get3A_160] {strides = array<i32>} : memref<2240xi32, #tpu.memory_space<vmem>>, vector<16xi32>,
          %swap3A_162 = arith.constant 0 : index
          %swap3A_163 = tpu.vector_load %arg14[%swap3A_162] {strides = array<i32>} : memref<32xi32, #tpu.memory_space<vmem>>, vector<16xi32>,
          tpu.vector_store %arg14[%swap3A_162], %get3A_161 {strides = array<i32>} : memref<32xi32, #tpu.memory_space<vmem>>, vector<16xi32>,
          %add3A_164 = arith.constant 0 : i32
          %add3A_165 = arith.addi %mul3A_157, %add3A_164 : i32
          %get3A_166 = arith.index_cast %add3A_165 : i32 to index
          %get3A_167 = tpu.vector_load %arg13[%get3A_166] {strides = array<i32>} : memref<2240xi32, #tpu.memory_space<vmem>>, vector<16xi32>,
          %swap3A_168 = arith.constant 0 : index
          %swap3A_169 = tpu.vector_load %arg15[%swap3A_168] {strides = array<i32>} : memref<32xi32, #tpu.memory_space<vmem>>, vector<16xi32>,
          tpu.vector_store %arg15[%swap3A_168], %get3A_167 {strides = array<i32>} : memref<32xi32, #tpu.memory_space<vmem>>, vector<16xi32>,
          %add3A_170 = arith.constant 16 : i32
          %add3A_171 = arith.addi %mul3A_157, %add3A_170 : i32
          %get3A_172 = arith.index_cast %add3A_171 : i32 to index
          %get3A_173 = tpu.vector_load %arg12[%get3A_172] {strides = array<i32>} : memref<2240xi32, #tpu.memory_space<vmem>>, vector<16xi32>,
          %swap3A_174 = arith.constant 16 : index
          %swap3A_175 = tpu.vector_load %arg14[%swap3A_174] {strides = array<i32>} : memref<32xi32, #tpu.memory_space<vmem>>, vector<16xi32>,
          tpu.vector_store %arg14[%swap3A_174], %get3A_173 {strides = array<i32>} : memref<32xi32, #tpu.memory_space<vmem>>, vector<16xi32>,
          %add3A_176 = arith.constant 16 : i32
          %add3A_177 = arith.addi %mul3A_157, %add3A_176 : i32
          %get3A_178 = arith.index_cast %add3A_177 : i32 to index
          %get3A_179 = tpu.vector_load %arg13[%get3A_178] {strides = array<i32>} : memref<2240xi32, #tpu.memory_space<vmem>>, vector<16xi32>,
          %swap3A_180 = arith.constant 16 : index
          %swap3A_181 = tpu.vector_load %arg15[%swap3A_180] {strides = array<i32>} : memref<32xi32, #tpu.memory_space<vmem>>, vector<16xi32>,
          tpu.vector_store %arg15[%swap3A_180], %get3A_179 {strides = array<i32>} : memref<32xi32, #tpu.memory_space<vmem>>, vector<16xi32>,
          "tpu.region"() ({
            %run_scoped3A = tpu.sem_alloc : memref<!tpu.dma_semaphore, #tpu.memory_space<semaphore_mem>>
            %dma_start3A_182 = arith.constant 0 : i32
            %dma_start3A_183 = arith.constant 0 : i32
            %dma_start3A_184 = tpu.memref_slice %arg5[%dma_start3A_182, %dma_start3A_183] : memref<40x128xf32, #tpu.memory_space<hbm>> -> memref<40x128xf32, #tpu.memory_space<hbm>>
            tpu.enqueue_indirect_dma source(%dma_start3A_184 : memref<40x128xf32, #tpu.memory_space<hbm>>) target(%arg16 : memref<32x128xf32, #tpu.memory_space<vmem>>) offsets(%arg15 : memref<32xi32, #tpu.memory_space<vmem>>) semaphore(%run_scoped3A : memref<!tpu.dma_semaphore, #tpu.memory_space<semaphore_mem>>)
            %dma_wait3A_185 = arith.constant 0 : i32
            %dma_wait3A_186 = arith.constant 0 : i32
            %dma_wait3A_187 = tpu.memref_slice %arg5[%dma_wait3A_185, %dma_wait3A_186] : memref<40x128xf32, #tpu.memory_space<hbm>> -> memref<40x128xf32, #tpu.memory_space<hbm>>
            tpu.wait_indirect_dma semaphore(%run_scoped3A : memref<!tpu.dma_semaphore, #tpu.memory_space<semaphore_mem>>) src(%dma_wait3A_187 : memref<40x128xf32, #tpu.memory_space<hbm>>) dst(%arg16 : memref<32x128xf32, #tpu.memory_space<vmem>>)
            tpu.yield
          }) : () -> ()
          "tpu.region"() ({
            %run_scoped3A = tpu.sem_alloc : memref<!tpu.dma_semaphore, #tpu.memory_space<semaphore_mem>>
            %dma_start3A_182 = arith.constant 0 : i32
            %dma_start3A_183 = arith.constant 0 : i32
            %dma_start3A_184 = tpu.memref_slice %arg17[%dma_start3A_182, %dma_start3A_183] : memref<10240x128xf32, #tpu.memory_space<vmem_shared>> -> memref<10240x128xf32, #tpu.memory_space<vmem_shared>>
            tpu.enqueue_indirect_dma source(%arg16 : memref<32x128xf32, #tpu.memory_space<vmem>>) target(%dma_start3A_184 : memref<10240x128xf32, #tpu.memory_space<vmem_shared>>) offsets(%arg14 : memref<32xi32, #tpu.memory_space<vmem>>) semaphore(%run_scoped3A : memref<!tpu.dma_semaphore, #tpu.memory_space<semaphore_mem>>) {add = true}
            %dma_wait3A_185 = arith.constant 0 : i32
            %dma_wait3A_186 = arith.constant 0 : i32
            %dma_wait3A_187 = tpu.memref_slice %arg17[%dma_wait3A_185, %dma_wait3A_186] : memref<10240x128xf32, #tpu.memory_space<vmem_shared>> -> memref<10240x128xf32, #tpu.memory_space<vmem_shared>>
            tpu.wait_indirect_dma semaphore(%run_scoped3A : memref<!tpu.dma_semaphore, #tpu.memory_space<semaphore_mem>>) src(%arg16 : memref<32x128xf32, #tpu.memory_space<vmem>>) dst(%dma_wait3A_187 : memref<10240x128xf32, #tpu.memory_space<vmem_shared>>)
            tpu.yield
          }) : () -> ()
        }
        %while3A_153 = arith.constant 1 : i32
        scf.for %while3A_155 = %while3A_151 to %while3A_147 step %while3A_153  : i32 {
          %mul3A_156 = arith.constant 32 : i32
          %mul3A_157 = arith.muli %while3A_155, %mul3A_156 : i32
          %add3A_158 = arith.constant 0 : i32
          %add3A_159 = arith.addi %mul3A_157, %add3A_158 : i32
          %get3A_160 = arith.index_cast %add3A_159 : i32 to index
          %get3A_161 = tpu.vector_load %arg12[%get3A_160] {strides = array<i32>} : memref<2240xi32, #tpu.memory_space<vmem>>, vector<16xi32>,
          %swap3A_162 = arith.constant 0 : index
          %swap3A_163 = tpu.vector_load %arg14[%swap3A_162] {strides = array<i32>} : memref<32xi32, #tpu.memory_space<vmem>>, vector<16xi32>,
          tpu.vector_store %arg14[%swap3A_162], %get3A_161 {strides = array<i32>} : memref<32xi32, #tpu.memory_space<vmem>>, vector<16xi32>,
          %add3A_164 = arith.constant 0 : i32
          %add3A_165 = arith.addi %mul3A_157, %add3A_164 : i32
          %get3A_166 = arith.index_cast %add3A_165 : i32 to index
          %get3A_167 = tpu.vector_load %arg13[%get3A_166] {strides = array<i32>} : memref<2240xi32, #tpu.memory_space<vmem>>, vector<16xi32>,
          %swap3A_168 = arith.constant 0 : index
          %swap3A_169 = tpu.vector_load %arg15[%swap3A_168] {strides = array<i32>} : memref<32xi32, #tpu.memory_space<vmem>>, vector<16xi32>,
          tpu.vector_store %arg15[%swap3A_168], %get3A_167 {strides = array<i32>} : memref<32xi32, #tpu.memory_space<vmem>>, vector<16xi32>,
          %add3A_170 = arith.constant 16 : i32
          %add3A_171 = arith.addi %mul3A_157, %add3A_170 : i32
          %get3A_172 = arith.index_cast %add3A_171 : i32 to index
          %get3A_173 = tpu.vector_load %arg12[%get3A_172] {strides = array<i32>} : memref<2240xi32, #tpu.memory_space<vmem>>, vector<16xi32>,
          %swap3A_174 = arith.constant 16 : index
          %swap3A_175 = tpu.vector_load %arg14[%swap3A_174] {strides = array<i32>} : memref<32xi32, #tpu.memory_space<vmem>>, vector<16xi32>,
          tpu.vector_store %arg14[%swap3A_174], %get3A_173 {strides = array<i32>} : memref<32xi32, #tpu.memory_space<vmem>>, vector<16xi32>,
          %add3A_176 = arith.constant 16 : i32
          %add3A_177 = arith.addi %mul3A_157, %add3A_176 : i32
          %get3A_178 = arith.index_cast %add3A_177 : i32 to index
          %get3A_179 = tpu.vector_load %arg13[%get3A_178] {strides = array<i32>} : memref<2240xi32, #tpu.memory_space<vmem>>, vector<16xi32>,
          %swap3A_180 = arith.constant 16 : index
          %swap3A_181 = tpu.vector_load %arg15[%swap3A_180] {strides = array<i32>} : memref<32xi32, #tpu.memory_space<vmem>>, vector<16xi32>,
          tpu.vector_store %arg15[%swap3A_180], %get3A_179 {strides = array<i32>} : memref<32xi32, #tpu.memory_space<vmem>>, vector<16xi32>,
          "tpu.region"() ({
            %run_scoped3A = tpu.sem_alloc : memref<!tpu.dma_semaphore, #tpu.memory_space<semaphore_mem>>
            %dma_start3A_182 = arith.constant 0 : i32
            %dma_start3A_183 = arith.constant 0 : i32
            %dma_start3A_184 = tpu.memref_slice %arg5[%dma_start3A_182, %dma_start3A_183] : memref<40x128xf32, #tpu.memory_space<hbm>> -> memref<40x128xf32, #tpu.memory_space<hbm>>
            tpu.enqueue_indirect_dma source(%dma_start3A_184 : memref<40x128xf32, #tpu.memory_space<hbm>>) target(%arg16 : memref<32x128xf32, #tpu.memory_space<vmem>>) offsets(%arg15 : memref<32xi32, #tpu.memory_space<vmem>>) semaphore(%run_scoped3A : memref<!tpu.dma_semaphore, #tpu.memory_space<semaphore_mem>>)
            %dma_wait3A_185 = arith.constant 0 : i32
            %dma_wait3A_186 = arith.constant 0 : i32
            %dma_wait3A_187 = tpu.memref_slice %arg5[%dma_wait3A_185, %dma_wait3A_186] : memref<40x128xf32, #tpu.memory_space<hbm>> -> memref<40x128xf32, #tpu.memory_space<hbm>>
            tpu.wait_indirect_dma semaphore(%run_scoped3A : memref<!tpu.dma_semaphore, #tpu.memory_space<semaphore_mem>>) src(%dma_wait3A_187 : memref<40x128xf32, #tpu.memory_space<hbm>>) dst(%arg16 : memref<32x128xf32, #tpu.memory_space<vmem>>)
            tpu.yield
          }) : () -> ()
          "tpu.region"() ({
            %run_scoped3A = tpu.sem_alloc : memref<!tpu.dma_semaphore, #tpu.memory_space<semaphore_mem>>
            %dma_start3A_182 = arith.constant 0 : i32
            %dma_start3A_183 = arith.constant 0 : i32
            %dma_start3A_184 = tpu.memref_slice %arg17[%dma_start3A_182, %dma_start3A_183] : memref<10240x128xf32, #tpu.memory_space<vmem_shared>> -> memref<10240x128xf32, #tpu.memory_space<vmem_shared>>
            tpu.enqueue_indirect_dma source(%arg16 : memref<32x128xf32, #tpu.memory_space<vmem>>) target(%dma_start3A_184 : memref<10240x128xf32, #tpu.memory_space<vmem_shared>>) offsets(%arg14 : memref<32xi32, #tpu.memory_space<vmem>>) semaphore(%run_scoped3A : memref<!tpu.dma_semaphore, #tpu.memory_space<semaphore_mem>>) {add = true}
            %dma_wait3A_185 = arith.constant 0 : i32
            %dma_wait3A_186 = arith.constant 0 : i32
            %dma_wait3A_187 = tpu.memref_slice %arg17[%dma_wait3A_185, %dma_wait3A_186] : memref<10240x128xf32, #tpu.memory_space<vmem_shared>> -> memref<10240x128xf32, #tpu.memory_space<vmem_shared>>
            tpu.wait_indirect_dma semaphore(%run_scoped3A : memref<!tpu.dma_semaphore, #tpu.memory_space<semaphore_mem>>) src(%arg16 : memref<32x128xf32, #tpu.memory_space<vmem>>) dst(%dma_wait3A_187 : memref<10240x128xf32, #tpu.memory_space<vmem_shared>>)
            tpu.yield
          }) : () -> ()
        }
        %cond3A_154 = arith.constant 0 : i32
        scf.yield %cond3A_154 : i32
      } else {
        scf.yield %cond3A_102 : i32
      }
      scf.yield %cond3A_107 : i32
    }
    %scan3A_33 = arith.constant 125 : i32
    %eq3A_34 = arith.constant 0 : i32
    %eq3A_35 = arith.cmpi eq, %arg0, %eq3A_34 : i32
    %eq3A_36 = arith.constant 0 : i32
    %eq3A_37 = arith.cmpi eq, %arg1, %eq3A_36 : i32
    %and3A = arith.andi %eq3A_35, %eq3A_37 : i1
    %convert_element_type3A_38 = arith.extui %and3A : i1 to i32
    %cond3A_39 = arith.constant 0 : i32
    %cond3A_40 = arith.cmpi ne, %convert_element_type3A_38, %cond3A_39 : i32
    %cond3A_41 = scf.if %cond3A_40 -> (i32) {
      %iota3A = tpu.iota {dimensions = array<i32: 0>} : vector<16xi32>
      %eq3A_48 = arith.constant 0 : i32
      %eq3A_49 = vector.broadcast %eq3A_48 : i32 to vector<16xi32>
      %eq3A_50 = arith.cmpi eq, %iota3A, %eq3A_49 : vector<16xi32>
      %swap3A = arith.index_cast %scan3A_32 : i32 to index
      %swap3A_51 = tpu.vector_load %arg12[%swap3A] masked %eq3A_50 {strides = array<i32>} : memref<2240xi32, #tpu.memory_space<vmem>>, vector<16xi32>, vector<16xi1>
      tpu.vector_store %arg12[%swap3A], %get3A_19 masked %eq3A_50 {strides = array<i32>} : memref<2240xi32, #tpu.memory_space<vmem>>, vector<16xi32>, vector<16xi1>
      %broadcast_in_dim3A_52 = arith.constant 32 : i32
      %broadcast_in_dim3A_53 = vector.broadcast %broadcast_in_dim3A_52 : i32 to vector<16xi32>
      %swap3A_54 = arith.index_cast %scan3A_32 : i32 to index
      %swap3A_55 = tpu.vector_load %arg13[%swap3A_54] masked %eq3A_50 {strides = array<i32>} : memref<2240xi32, #tpu.memory_space<vmem>>, vector<16xi32>, vector<16xi1>
      tpu.vector_store %arg13[%swap3A_54], %broadcast_in_dim3A_53 masked %eq3A_50 {strides = array<i32>} : memref<2240xi32, #tpu.memory_space<vmem>>, vector<16xi32>, vector<16xi1>
      %add3A = arith.constant 1 : i32
      %add3A_56 = arith.addi %scan3A_32, %add3A : i32
      scf.yield %add3A_56 : i32
    } else {
      scf.yield %scan3A_32 : i32
    }
    %gt3A = arith.constant 0 : i32
    %gt3A_42 = arith.cmpi sgt, %cond3A_41, %gt3A : i32
    %convert_element_type3A_43 = arith.extui %gt3A_42 : i1 to i32
    %cond3A_44 = arith.constant 0 : i32
    %cond3A_45 = arith.cmpi ne, %convert_element_type3A_43, %cond3A_44 : i32
    %cond3A_46 = scf.if %cond3A_45 -> (i32) {
      %add3A = arith.constant 0 : i32
      %add3A_48 = arith.addi %cond3A_41, %add3A : i32
      %swap3A = arith.index_cast %add3A_48 : i32 to index
      %swap3A_49 = tpu.vector_load %arg12[%swap3A] masked %broadcast_in_dim3A_27 {strides = array<i32>} : memref<2240xi32, #tpu.memory_space<vmem>>, vector<16xi32>, vector<16xi1>
      tpu.vector_store %arg12[%swap3A], %broadcast_in_dim3A_23 masked %broadcast_in_dim3A_27 {strides = array<i32>} : memref<2240xi32, #tpu.memory_space<vmem>>, vector<16xi32>, vector<16xi1>
      %add3A_50 = arith.constant 0 : i32
      %add3A_51 = arith.addi %cond3A_41, %add3A_50 : i32
      %swap3A_52 = arith.index_cast %add3A_51 : i32 to index
      %swap3A_53 = tpu.vector_load %arg13[%swap3A_52] masked %broadcast_in_dim3A_27 {strides = array<i32>} : memref<2240xi32, #tpu.memory_space<vmem>>, vector<16xi32>, vector<16xi1>
      tpu.vector_store %arg13[%swap3A_52], %broadcast_in_dim3A_25 masked %broadcast_in_dim3A_27 {strides = array<i32>} : memref<2240xi32, #tpu.memory_space<vmem>>, vector<16xi32>, vector<16xi1>
      %add3A_54 = arith.constant 16 : i32
      %add3A_55 = arith.addi %cond3A_41, %add3A_54 : i32
      %swap3A_56 = arith.index_cast %add3A_55 : i32 to index
      %swap3A_57 = tpu.vector_load %arg12[%swap3A_56] masked %broadcast_in_dim3A_27 {strides = array<i32>} : memref<2240xi32, #tpu.memory_space<vmem>>, vector<16xi32>, vector<16xi1>
      tpu.vector_store %arg12[%swap3A_56], %broadcast_in_dim3A_23 masked %broadcast_in_dim3A_27 {strides = array<i32>} : memref<2240xi32, #tpu.memory_space<vmem>>, vector<16xi32>, vector<16xi1>
      %add3A_58 = arith.constant 16 : i32
      %add3A_59 = arith.addi %cond3A_41, %add3A_58 : i32
      %swap3A_60 = arith.index_cast %add3A_59 : i32 to index
      %swap3A_61 = tpu.vector_load %arg13[%swap3A_60] masked %broadcast_in_dim3A_27 {strides = array<i32>} : memref<2240xi32, #tpu.memory_space<vmem>>, vector<16xi32>, vector<16xi1>
      tpu.vector_store %arg13[%swap3A_60], %broadcast_in_dim3A_25 masked %broadcast_in_dim3A_27 {strides = array<i32>} : memref<2240xi32, #tpu.memory_space<vmem>>, vector<16xi32>, vector<16xi1>
      %add3A_62 = arith.constant 32 : i32
      %add3A_63 = arith.addi %cond3A_41, %add3A_62 : i32
      %sub3A = arith.constant 1 : i32
      %sub3A_64 = arith.subi %add3A_63, %sub3A : i32
      %jit3A = arith.constant 32 : i32
      %div3A = arith.divsi %sub3A_64, %jit3A : i32
      %sign3A = arith.constant 0 : i32
      %sign3A_65 = arith.cmpi sgt, %sub3A_64, %sign3A : i32
      %sign3A_66 = arith.extui %sign3A_65 : i1 to i32
      %sign3A_67 = arith.constant 0 : i32
      %sign3A_68 = arith.cmpi slt, %sub3A_64, %sign3A_67 : i32
      %sign3A_69 = arith.extui %sign3A_68 : i1 to i32
      %sign3A_70 = arith.subi %sign3A_66, %sign3A_69 : i32
      %sign3A_71 = arith.constant 0 : i32
      %sign3A_72 = arith.cmpi sgt, %jit3A, %sign3A_71 : i32
      %sign3A_73 = arith.extui %sign3A_72 : i1 to i32
      %sign3A_74 = arith.constant 0 : i32
      %sign3A_75 = arith.cmpi slt, %jit3A, %sign3A_74 : i32
      %sign3A_76 = arith.extui %sign3A_75 : i1 to i32
      %sign3A_77 = arith.subi %sign3A_73, %sign3A_76 : i32
      %ne3A_78 = arith.cmpi ne, %sign3A_70, %sign3A_77 : i32
      %rem3A = arith.remsi %sub3A_64, %jit3A : i32
      %ne3A_79 = arith.constant 0 : i32
      %ne3A_80 = arith.cmpi ne, %rem3A, %ne3A_79 : i32
      %and3A_81 = arith.andi %ne3A_78, %ne3A_80 : i1
      %sub3A_82 = arith.constant 1 : i32
      %sub3A_83 = arith.subi %div3A, %sub3A_82 : i32
      %select_n3A = arith.select %and3A_81, %sub3A_83, %div3A : i32
      %while3A = arith.constant 0 : i32
      %while3A_84 = arith.constant 0 : i32
      %while3A_85 = arith.subi %select_n3A, %while3A_84 : i32
      %while3A_86 = arith.addi %while3A_84, %while3A_85 : i32
      %while3A_87 = arith.constant 1 : i32
      %while3A_88 = arith.divsi %while3A_85, %while3A_87 : i32
      %while3A_89 = arith.muli %while3A_88, %while3A_87 : i32
      %while3A_90 = arith.addi %while3A_84, %while3A_89 : i32
      %while3A_91 = arith.constant 1 : i32
      scf.for %while3A_94 = %while3A_84 to %while3A_90 step %while3A_91  : i32 {
        %mul3A_95 = arith.constant 32 : i32
        %mul3A_96 = arith.muli %while3A_94, %mul3A_95 : i32
        %add3A_97 = arith.constant 0 : i32
        %add3A_98 = arith.addi %mul3A_96, %add3A_97 : i32
        %get3A_99 = arith.index_cast %add3A_98 : i32 to index
        %get3A_100 = tpu.vector_load %arg12[%get3A_99] {strides = array<i32>} : memref<2240xi32, #tpu.memory_space<vmem>>, vector<16xi32>,
        %swap3A_101 = arith.constant 0 : index
        %swap3A_102 = tpu.vector_load %arg14[%swap3A_101] {strides = array<i32>} : memref<32xi32, #tpu.memory_space<vmem>>, vector<16xi32>,
        tpu.vector_store %arg14[%swap3A_101], %get3A_100 {strides = array<i32>} : memref<32xi32, #tpu.memory_space<vmem>>, vector<16xi32>,
        %add3A_103 = arith.constant 0 : i32
        %add3A_104 = arith.addi %mul3A_96, %add3A_103 : i32
        %get3A_105 = arith.index_cast %add3A_104 : i32 to index
        %get3A_106 = tpu.vector_load %arg13[%get3A_105] {strides = array<i32>} : memref<2240xi32, #tpu.memory_space<vmem>>, vector<16xi32>,
        %swap3A_107 = arith.constant 0 : index
        %swap3A_108 = tpu.vector_load %arg15[%swap3A_107] {strides = array<i32>} : memref<32xi32, #tpu.memory_space<vmem>>, vector<16xi32>,
        tpu.vector_store %arg15[%swap3A_107], %get3A_106 {strides = array<i32>} : memref<32xi32, #tpu.memory_space<vmem>>, vector<16xi32>,
        %add3A_109 = arith.constant 16 : i32
        %add3A_110 = arith.addi %mul3A_96, %add3A_109 : i32
        %get3A_111 = arith.index_cast %add3A_110 : i32 to index
        %get3A_112 = tpu.vector_load %arg12[%get3A_111] {strides = array<i32>} : memref<2240xi32, #tpu.memory_space<vmem>>, vector<16xi32>,
        %swap3A_113 = arith.constant 16 : index
        %swap3A_114 = tpu.vector_load %arg14[%swap3A_113] {strides = array<i32>} : memref<32xi32, #tpu.memory_space<vmem>>, vector<16xi32>,
        tpu.vector_store %arg14[%swap3A_113], %get3A_112 {strides = array<i32>} : memref<32xi32, #tpu.memory_space<vmem>>, vector<16xi32>,
        %add3A_115 = arith.constant 16 : i32
        %add3A_116 = arith.addi %mul3A_96, %add3A_115 : i32
        %get3A_117 = arith.index_cast %add3A_116 : i32 to index
        %get3A_118 = tpu.vector_load %arg13[%get3A_117] {strides = array<i32>} : memref<2240xi32, #tpu.memory_space<vmem>>, vector<16xi32>,
        %swap3A_119 = arith.constant 16 : index
        %swap3A_120 = tpu.vector_load %arg15[%swap3A_119] {strides = array<i32>} : memref<32xi32, #tpu.memory_space<vmem>>, vector<16xi32>,
        tpu.vector_store %arg15[%swap3A_119], %get3A_118 {strides = array<i32>} : memref<32xi32, #tpu.memory_space<vmem>>, vector<16xi32>,
        "tpu.region"() ({
          %run_scoped3A = tpu.sem_alloc : memref<!tpu.dma_semaphore, #tpu.memory_space<semaphore_mem>>
          %dma_start3A_121 = arith.constant 0 : i32
          %dma_start3A_122 = arith.constant 0 : i32
          %dma_start3A_123 = tpu.memref_slice %arg5[%dma_start3A_121, %dma_start3A_122] : memref<40x128xf32, #tpu.memory_space<hbm>> -> memref<40x128xf32, #tpu.memory_space<hbm>>
          tpu.enqueue_indirect_dma source(%dma_start3A_123 : memref<40x128xf32, #tpu.memory_space<hbm>>) target(%arg16 : memref<32x128xf32, #tpu.memory_space<vmem>>) offsets(%arg15 : memref<32xi32, #tpu.memory_space<vmem>>) semaphore(%run_scoped3A : memref<!tpu.dma_semaphore, #tpu.memory_space<semaphore_mem>>)
          %dma_wait3A_124 = arith.constant 0 : i32
          %dma_wait3A_125 = arith.constant 0 : i32
          %dma_wait3A_126 = tpu.memref_slice %arg5[%dma_wait3A_124, %dma_wait3A_125] : memref<40x128xf32, #tpu.memory_space<hbm>> -> memref<40x128xf32, #tpu.memory_space<hbm>>
          tpu.wait_indirect_dma semaphore(%run_scoped3A : memref<!tpu.dma_semaphore, #tpu.memory_space<semaphore_mem>>) src(%dma_wait3A_126 : memref<40x128xf32, #tpu.memory_space<hbm>>) dst(%arg16 : memref<32x128xf32, #tpu.memory_space<vmem>>)
          tpu.yield
        }) : () -> ()
        "tpu.region"() ({
          %run_scoped3A = tpu.sem_alloc : memref<!tpu.dma_semaphore, #tpu.memory_space<semaphore_mem>>
          %dma_start3A_121 = arith.constant 0 : i32
          %dma_start3A_122 = arith.constant 0 : i32
          %dma_start3A_123 = tpu.memref_slice %arg17[%dma_start3A_121, %dma_start3A_122] : memref<10240x128xf32, #tpu.memory_space<vmem_shared>> -> memref<10240x128xf32, #tpu.memory_space<vmem_shared>>
          tpu.enqueue_indirect_dma source(%arg16 : memref<32x128xf32, #tpu.memory_space<vmem>>) target(%dma_start3A_123 : memref<10240x128xf32, #tpu.memory_space<vmem_shared>>) offsets(%arg14 : memref<32xi32, #tpu.memory_space<vmem>>) semaphore(%run_scoped3A : memref<!tpu.dma_semaphore, #tpu.memory_space<semaphore_mem>>) {add = true}
          %dma_wait3A_124 = arith.constant 0 : i32
          %dma_wait3A_125 = arith.constant 0 : i32
          %dma_wait3A_126 = tpu.memref_slice %arg17[%dma_wait3A_124, %dma_wait3A_125] : memref<10240x128xf32, #tpu.memory_space<vmem_shared>> -> memref<10240x128xf32, #tpu.memory_space<vmem_shared>>
          tpu.wait_indirect_dma semaphore(%run_scoped3A : memref<!tpu.dma_semaphore, #tpu.memory_space<semaphore_mem>>) src(%arg16 : memref<32x128xf32, #tpu.memory_space<vmem>>) dst(%dma_wait3A_126 : memref<10240x128xf32, #tpu.memory_space<vmem_shared>>)
          tpu.yield
        }) : () -> ()
      }
      %while3A_92 = arith.constant 1 : i32
      scf.for %while3A_94 = %while3A_90 to %while3A_86 step %while3A_92  : i32 {
        %mul3A_95 = arith.constant 32 : i32
        %mul3A_96 = arith.muli %while3A_94, %mul3A_95 : i32
        %add3A_97 = arith.constant 0 : i32
        %add3A_98 = arith.addi %mul3A_96, %add3A_97 : i32
        %get3A_99 = arith.index_cast %add3A_98 : i32 to index
        %get3A_100 = tpu.vector_load %arg12[%get3A_99] {strides = array<i32>} : memref<2240xi32, #tpu.memory_space<vmem>>, vector<16xi32>,
        %swap3A_101 = arith.constant 0 : index
        %swap3A_102 = tpu.vector_load %arg14[%swap3A_101] {strides = array<i32>} : memref<32xi32, #tpu.memory_space<vmem>>, vector<16xi32>,
        tpu.vector_store %arg14[%swap3A_101], %get3A_100 {strides = array<i32>} : memref<32xi32, #tpu.memory_space<vmem>>, vector<16xi32>,
        %add3A_103 = arith.constant 0 : i32
        %add3A_104 = arith.addi %mul3A_96, %add3A_103 : i32
        %get3A_105 = arith.index_cast %add3A_104 : i32 to index
        %get3A_106 = tpu.vector_load %arg13[%get3A_105] {strides = array<i32>} : memref<2240xi32, #tpu.memory_space<vmem>>, vector<16xi32>,
        %swap3A_107 = arith.constant 0 : index
        %swap3A_108 = tpu.vector_load %arg15[%swap3A_107] {strides = array<i32>} : memref<32xi32, #tpu.memory_space<vmem>>, vector<16xi32>,
        tpu.vector_store %arg15[%swap3A_107], %get3A_106 {strides = array<i32>} : memref<32xi32, #tpu.memory_space<vmem>>, vector<16xi32>,
        %add3A_109 = arith.constant 16 : i32
        %add3A_110 = arith.addi %mul3A_96, %add3A_109 : i32
        %get3A_111 = arith.index_cast %add3A_110 : i32 to index
        %get3A_112 = tpu.vector_load %arg12[%get3A_111] {strides = array<i32>} : memref<2240xi32, #tpu.memory_space<vmem>>, vector<16xi32>,
        %swap3A_113 = arith.constant 16 : index
        %swap3A_114 = tpu.vector_load %arg14[%swap3A_113] {strides = array<i32>} : memref<32xi32, #tpu.memory_space<vmem>>, vector<16xi32>,
        tpu.vector_store %arg14[%swap3A_113], %get3A_112 {strides = array<i32>} : memref<32xi32, #tpu.memory_space<vmem>>, vector<16xi32>,
        %add3A_115 = arith.constant 16 : i32
        %add3A_116 = arith.addi %mul3A_96, %add3A_115 : i32
        %get3A_117 = arith.index_cast %add3A_116 : i32 to index
        %get3A_118 = tpu.vector_load %arg13[%get3A_117] {strides = array<i32>} : memref<2240xi32, #tpu.memory_space<vmem>>, vector<16xi32>,
        %swap3A_119 = arith.constant 16 : index
        %swap3A_120 = tpu.vector_load %arg15[%swap3A_119] {strides = array<i32>} : memref<32xi32, #tpu.memory_space<vmem>>, vector<16xi32>,
        tpu.vector_store %arg15[%swap3A_119], %get3A_118 {strides = array<i32>} : memref<32xi32, #tpu.memory_space<vmem>>, vector<16xi32>,
        "tpu.region"() ({
          %run_scoped3A = tpu.sem_alloc : memref<!tpu.dma_semaphore, #tpu.memory_space<semaphore_mem>>
          %dma_start3A_121 = arith.constant 0 : i32
          %dma_start3A_122 = arith.constant 0 : i32
          %dma_start3A_123 = tpu.memref_slice %arg5[%dma_start3A_121, %dma_start3A_122] : memref<40x128xf32, #tpu.memory_space<hbm>> -> memref<40x128xf32, #tpu.memory_space<hbm>>
          tpu.enqueue_indirect_dma source(%dma_start3A_123 : memref<40x128xf32, #tpu.memory_space<hbm>>) target(%arg16 : memref<32x128xf32, #tpu.memory_space<vmem>>) offsets(%arg15 : memref<32xi32, #tpu.memory_space<vmem>>) semaphore(%run_scoped3A : memref<!tpu.dma_semaphore, #tpu.memory_space<semaphore_mem>>)
          %dma_wait3A_124 = arith.constant 0 : i32
          %dma_wait3A_125 = arith.constant 0 : i32
          %dma_wait3A_126 = tpu.memref_slice %arg5[%dma_wait3A_124, %dma_wait3A_125] : memref<40x128xf32, #tpu.memory_space<hbm>> -> memref<40x128xf32, #tpu.memory_space<hbm>>
          tpu.wait_indirect_dma semaphore(%run_scoped3A : memref<!tpu.dma_semaphore, #tpu.memory_space<semaphore_mem>>) src(%dma_wait3A_126 : memref<40x128xf32, #tpu.memory_space<hbm>>) dst(%arg16 : memref<32x128xf32, #tpu.memory_space<vmem>>)
          tpu.yield
        }) : () -> ()
        "tpu.region"() ({
          %run_scoped3A = tpu.sem_alloc : memref<!tpu.dma_semaphore, #tpu.memory_space<semaphore_mem>>
          %dma_start3A_121 = arith.constant 0 : i32
          %dma_start3A_122 = arith.constant 0 : i32
          %dma_start3A_123 = tpu.memref_slice %arg17[%dma_start3A_121, %dma_start3A_122] : memref<10240x128xf32, #tpu.memory_space<vmem_shared>> -> memref<10240x128xf32, #tpu.memory_space<vmem_shared>>
          tpu.enqueue_indirect_dma source(%arg16 : memref<32x128xf32, #tpu.memory_space<vmem>>) target(%dma_start3A_123 : memref<10240x128xf32, #tpu.memory_space<vmem_shared>>) offsets(%arg14 : memref<32xi32, #tpu.memory_space<vmem>>) semaphore(%run_scoped3A : memref<!tpu.dma_semaphore, #tpu.memory_space<semaphore_mem>>) {add = true}
          %dma_wait3A_124 = arith.constant 0 : i32
          %dma_wait3A_125 = arith.constant 0 : i32
          %dma_wait3A_126 = tpu.memref_slice %arg17[%dma_wait3A_124, %dma_wait3A_125] : memref<10240x128xf32, #tpu.memory_space<vmem_shared>> -> memref<10240x128xf32, #tpu.memory_space<vmem_shared>>
          tpu.wait_indirect_dma semaphore(%run_scoped3A : memref<!tpu.dma_semaphore, #tpu.memory_space<semaphore_mem>>) src(%arg16 : memref<32x128xf32, #tpu.memory_space<vmem>>) dst(%dma_wait3A_126 : memref<10240x128xf32, #tpu.memory_space<vmem_shared>>)
          tpu.yield
        }) : () -> ()
      }
      %cond3A_93 = arith.constant 0 : i32
      scf.yield %cond3A_93 : i32
    } else {
      scf.yield %cond3A_41 : i32
    }
    %barrier3A_47 = arith.constant 0 : index
    tpu.barrier barrier_id(%barrier3A_47)
    "tpu.region"() ({
      %run_scoped3A = tpu.sem_alloc : memref<!tpu.dma_semaphore, #tpu.memory_space<semaphore_mem>>
      %dma_start3A_48 = arith.constant 0 : i32
      %dma_start3A_49 = tpu.memref_slice %arg7[%arg0, %mul3A_2, %dma_start3A_48] : memref<2x10240x128xf32, #tpu.memory_space<hbm>> -> memref<1x640x128xf32, #tpu.memory_space<hbm>>
      %dma_start3A_50 = tpu.memref_squeeze %dma_start3A_49 : memref<1x640x128xf32, #tpu.memory_space<hbm>> -> memref<640x128xf32, #tpu.memory_space<hbm>>
      %dma_start3A_51 = arith.constant 0 : i32
      %dma_start3A_52 = tpu.memref_slice %arg17[%mul3A_2, %dma_start3A_51] : memref<10240x128xf32, #tpu.memory_space<vmem_shared>> -> memref<640x128xf32, #tpu.memory_space<vmem_shared>>
      tpu.enqueue_dma source(%dma_start3A_52 : memref<640x128xf32, #tpu.memory_space<vmem_shared>>) target(%dma_start3A_50 : memref<640x128xf32, #tpu.memory_space<hbm>>) target_semaphore(%run_scoped3A : memref<!tpu.dma_semaphore, #tpu.memory_space<semaphore_mem>>)
      %dma_wait3A_53 = arith.constant 0 : i32
      %dma_wait3A_54 = tpu.memref_slice %arg7[%arg0, %mul3A_2, %dma_wait3A_53] : memref<2x10240x128xf32, #tpu.memory_space<hbm>> -> memref<1x640x128xf32, #tpu.memory_space<hbm>>
      %dma_wait3A_55 = tpu.memref_squeeze %dma_wait3A_54 : memref<1x640x128xf32, #tpu.memory_space<hbm>> -> memref<640x128xf32, #tpu.memory_space<hbm>>
      %dma_wait3A_56 = arith.constant 0 : i32
      %dma_wait3A_57 = tpu.memref_slice %arg17[%mul3A_2, %dma_wait3A_56] : memref<10240x128xf32, #tpu.memory_space<vmem_shared>> -> memref<640x128xf32, #tpu.memory_space<vmem_shared>>
      tpu.wait_dma2 semaphore(%run_scoped3A : memref<!tpu.dma_semaphore, #tpu.memory_space<semaphore_mem>>) src(%dma_wait3A_57 : memref<640x128xf32, #tpu.memory_space<vmem_shared>>) dst(%dma_wait3A_55 : memref<640x128xf32, #tpu.memory_space<hbm>>)
      tpu.yield
    }) : () -> ()
    return
  }
}

module attributes {stable_mosaic.version = 14 : i64} {
  func.func @_prep_body(%arg0: memref<32x128xf32, #tpu.memory_space<vmem>>, %arg1: memref<1x1xi32, #tpu.memory_space<smem>>, %arg2: memref<128x4096xf32, #tpu.memory_space<vmem>>, %arg3: memref<1x4096xf32, #tpu.memory_space<vmem>>, %arg4: memref<128x4096xf32, #tpu.memory_space<vmem>>, %arg5: memref<1x4096xf32, #tpu.memory_space<vmem>>, %arg6: memref<256x128xf32, #tpu.memory_space<vmem>>, %arg7: memref<40x128xf32, #tpu.memory_space<vmem>>, %arg8: memref<40x128xf32, #tpu.memory_space<vmem>>, %arg9: memref<1x128xf32, #tpu.memory_space<vmem>>, %arg10: memref<1x128xf32, #tpu.memory_space<vmem>>) attributes {dimension_semantics = [], scalar_prefetch = 0 : i64, scratch_operands = 0 : i64, tpu.core_type = #tpu.core_type<tc>} {
    %get3A = arith.constant 0 : index
    %get3A_0 = arith.constant 0 : index
    %get3A_1 = memref.load %arg1[%get3A, %get3A_0] : memref<1x1xi32, #tpu.memory_space<smem>>
    %iota3A = tpu.iota {dimensions = array<i32: 0>} : vector<32x1xi32>
    %eq3A = vector.broadcast %get3A_1 : i32 to vector<32x1xi32>
    %eq3A_2 = arith.cmpi eq, %iota3A, %eq3A : vector<32x1xi32>
    %jit3A = arith.constant 1.000000e+00 : f32
    %jit3A_3 = arith.constant 0.000000e+00 : f32
    %broadcast_in_dim3A = vector.broadcast %jit3A : f32 to vector<32x1xf32>
    %broadcast_in_dim3A_4 = vector.broadcast %jit3A_3 : f32 to vector<32x1xf32>
    %select_n3A = arith.select %eq3A_2, %broadcast_in_dim3A, %broadcast_in_dim3A_4 : vector<32x1xi1>, vector<32x1xf32>
    %get3A_5 = arith.constant 0 : index
    %get3A_6 = arith.constant 0 : index
    %get3A_7 = vector.load %arg0[%get3A_5, %get3A_6] : memref<32x128xf32, #tpu.memory_space<vmem>>, vector<32x128xf32>
    %mul3A = vector.broadcast %select_n3A : vector<32x1xf32> to vector<32x128xf32>
    %mul3A_8 = arith.mulf %get3A_7, %mul3A : vector<32x128xf32>
    %reduce_sum3A = arith.constant dense<0.000000e+00> : vector<128xf32>
    %reduce_sum3A_9 = vector.multi_reduction <add>, %mul3A_8, %reduce_sum3A [0] : vector<32x128xf32> to vector<128xf32>
    %broadcast_in_dim3A_10 = vector.shape_cast %reduce_sum3A_9 : vector<128xf32> to vector<1x128xf32>
    %get3A_11 = arith.constant 0 : index
    %get3A_12 = arith.constant 0 : index
    %get3A_13 = vector.load %arg2[%get3A_11, %get3A_12] : memref<128x4096xf32, #tpu.memory_space<vmem>>, vector<128x4096xf32>
    %dot_general3A = arith.constant dense<0.000000e+00> : vector<1x4096xf32>
    %dot_general3A_14 = tpu.matmul %broadcast_in_dim3A_10, %get3A_13, %dot_general3A {dimension_numbers = #tpu.dot_dimension_numbers<[1], [0], [0], [1], [0, 0, 1, 1], [], []>, transpose_lhs_hint = false} : vector<1x128xf32>, vector<128x4096xf32>, vector<1x4096xf32> -> vector<1x4096xf32>
    %get3A_15 = arith.constant 0 : index
    %get3A_16 = arith.constant 0 : index
    %get3A_17 = vector.load %arg3[%get3A_15, %get3A_16] : memref<1x4096xf32, #tpu.memory_space<vmem>>, vector<1x4096xf32>
    %add3A = arith.addf %dot_general3A_14, %get3A_17 : vector<1x4096xf32>
    %reshape3A = vector.shape_cast %add3A : vector<1x4096xf32> to vector<32x128xf32>
    %get3A_18 = arith.constant 0 : index
    %get3A_19 = arith.constant 0 : index
    %get3A_20 = vector.load %arg4[%get3A_18, %get3A_19] : memref<128x4096xf32, #tpu.memory_space<vmem>>, vector<128x4096xf32>
    %dot_general3A_21 = arith.constant dense<0.000000e+00> : vector<1x4096xf32>
    %dot_general3A_22 = tpu.matmul %broadcast_in_dim3A_10, %get3A_20, %dot_general3A_21 {dimension_numbers = #tpu.dot_dimension_numbers<[1], [0], [0], [1], [0, 0, 1, 1], [], []>, transpose_lhs_hint = false} : vector<1x128xf32>, vector<128x4096xf32>, vector<1x4096xf32> -> vector<1x4096xf32>
    %get3A_23 = arith.constant 0 : index
    %get3A_24 = arith.constant 0 : index
    %get3A_25 = vector.load %arg5[%get3A_23, %get3A_24] : memref<1x4096xf32, #tpu.memory_space<vmem>>, vector<1x4096xf32>
    %add3A_26 = arith.addf %dot_general3A_22, %get3A_25 : vector<1x4096xf32>
    %reshape3A_27 = vector.shape_cast %add3A_26 : vector<1x4096xf32> to vector<32x128xf32>
    %broadcast_in_dim3A_28 = arith.constant 0.000000e+00 : f32
    %broadcast_in_dim3A_29 = vector.broadcast %broadcast_in_dim3A_28 : f32 to vector<7x128xf32>
    %mul3A_30 = vector.broadcast %broadcast_in_dim3A_10 : vector<1x128xf32> to vector<32x128xf32>
    %mul3A_31 = arith.mulf %reshape3A, %mul3A_30 : vector<32x128xf32>
    %concatenate3A = tpu.concatenate %mul3A_31, %broadcast_in_dim3A_10, %broadcast_in_dim3A_29 in 0 : vector<32x128xf32>, vector<1x128xf32>, vector<7x128xf32> -> vector<40x128xf32>
    %swap3A = arith.constant 0 : index
    %swap3A_32 = arith.constant 0 : index
    %swap3A_33 = vector.load %arg7[%swap3A, %swap3A_32] : memref<40x128xf32, #tpu.memory_space<vmem>>, vector<40x128xf32>
    tpu.vector_store %arg7[%swap3A, %swap3A_32], %concatenate3A {strides = array<i32>} : memref<40x128xf32, #tpu.memory_space<vmem>>, vector<40x128xf32>,
    %broadcast_in_dim3A_34 = arith.constant 0.000000e+00 : f32
    %broadcast_in_dim3A_35 = vector.broadcast %broadcast_in_dim3A_34 : f32 to vector<8x128xf32>
    %concatenate3A_36 = tpu.concatenate %reshape3A_27, %broadcast_in_dim3A_35 in 0 : vector<32x128xf32>, vector<8x128xf32> -> vector<40x128xf32>
    %swap3A_37 = arith.constant 0 : index
    %swap3A_38 = arith.constant 0 : index
    %swap3A_39 = vector.load %arg8[%swap3A_37, %swap3A_38] : memref<40x128xf32, #tpu.memory_space<vmem>>, vector<40x128xf32>
    tpu.vector_store %arg8[%swap3A_37, %swap3A_38], %concatenate3A_36 {strides = array<i32>} : memref<40x128xf32, #tpu.memory_space<vmem>>, vector<40x128xf32>,
    %swap3A_40 = arith.constant 0 : index
    %swap3A_41 = arith.constant 0 : index
    %swap3A_42 = vector.load %arg9[%swap3A_40, %swap3A_41] : memref<1x128xf32, #tpu.memory_space<vmem>>, vector<1x128xf32>
    tpu.vector_store %arg9[%swap3A_40, %swap3A_41], %broadcast_in_dim3A_10 {strides = array<i32>} : memref<1x128xf32, #tpu.memory_space<vmem>>, vector<1x128xf32>,
    %get3A_43 = arith.constant 0 : index
    %get3A_44 = arith.constant 0 : index
    %get3A_45 = vector.load %arg6[%get3A_43, %get3A_44] : memref<256x128xf32, #tpu.memory_space<vmem>>, vector<256x128xf32>
    %slice3A = vector.extract_strided_slice %get3A_45 {offsets = [128, 0], sizes = [128, 128], strides = [1, 1]} : vector<256x128xf32> to vector<128x128xf32>
    %dot_general3A_46 = arith.constant dense<0.000000e+00> : vector<1x128xf32>
    %dot_general3A_47 = tpu.matmul %broadcast_in_dim3A_10, %slice3A, %dot_general3A_46 {dimension_numbers = #tpu.dot_dimension_numbers<[1], [0], [0], [1], [0, 0, 1, 1], [], []>, transpose_lhs_hint = false} : vector<1x128xf32>, vector<128x128xf32>, vector<1x128xf32> -> vector<1x128xf32>
    %swap3A_48 = arith.constant 0 : index
    %swap3A_49 = arith.constant 0 : index
    %swap3A_50 = vector.load %arg10[%swap3A_48, %swap3A_49] : memref<1x128xf32, #tpu.memory_space<vmem>>, vector<1x128xf32>
    tpu.vector_store %arg10[%swap3A_48, %swap3A_49], %dot_general3A_47 {strides = array<i32>} : memref<1x128xf32, #tpu.memory_space<vmem>>, vector<1x128xf32>,
    return
  }
}

module attributes {stable_mosaic.version = 14 : i64} {
  func.func @_dense_body(%arg0: i32, %arg1: memref<1x1xi32, #tpu.memory_space<smem>>, %arg2: memref<2x1024x128xf32, #tpu.memory_space<vmem>>, %arg3: memref<256x128xf32, #tpu.memory_space<vmem>>, %arg4: memref<1x128xf32, #tpu.memory_space<vmem>>, %arg5: memref<1x128xf32, #tpu.memory_space<vmem>>, %arg6: memref<1024x128xf32, #tpu.memory_space<vmem>>) attributes {dimension_semantics = [#tpu.dimension_semantics<arbitrary>], iteration_bounds = array<i64: 10>, scalar_prefetch = 0 : i64, scratch_operands = 0 : i64, tpu.core_type = #tpu.core_type<tc>, window_params = [{transform_indices = @transform_0, window_bounds = array<i64: 1, 1>}, {transform_indices = @transform_1, window_bounds = array<i64: 2, 1024, 128>}, {pipeline_mode = #tpu.pipeline_mode<synchronous>, transform_indices = @transform_2, window_bounds = array<i64: 256, 128>}, {pipeline_mode = #tpu.pipeline_mode<synchronous>, transform_indices = @transform_3, window_bounds = array<i64: 1, 128>}, {pipeline_mode = #tpu.pipeline_mode<synchronous>, transform_indices = @transform_4, window_bounds = array<i64: 1, 128>}, {transform_indices = @transform_5, window_bounds = array<i64: 1024, 128>}]} {
    %get3A = arith.constant 0 : index
    %get3A_0 = arith.constant 0 : index
    %get3A_1 = arith.constant 0 : index
    %get3A_2 = vector.load %arg2[%get3A, %get3A_0, %get3A_1] : memref<2x1024x128xf32, #tpu.memory_space<vmem>>, vector<1x1024x128xf32>
    %get3A_3 = vector.shape_cast %get3A_2 : vector<1x1024x128xf32> to vector<1024x128xf32>
    %get3A_4 = arith.constant 1 : index
    %get3A_5 = arith.constant 0 : index
    %get3A_6 = arith.constant 0 : index
    %get3A_7 = vector.load %arg2[%get3A_4, %get3A_5, %get3A_6] : memref<2x1024x128xf32, #tpu.memory_space<vmem>>, vector<1x1024x128xf32>
    %get3A_8 = vector.shape_cast %get3A_7 : vector<1x1024x128xf32> to vector<1024x128xf32>
    %add3A = arith.addf %get3A_3, %get3A_8 : vector<1024x128xf32>
    %get3A_9 = arith.constant 0 : index
    %get3A_10 = arith.constant 0 : index
    %get3A_11 = vector.load %arg3[%get3A_9, %get3A_10] : memref<256x128xf32, #tpu.memory_space<vmem>>, vector<256x128xf32>
    %slice3A = vector.extract_strided_slice %get3A_11 {offsets = [0, 0], sizes = [128, 128], strides = [1, 1]} : vector<256x128xf32> to vector<128x128xf32>
    %dot_general3A = arith.constant dense<0.000000e+00> : vector<1024x128xf32>
    %dot_general3A_12 = tpu.matmul %add3A, %slice3A, %dot_general3A {dimension_numbers = #tpu.dot_dimension_numbers<[1], [0], [0], [1], [0, 0, 1, 1], [], []>, transpose_lhs_hint = false} : vector<1024x128xf32>, vector<128x128xf32>, vector<1024x128xf32> -> vector<1024x128xf32>
    %get3A_13 = arith.constant 0 : index
    %get3A_14 = arith.constant 0 : index
    %get3A_15 = vector.load %arg4[%get3A_13, %get3A_14] : memref<1x128xf32, #tpu.memory_space<vmem>>, vector<1x128xf32>
    %add3A_16 = vector.broadcast %get3A_15 : vector<1x128xf32> to vector<1024x128xf32>
    %add3A_17 = arith.addf %dot_general3A_12, %add3A_16 : vector<1024x128xf32>
    %mul3A = arith.constant 1024 : i32
    %mul3A_18 = arith.muli %arg0, %mul3A : i32
    %iota3A = tpu.iota {dimensions = array<i32: 0>} : vector<1024x1xi32>
    %add3A_19 = vector.broadcast %mul3A_18 : i32 to vector<1024x1xi32>
    %add3A_20 = arith.addi %add3A_19, %iota3A : vector<1024x1xi32>
    %get3A_21 = arith.constant 0 : index
    %get3A_22 = arith.constant 0 : index
    %get3A_23 = memref.load %arg1[%get3A_21, %get3A_22] : memref<1x1xi32, #tpu.memory_space<smem>>
    %eq3A = vector.broadcast %get3A_23 : i32 to vector<1024x1xi32>
    %eq3A_24 = arith.cmpi eq, %add3A_20, %eq3A : vector<1024x1xi32>
    %jit3A = arith.constant 1.000000e+00 : f32
    %jit3A_25 = arith.constant 0.000000e+00 : f32
    %broadcast_in_dim3A = vector.broadcast %jit3A : f32 to vector<1024x1xf32>
    %broadcast_in_dim3A_26 = vector.broadcast %jit3A_25 : f32 to vector<1024x1xf32>
    %select_n3A = arith.select %eq3A_24, %broadcast_in_dim3A, %broadcast_in_dim3A_26 : vector<1024x1xi1>, vector<1024x1xf32>
    %get3A_27 = arith.constant 0 : index
    %get3A_28 = arith.constant 0 : index
    %get3A_29 = vector.load %arg5[%get3A_27, %get3A_28] : memref<1x128xf32, #tpu.memory_space<vmem>>, vector<1x128xf32>
    %mul3A_30 = vector.broadcast %select_n3A : vector<1024x1xf32> to vector<1024x128xf32>
    %mul3A_31 = vector.broadcast %get3A_29 : vector<1x128xf32> to vector<1024x128xf32>
    %mul3A_32 = arith.mulf %mul3A_30, %mul3A_31 : vector<1024x128xf32>
    %add3A_33 = arith.addf %add3A_17, %mul3A_32 : vector<1024x128xf32>
    %max3A = arith.constant 0.000000e+00 : f32
    %max3A_34 = vector.broadcast %max3A : f32 to vector<1024x128xf32>
    %max3A_35 = arith.maximumf %add3A_33, %max3A_34 : vector<1024x128xf32>
    %swap3A = arith.constant 0 : index
    %swap3A_36 = arith.constant 0 : index
    %swap3A_37 = vector.load %arg6[%swap3A, %swap3A_36] : memref<1024x128xf32, #tpu.memory_space<vmem>>, vector<1024x128xf32>
    tpu.vector_store %arg6[%swap3A, %swap3A_36], %max3A_35 {strides = array<i32>} : memref<1024x128xf32, #tpu.memory_space<vmem>>, vector<1024x128xf32>,
    return
  }
  func.func @transform_0(%arg0: i32) -> (i32, i32) {
    %c0_i32 = arith.constant 0 : i32
    %c0_i32_0 = arith.constant 0 : i32
    %c0_i32_1 = arith.constant 0 : i32
    return %c0_i32, %c0_i32_0 : i32, i32
  }
  func.func @transform_1(%arg0: i32) -> (i32, i32, i32) {
    %c0_i32 = arith.constant 0 : i32
    %c0_i32_0 = arith.constant 0 : i32
    %c0_i32_1 = arith.constant 0 : i32
    return %c0_i32, %arg0, %c0_i32_0 : i32, i32, i32
  }
  func.func @transform_2(%arg0: i32) -> (i32, i32) {
    %c0_i32 = arith.constant 0 : i32
    %c0_i32_0 = arith.constant 0 : i32
    %c0_i32_1 = arith.constant 0 : i32
    return %c0_i32, %c0_i32_0 : i32, i32
  }
  func.func @transform_3(%arg0: i32) -> (i32, i32) {
    %c0_i32 = arith.constant 0 : i32
    %c0_i32_0 = arith.constant 0 : i32
    %c0_i32_1 = arith.constant 0 : i32
    return %c0_i32, %c0_i32_0 : i32, i32
  }
  func.func @transform_4(%arg0: i32) -> (i32, i32) {
    %c0_i32 = arith.constant 0 : i32
    %c0_i32_0 = arith.constant 0 : i32
    %c0_i32_1 = arith.constant 0 : i32
    return %c0_i32, %c0_i32_0 : i32, i32
  }
  func.func @transform_5(%arg0: i32) -> (i32, i32) {
    %c0_i32 = arith.constant 0 : i32
    %c0_i32_0 = arith.constant 0 : i32
    return %arg0, %c0_i32 : i32, i32
  }
}

module attributes {stable_mosaic.version = 14 : i64} {
  func.func @_final_body(%arg0: memref<1x1xi32, #tpu.memory_space<smem>>, %arg1: memref<2x16x128xf32, #tpu.memory_space<vmem>>, %arg2: memref<16x1xi32, #tpu.memory_space<vmem>>, %arg3: memref<1x128xf32, #tpu.memory_space<vmem>>, %arg4: memref<256x128xf32, #tpu.memory_space<vmem>>, %arg5: memref<1x128xf32, #tpu.memory_space<vmem>>, %arg6: memref<256x256xf32, #tpu.memory_space<vmem>>, %arg7: memref<1x256xf32, #tpu.memory_space<vmem>>, %arg8: memref<1x256xf32, #tpu.memory_space<vmem>>, %arg9: memref<1x1xf32, #tpu.memory_space<vmem>>, %arg10: memref<16x128xf32, #tpu.memory_space<vmem>>, %arg11: memref<16x1xf32, #tpu.memory_space<vmem>>) attributes {dimension_semantics = [], scalar_prefetch = 0 : i64, scratch_operands = 0 : i64, tpu.core_type = #tpu.core_type<tc>} {
    %get3A = arith.constant 0 : index
    %get3A_0 = arith.constant 0 : index
    %get3A_1 = arith.constant 0 : index
    %get3A_2 = vector.load %arg1[%get3A, %get3A_0, %get3A_1] : memref<2x16x128xf32, #tpu.memory_space<vmem>>, vector<1x16x128xf32>
    %get3A_3 = vector.shape_cast %get3A_2 : vector<1x16x128xf32> to vector<16x128xf32>
    %get3A_4 = arith.constant 1 : index
    %get3A_5 = arith.constant 0 : index
    %get3A_6 = arith.constant 0 : index
    %get3A_7 = vector.load %arg1[%get3A_4, %get3A_5, %get3A_6] : memref<2x16x128xf32, #tpu.memory_space<vmem>>, vector<1x16x128xf32>
    %get3A_8 = vector.shape_cast %get3A_7 : vector<1x16x128xf32> to vector<16x128xf32>
    %add3A = arith.addf %get3A_3, %get3A_8 : vector<16x128xf32>
    %get3A_9 = arith.constant 0 : index
    %get3A_10 = arith.constant 0 : index
    %get3A_11 = vector.load %arg2[%get3A_9, %get3A_10] : memref<16x1xi32, #tpu.memory_space<vmem>>, vector<16x1xi32>
    %get3A_12 = arith.constant 0 : index
    %get3A_13 = arith.constant 0 : index
    %get3A_14 = memref.load %arg0[%get3A_12, %get3A_13] : memref<1x1xi32, #tpu.memory_space<smem>>
    %eq3A = vector.broadcast %get3A_14 : i32 to vector<16x1xi32>
    %eq3A_15 = arith.cmpi eq, %get3A_11, %eq3A : vector<16x1xi32>
    %jit3A = arith.constant 1.000000e+00 : f32
    %jit3A_16 = arith.constant 0.000000e+00 : f32
    %broadcast_in_dim3A = vector.broadcast %jit3A : f32 to vector<16x1xf32>
    %broadcast_in_dim3A_17 = vector.broadcast %jit3A_16 : f32 to vector<16x1xf32>
    %select_n3A = arith.select %eq3A_15, %broadcast_in_dim3A, %broadcast_in_dim3A_17 : vector<16x1xi1>, vector<16x1xf32>
    %get3A_18 = arith.constant 0 : index
    %get3A_19 = arith.constant 0 : index
    %get3A_20 = vector.load %arg3[%get3A_18, %get3A_19] : memref<1x128xf32, #tpu.memory_space<vmem>>, vector<1x128xf32>
    %mul3A = vector.broadcast %select_n3A : vector<16x1xf32> to vector<16x128xf32>
    %mul3A_21 = vector.broadcast %get3A_20 : vector<1x128xf32> to vector<16x128xf32>
    %mul3A_22 = arith.mulf %mul3A, %mul3A_21 : vector<16x128xf32>
    %add3A_23 = arith.addf %add3A, %mul3A_22 : vector<16x128xf32>
    %get3A_24 = arith.constant 0 : index
    %get3A_25 = arith.constant 0 : index
    %get3A_26 = vector.load %arg4[%get3A_24, %get3A_25] : memref<256x128xf32, #tpu.memory_space<vmem>>, vector<256x128xf32>
    %slice3A = vector.extract_strided_slice %get3A_26 {offsets = [0, 0], sizes = [128, 128], strides = [1, 1]} : vector<256x128xf32> to vector<128x128xf32>
    %dot_general3A = arith.constant dense<0.000000e+00> : vector<16x128xf32>
    %dot_general3A_27 = tpu.matmul %add3A_23, %slice3A, %dot_general3A {dimension_numbers = #tpu.dot_dimension_numbers<[1], [0], [0], [1], [0, 0, 1, 1], [], []>, transpose_lhs_hint = false} : vector<16x128xf32>, vector<128x128xf32>, vector<16x128xf32> -> vector<16x128xf32>
    %get3A_28 = arith.constant 0 : index
    %get3A_29 = arith.constant 0 : index
    %get3A_30 = vector.load %arg10[%get3A_28, %get3A_29] : memref<16x128xf32, #tpu.memory_space<vmem>>, vector<16x128xf32>
    %get3A_31 = arith.constant 0 : index
    %get3A_32 = arith.constant 0 : index
    %get3A_33 = vector.load %arg4[%get3A_31, %get3A_32] : memref<256x128xf32, #tpu.memory_space<vmem>>, vector<256x128xf32>
    %slice3A_34 = vector.extract_strided_slice %get3A_33 {offsets = [128, 0], sizes = [128, 128], strides = [1, 1]} : vector<256x128xf32> to vector<128x128xf32>
    %dot_general3A_35 = arith.constant dense<0.000000e+00> : vector<16x128xf32>
    %dot_general3A_36 = tpu.matmul %get3A_30, %slice3A_34, %dot_general3A_35 {dimension_numbers = #tpu.dot_dimension_numbers<[1], [0], [0], [1], [0, 0, 1, 1], [], []>, transpose_lhs_hint = false} : vector<16x128xf32>, vector<128x128xf32>, vector<16x128xf32> -> vector<16x128xf32>
    %add3A_37 = arith.addf %dot_general3A_27, %dot_general3A_36 : vector<16x128xf32>
    %get3A_38 = arith.constant 0 : index
    %get3A_39 = arith.constant 0 : index
    %get3A_40 = vector.load %arg5[%get3A_38, %get3A_39] : memref<1x128xf32, #tpu.memory_space<vmem>>, vector<1x128xf32>
    %add3A_41 = vector.broadcast %get3A_40 : vector<1x128xf32> to vector<16x128xf32>
    %add3A_42 = arith.addf %add3A_37, %add3A_41 : vector<16x128xf32>
    %max3A = arith.constant 0.000000e+00 : f32
    %max3A_43 = vector.broadcast %max3A : f32 to vector<16x128xf32>
    %max3A_44 = arith.maximumf %add3A_42, %max3A_43 : vector<16x128xf32>
    %get3A_45 = arith.constant 0 : index
    %get3A_46 = arith.constant 0 : index
    %get3A_47 = vector.load %arg3[%get3A_45, %get3A_46] : memref<1x128xf32, #tpu.memory_space<vmem>>, vector<1x128xf32>
    %broadcast_in_dim3A_48 = vector.shape_cast %get3A_47 : vector<1x128xf32> to vector<1x128xf32>
    %broadcast_in_dim3A_49 = vector.broadcast %broadcast_in_dim3A_48 : vector<1x128xf32> to vector<16x128xf32>
    %concatenate3A = tpu.concatenate %max3A_44, %broadcast_in_dim3A_49 in 1 : vector<16x128xf32>, vector<16x128xf32> -> vector<16x256xf32>
    %get3A_50 = arith.constant 0 : index
    %get3A_51 = arith.constant 0 : index
    %get3A_52 = vector.load %arg6[%get3A_50, %get3A_51] : memref<256x256xf32, #tpu.memory_space<vmem>>, vector<256x256xf32>
    %dot_general3A_53 = arith.constant dense<0.000000e+00> : vector<16x256xf32>
    %dot_general3A_54 = tpu.matmul %concatenate3A, %get3A_52, %dot_general3A_53 {dimension_numbers = #tpu.dot_dimension_numbers<[1], [0], [0], [1], [0, 0, 1, 1], [], []>, transpose_lhs_hint = false} : vector<16x256xf32>, vector<256x256xf32>, vector<16x256xf32> -> vector<16x256xf32>
    %get3A_55 = arith.constant 0 : index
    %get3A_56 = arith.constant 0 : index
    %get3A_57 = vector.load %arg7[%get3A_55, %get3A_56] : memref<1x256xf32, #tpu.memory_space<vmem>>, vector<1x256xf32>
    %add3A_58 = vector.broadcast %get3A_57 : vector<1x256xf32> to vector<16x256xf32>
    %add3A_59 = arith.addf %dot_general3A_54, %add3A_58 : vector<16x256xf32>
    %max3A_60 = arith.constant 0.000000e+00 : f32
    %max3A_61 = vector.broadcast %max3A_60 : f32 to vector<16x256xf32>
    %max3A_62 = arith.maximumf %add3A_59, %max3A_61 : vector<16x256xf32>
    %get3A_63 = arith.constant 0 : index
    %get3A_64 = arith.constant 0 : index
    %get3A_65 = vector.load %arg8[%get3A_63, %get3A_64] : memref<1x256xf32, #tpu.memory_space<vmem>>, vector<1x256xf32>
    %mul3A_66 = vector.broadcast %get3A_65 : vector<1x256xf32> to vector<16x256xf32>
    %mul3A_67 = arith.mulf %max3A_62, %mul3A_66 : vector<16x256xf32>
    %reduce_sum3A = arith.constant dense<0.000000e+00> : vector<16xf32>
    %reduce_sum3A_68 = vector.multi_reduction <add>, %mul3A_67, %reduce_sum3A [1] : vector<16x256xf32> to vector<16xf32>
    %broadcast_in_dim3A_69 = vector.shape_cast %reduce_sum3A_68 : vector<16xf32> to vector<16x1xf32>
    %get3A_70 = arith.constant 0 : index
    %get3A_71 = arith.constant 0 : index
    %get3A_72 = vector.load %arg9[%get3A_70, %get3A_71] : memref<1x1xf32, #tpu.memory_space<vmem>>, vector<1x1xf32>
    %add3A_73 = vector.broadcast %get3A_72 : vector<1x1xf32> to vector<16x1xf32>
    %add3A_74 = arith.addf %broadcast_in_dim3A_69, %add3A_73 : vector<16x1xf32>
    %swap3A = arith.constant 0 : index
    %swap3A_75 = arith.constant 0 : index
    %swap3A_76 = vector.load %arg11[%swap3A, %swap3A_75] : memref<16x1xf32, #tpu.memory_space<vmem>>, vector<16x1xf32>
    tpu.vector_store %arg11[%swap3A, %swap3A_75], %add3A_74 {strides = array<i32>} : memref<16x1xf32, #tpu.memory_space<vmem>>, vector<16x1xf32>,
    return
  }
}

</mosaic_0001>

<sc_bundles>
// kernel: kernel.10.cloned.1.call-start
scs
__scs_entry_jumppad:
0x0: {  	(pc) =	sbr.rel $0x88, $3  }
0x1: {  	(tag) =	ssettag $0x0;
	lr =	simm.s32 $0x1  }
0x2: {  	[smem:$0x3F8F] =	sst lr;
	_ =	strace $0xD0000000  }
0x3: {  	_ = 	snop  }
0x4: {  	_ = 	snop  }
0x5: {  	_ = 	snop  }
0x6: {  	_ = 	snop  }
0x7: {  	_ = 	snop  }
__scs_overlays_trampoline_lowered:
0x8: {  	[smem:$0x3F9E] =	sst s0  }
0x9: {  	[smem:$0x3F9F] =	sst s1  }
0xa: {  	[smem:$0x3FA0] =	sst s2  }
0xb: {  	[smem:$0x3FA1] =	sst s3  }
0xc: {  	[smem:$0x3FA2] =	sst s4  }
0xd: {  	[smem:$0x3FA3] =	sst s5  }
0xe: {  	[smem:$0x3FA4] =	sst s6  }
0xf: {  	[smem:$0x3FA5] =	sst s7  }
0x10: {  	[smem:$0x3FA6] =	sst s8  }
0x11: {  	[smem:$0x3FA7] =	sst s9;
	s0 =	simm.s32 @!p0 $0x0  }
0x12: {  	s1 =	sld [smem:$0x3F8D];
	s0 =	simm.s32 @p0 $0x1  }
0x13: {  	[smem:$0x3FA8] =	sst s0;
	s0 =	simm.s32 @!p1 $0x0  }
0x14: {  	s2 =	sld [smem:$0x3F8C];
	s0 =	simm.s32 @p1 $0x1  }
0x15: {  	[smem:$0x3FA9] =	sst s0;
	s0 =	simm.s32 @!p2 $0x0  }
0x16: {  	s3 =	sld [smem:$0x3FDB];
	s0 =	simm.s32 @p2 $0x1  }
0x17: {  	s4 =	simm.s32 $0x1BF5;
	[smem:$0x3FAB] =	sst s0  }
0x18: {  	s0 =	sld [smem:$0x3F8E];
	_ =	swait.ge [sflag:s4], $0x0  }
0x19: {  	s7 =	sld [smem:$0x3F8F]  }
0x1a: {  	s8 =	sadd.s32 $0xFFFFE003, lr  }
0x1b: {  	s9 =	sadd.s32 $0xFFFFFEF7, lr;
	s5 =	simm.s32 $0xFFFFFFFF;
	p2 =	slt.u32 s8, $0xFFFFF086  }
0x1c: {  	p1 =	slt.u32 s9, $0xF7A;
	s5 =	simm.s32 @!p2 $0x0  }
0x1d: {  	s5 =	simm.s32 @p1 $0x1;
	p0 =	seq.s32 s7, s2  }
0x1e: {  	s7 =	smul.u32 @!p0 $0xF7A, s2;
	p2 =	seq.s32 @!p0 s5, $0x0  }
0x1f: {  	s9 =	smul.u32 $0xF7A, s1;
	s8 =	simm.s32 @!p0 $0x1BF5;
	p2 =	por !p2, p0  }
0x20: {  	[sflag:s8] =	ssyncset.s32 @!p0 $0xFFFFF086;
	s6 =	sadd.s32 @!p0 s3, s7;
	s7 =	simm.s32 @!p0 $0x108  }
0x21: {  	s3 =	sadd.s32 s3, s9;
	s6 =	sadd.s32 @!p0 $0x88, s6;
	s7 =	simm.s32 @p2 $0x1082  }
0x22: {  	[simem:s7], [sflag:s8] =	dma.local @!p0 [hbm:s6], $0xF7A  }
0x23: {  	s9 =	sor.u32 $0xD0000000, s2;
	s6 =	simm.s32 $0x108;
	_ =	swait.ge @!p0 [sflag:s8], $0x0  }
0x24: {  	s3 =	sadd.s32 $0x88, s3;
	s6 =	simm.s32 @!p1 $0x1082;
	[sflag:s4] =	ssyncset.s32 $0xFFFFF086  }
0x25: {  	[simem:s6], [sflag:s4] =	dma.local [hbm:s3], $0xF7A  }
0x26: {  	[smem:$0x3F8F] =	sst s1;
	(tag) =	ssettag s2;
	_ =	strace s9  }
0x27: {  	s1 =	sld [smem:$0x3F9F]  }
0x28: {  	s2 =	sld [smem:$0x3FA0]  }
0x29: {  	s4 =	sld [smem:$0x3FA2]  }
0x2a: {  	p0 =	seq.s32 s5, $0x0;
	s5 =	sld [smem:$0x3FA3]  }
0x2b: {  	s6 =	sld [smem:$0x3FA4]  }
0x2c: {  	s7 =	sld [smem:$0x3FA5]  }
0x2d: {  	s3 =	simm.s32 $0x108;
	s8 =	sld [smem:$0x3FA6]  }
0x2e: {  	s3 =	simm.s32 @!p0 $0x1082;
	s9 =	sld [smem:$0x3FA7]  }
0x2f: {  	lr =	sadd.s32 s0, s3;
	s0 =	sld [smem:$0x3F9E]  }
0x30: {  	s3 =	sld [smem:$0x3FA1]  }
0x31: {  	[smem:$0x3FAA] =	sst s10  }
0x32: {  	s10 =	sld [smem:$0x3FA8];
	_ =	sdelay $0x3  }
0x33: {  	p0 =	seq.s32 s10, $0x1;
	s10 =	sld [smem:$0x3FAA];
	_ =	sdelay $0x3  }
0x34: {  	[smem:$0x3FAA] =	sst s10  }
0x35: {  	s10 =	sld [smem:$0x3FA9];
	_ =	sdelay $0x3  }
0x36: {  	p1 =	seq.s32 s10, $0x1;
	s10 =	sld [smem:$0x3FAA];
	_ =	sdelay $0x3  }
0x37: {  	[smem:$0x3FAA] =	sst s10  }
0x38: {  	s10 =	sld [smem:$0x3FAB]  }
0x39: {  	_ = 	snop;
	(pc) =	sbr.ind lr, $3  }
0x3a: {  	_ = 	snop  }
0x3b: {  	_ = 	snop  }
0x3c: {  	p2 =	seq.s32 s10, $0x1;
	s10 =	sld [smem:$0x3FAA]  }
0x3d: {  	_ =	shalt  }
0x3e: {  	_ =	shalt  }
0x3f: {  	_ =	shalt  }
0x40: {  	_ =	shalt  }
0x41: {  	_ =	shalt  }
0x42: {  	_ =	shalt  }
0x43: {  	_ =	shalt  }
0x44: {  	_ =	shalt  }
0x45: {  	_ =	shalt  }
0x46: {  	_ =	shalt  }
0x47: {  	_ =	shalt  }
0x48: {  	_ =	shalt  }
0x49: {  	_ =	shalt  }
0x4a: {  	_ =	shalt  }
0x4b: {  	_ =	shalt  }
0x4c: {  	_ =	shalt  }
0x4d: {  	_ =	shalt  }
0x4e: {  	_ =	shalt  }
0x4f: {  	_ =	shalt  }
0x50: {  	_ =	shalt  }
0x51: {  	_ =	shalt  }
0x52: {  	_ =	shalt  }
0x53: {  	_ =	shalt  }
0x54: {  	_ =	shalt  }
0x55: {  	_ =	shalt  }
0x56: {  	_ =	shalt  }
0x57: {  	_ =	shalt  }
0x58: {  	_ =	shalt  }
0x59: {  	_ =	shalt  }
0x5a: {  	_ =	shalt  }
0x5b: {  	_ =	shalt  }
0x5c: {  	_ =	shalt  }
0x5d: {  	_ =	shalt  }
0x5e: {  	_ =	shalt  }
0x5f: {  	_ =	shalt  }
0x60: {  	_ =	shalt  }
0x61: {  	_ =	shalt  }
0x62: {  	_ =	shalt  }
0x63: {  	_ =	shalt  }
0x64: {  	_ =	shalt  }
0x65: {  	_ =	shalt  }
0x66: {  	_ =	shalt  }
0x67: {  	_ =	shalt  }
0x68: {  	_ =	shalt  }
0x69: {  	_ =	shalt  }
0x6a: {  	_ =	shalt  }
0x6b: {  	_ =	shalt  }
0x6c: {  	_ =	shalt  }
0x6d: {  	_ =	shalt  }
0x6e: {  	_ =	shalt  }
0x6f: {  	_ =	shalt  }
0x70: {  	_ =	shalt  }
0x71: {  	_ =	shalt  }
0x72: {  	_ =	shalt  }
0x73: {  	_ =	shalt  }
0x74: {  	_ =	shalt  }
0x75: {  	_ =	shalt  }
0x76: {  	_ =	shalt  }
0x77: {  	_ =	shalt  }
0x78: {  	_ =	shalt  }
0x79: {  	_ =	shalt  }
0x7a: {  	_ =	shalt  }
0x7b: {  	_ =	shalt  }
0x7c: {  	_ =	shalt  }
0x7d: {  	_ =	shalt  }
0x7e: {  	_ =	shalt  }
0x7f: {  	_ =	shalt  }
0x80: {  	_ =	shalt  }
0x81: {  	_ =	shalt  }
0x82: {  	_ =	shalt  }
0x83: {  	_ =	shalt  }
0x84: {  	_ =	shalt  }
0x85: {  	_ =	shalt  }
0x86: {  	_ =	shalt  }
0x87: {  	_ =	shalt  }
.Lfunc_end0:
.L_simem_size_0:
called_computation.1_lowered:
.L_overlay_start_0:
0x88: {  	s2 =	sld [smem:$0x3FD9]  }
0x89: {  	s3 =	sld [smem:$0x3FFE];
	_ =	sdelay $0x1  }
0x8a: {  	s1 =	srdreg.scid  }
0x8b: {  	s0 =	sand.u32 $0x1, s1  }
0x8c: {  	s17 =	sshll.u32 s0, $0xA;
	s2 =	sadd.s32 s3, s2  }
0x8d: {  	s2 =	sadd.s32 s2, s17  }
0x8e: {  	[smem:$0x3FB6] =	sst s2  }
0x8f: {  	_ = 	snop  }
0x90: {  	s2 =	sld [smem:$0x3FC8]  }
0x91: {  	s18 =	sld [smem:$0x3FC6];
	(tm) =	ssettm $0x1  }
0x92: {  	s4 =	sld [smem:$0x3FFB];
	_ =	sdelay $0x3  }
0x93: {  	_ =	strace s4  }
0x94: {  	s4 =	sld [smem:$0x3FFC];
	_ =	sdelay $0x3  }
0x95: {  	_ =	strace s4  }
0x96: {  	s4 =	sld [smem:$0x3FFD];
	_ =	sdelay $0x3  }
0x97: {  	_ =	strace s4  }
0x98: {  	_ =	strace $0x8FFFFFFF  }
0x99: {  	s19 =	sld [smem:$0x3FDB];
	_ =	sdelay $0x1  }
0x9a: {  	s5 =	simm.s32 $_scs_section_size  }
0x9b: {  	s6 =	simm.s32 $_size__tile_overlayer_lowered;
	s7 =	simm.s32 $_tile_overlayer_lowered  }
0x9c: {  	s22 =	simm.s32 $0x1BFF;
	s21 =	sshll.u32 s7, $0x1;
	s4 =	sadd.s32 s5, s19  }
0x9d: {  	s8 =	simm.s32 $0x0;
	s20 =	sshll.u32 s6, $0x1;
	s6 =	sadd.s32 s21, s4  }
0x9e: {  	[timem:s8], [sflag:s22] =	dma.local [hbm:s6], s20  }
0x9f: {  	_ =	swait.ge [sflag:s22], s20  }
0xa0: {  	s5 =	ssub.s32 $0x0, s20;
	[sflag:s22] =	ssyncset.done $0x0  }
0xa1: {  	[sflag:s22] =	ssyncadd.s32 s5;
	_ =	sdelay $0x1  }
0xa2: {  	s23 =	simm.s32 $0x1B8B  }
0xa3: {  	_ =	swait.ge [sflag:s23], $0x1  }
0xa4: {  	[sflag:s23] =	ssyncset.done $0x0  }
0xa5: {  	s25 =	simm.s32 $0x1B8E;
	s24 =	sld [smem:$0x3FFE];
	[sflag:s23] =	ssyncadd.s32 $0xFFFFFFFF  }
0xa6: {  	s26 =	simm.s32 $execute0_lowered;
	[smem:$0x3FD2] =	sst s25  }
0xa7: {  	s6 =	sshll.u32 s26, $0x1;
	_ =	strace $0x80000049;
	[dreg:$0x1] =	wrdreg $0xFFFFFFFF  }
0xa8: {  	s28 =	simm.s32 $_size_execute0_lowered;
	s4 =	sadd.s32 s4, s6;
	[dreg:$0x0] =	wrdreg $0x0  }
0xa9: {  	s6 =	sshll.u32 s28, $0x1;
	[dreg:$0x2] =	wrdreg s4  }
0xaa: {  	[dreg:$0x3] =	wrdreg s6  }
0xab: {  	[dreg:$0x4] =	wrdreg $0xC0  }
0xac: {  	_ =	task [dreg:s8], $0x5FFFF  }
0xad: {  	[dreg:$0x1] =	wrdreg $0xFFFFFFFF  }
0xae: {  	[dreg:$0x0] =	wrdreg $0x60  }
0xaf: {  	[dreg:$0x2] =	wrdreg s24  }
0xb0: {  	[dreg:$0x3] =	wrdreg s2  }
0xb1: {  	[dreg:$0x4] =	wrdreg s18  }
0xb2: {  	[dreg:$0x5] =	wrdreg $0xB3800  }
0xb3: {  	[dreg:$0x6] =	wrdreg $0x9  }
0xb4: {  	_ =	task.clear_ibuf [dreg:s8], $0x7FFFF;
	_ =	strace $0x90000049  }
0xb5: {  	s29 =	simm.s32 $0x9;
	_ =	strace $0x8000004B  }
0xb6: {  	_ =	swait.ge [sflag:s29], $0x1  }
0xb7: {  	[sflag:s29] =	ssyncadd.s32 $0xFFFFFFFF  }
0xb8: {  	_ =	strace $0x9000004B  }
0xb9: {  	_ =	sfence  }
0xba: {  	s30 =	sld [smem:$0x0];
	_ =	sdelay $0x2  }
0xbb: {  	s31 =	sshll.u32 s1, $0xD;
	s1 =	sshrl.u32 s1, $0x2  }
0xbc: {  	s3 =	sand.u32 $0x4000, s31;
	s1 =	sadd.s32 s1, s30  }
0xbd: {  	s0 =	sor.u32 s3, s0;
	s1 =	sshll.u32 s1, $0x11  }
0xbe: {  	s0 =	sor.u32 s1, s0  }
0xbf: {  	s0 =	sadd.s32 $0x8F2B, s0  }
0xc0: {  	[sflag:s0] =	ssyncadd.remote.s32 $0x1  }
0xc1: {  	_ =	sfence.sel $0xFFFF  }
0xc2: {  	[dreg:$0x0] =	wrdreg $0xFFFFFFFF;
	(pc) =	sbr.abs _section_cstart, $3  }
0xc3: {  	[dreg:$0x1] =	wrdreg $0xFFFFFFFF  }
0xc4: {  	_ =	task.clear_ibuf [dreg:s8], $0x2FFFF;
	_ =	strace $0x9FFFFFFF  }
0xc5: {  	(tm) =	ssettm $0x7FFFFFFF  }
tec
execute0_lowered:
.L_overlay_start_1:
0x0: {  	(tag) =	ssettag $0x1  }
0x1: {  	s0 =	rddreg [dreg:$0x0]  }
0x2: {  	s7 =	rddreg [dreg:$0x1]  }
0x3: {  	s11 =	stileid.u32;
	s2 =	rddreg [dreg:$0x3]  }
0x4: {  	s3 =	simm.s32 $0x0;
	s25 =	srdreg.scid;
	s16 =	simm.s32 $0x6  }
0x5: {  	s18 =	simm.s32 $0x4;
	s19 =	simm.s32 $0x5;
	s20 =	simm.s32 $0x20  }
0x6: {  	s21 =	simm.s32 $0x9200;
	s22 =	simm.s32 $0x9380;
	s23 =	simm.s32 $0x9300  }
0x7: {  	s24 =	simm.s32 $0xA380;
	s28 =	simm.s32 $0x9280;
	s30 =	simm.s32 $0x0  }
0x8: {  	s4 =	smul.u32 $0x2710, s11;
	[smem:$0x7FF] =	sst s3;
	s12 =	sand.u32 $0x1, s25  }
0x9: {  	s5 =	sadd.s32 $0xD200, s0;
	s1 =	sadd.s32 $0xCE00, s0;
	p0 =	seq.s32 s11, $0x1  }
0xa: {  	s25 =	simm.s32 $0x1;
	_ =	strace $0x8000004A;
	s10 =	ssub.s32 $0x2, s12  }
0xb: {  	[dreg:$0x5] =	wrdreg s1;
	s13 =	sshll.u32 s12, $0x8;
	p1 =	seq.s32 s12, $0x0  }
0xc: {  	s29 =	sshll.u32 s12, $0x4;
	s9 =	sshrl.u32 s4, $0x3;
	s4 =	sadd.s32 $0xD600, s0  }
0xd: {  	s14 =	sshrl.u32 s10, $0x1;
	s13 =	sadd.s32 s13, s0;
	s8 =	sadd.s32 s9, s0  }
0xe: {  	s0 =	sadd.s32 $0x35800, s0;
	s26 =	ssub.s32 s10, s14;
	s6 =	sadd.s32 s7, s9  }
0xf: {  	s31 =	sadd.s32 $0x35600, s13;
	[dreg:$0x6] =	wrdreg s0;
	s14 =	sadd.s32 $0x7E20, s8  }
.Ltmp0:
0x10: {  	s1 =	sadd.s32 $0x3000, s8;
	[dreg:$0x8] =	wrdreg s6;
	(pc) =	sbr.rel .LBB2_1-.Ltmp0, $4  }
0x11: {  	vm0 =	vmmov $0x1;
	v1 =	vlaneseq.u32;
	vm9 =	vcmask $0x2328;
	[dreg:$0xa] =	wrdreg s31;
	s0 =	smax.u32 s26, $0x1;
	s6 =	smov.u32 s14  }
0x12: {  	vm10 =	vcmask $0x272C;
	vm11 =	vcmask $0x2B30;
	v1 =	vmul.u32 $0x80, v1;
	p0 =	por !p0, !p1;
	[dreg:$0xb] =	wrdreg s0;
	s6 =	smov.u32 @p1 s1  }
0x13: {  	vm12 =	vcmask $0x2F34;
	vm13 =	vcmask $0x3338;
	vm14 =	vcmask $0x373C;
	p0 =	por !p0, !p0;
	s1 =	smov.u32 @p1 s14;
	[dreg:$0x9] =	wrdreg s6  }
0x14: {  	vm15 =	vmmov $0x7fff;
	v0 =	vmov s29;
	v2 =	vor.u32 $0x800, v1;
	s26 =	simm.s32 $0x2;
	p1 =	sne.s32 s11, $0x0;
	[dreg:$0x7] =	wrdreg s1  }
.LBB2_18:
0x15: {  	s0 =	simm.s32 $0x7680;
	s1 =	simm.s32 $0x10  }
0x16: {  	[tilespmem:s22], [sflag:$0x6] =	stream.indirect.gather [spmem:s2], $0x80, s0, s1, $0xb8;
	[tilespmem:$0x1F380] =	vst v63  }
0x17: {  	_ =	swait.ge [sflag:s16], $0x800  }
0x18: {  	[sflag:s16] =	ssyncset.done $0x0  }
0x19: {  	s31 =	rddreg [dreg:$0xa];
	[sflag:s16] =	ssyncadd.s32 $0xFFFFF800  }
0x1a: {  	[hbm4b:s31+s3] =	stream.linear.scatter [tilespmem:s22], [sflag:$0x6], $0x800, $0x38;
	[tilespmem:$0x1F380] =	vst v63  }
.LBB2_21:
0x1b: {  	_ =	swait.ge [sflag:s16], $0x800  }
0x1c: {  	[sflag:s16] =	ssyncset.done $0x0  }
0x1d: {  	[sflag:s16] =	ssyncadd.s32 $0xFFFFF800  }
.LBB2_22:
0x1e: {  	s30 =	sadd.s32 $0x1, s30;
	s0 =	rddreg [dreg:$0xb]  }
0x1f: {  	p2 =	sne.s32 s30, s0  }
.Ltmp1:
0x20: {  	_ = 	snop;
	(pc) =	sbr.rel @!p2 .LBB2_23-.Ltmp1, $1  }
0x21: {  	_ =	sdelay $0x3  }
.LBB2_1:
0x22: {  	s0 =	rddreg [dreg:$0x9]  }
0x23: {  	[tilespmem:s3], [sflag:$0x3] =	stream.linear.gather [hbm4b:s0+s3], $0x2710, $0x38;
	[tilespmem:$0x1F380] =	vst v63  }
0x24: {  	s29 =	rddreg [dreg:$0x7];
	s1 =	simm.s32 $0x2780  }
0x25: {  	[tilespmem:s1], [sflag:$0x4] =	stream.linear.gather [hbm4b:s29+s3], $0x2710, $0x38;
	[tilespmem:$0x1F380] =	vst v63  }
0x26: {  	s6 =	rddreg [dreg:$0x8];
	s7 =	simm.s32 $0x4F00  }
0x27: {  	[tilespmem:s7], [sflag:$0x5] =	stream.linear.gather [hbm4b:s6+s3], $0x2710, $0x38;
	[tilespmem:$0x1F380] =	vst v63  }
0x28: {  	s8 =	rddreg [dreg:$0x2];
	s9 =	simm.s32 $0x7680  }
0x29: {  	[tilespmem:s9], [sflag:$0x6] =	stream.linear.gather [hbm4b:s8+s3], $0x80, $0x38;
	[tilespmem:$0x1F380] =	vst v63  }
0x2a: {  	_ =	swait.ge [sflag:s16], $0x80  }
0x2b: {  	s0 =	simm.s32 @!p1 $0x0;
	[sflag:s16] =	ssyncset.done $0x0  }
0x2c: {  	s7 =	simm.s32 @!p1 $0x9380;
	s1 =	rddreg [dreg:$0x5];
	[sflag:s16] =	ssyncadd.s32 $0xFFFFFF80  }
0x2d: {  	[tilespmem:s7], [sflag:$0x6] =	stream.linear.gather @!p1 [hbm4b:s1+s0], $0x800, $0x38;
	[tilespmem:$0x1F380] =	vst v63  }
0x2e: {  	s0 =	simm.s32 @!p1 $0x6  }
0x2f: {  	_ =	swait.ge @!p1 [sflag:s0], $0x800  }
0x30: {  	[sflag:s0] =	ssyncset.done @!p1 $0x0  }
0x31: {  	s11 =	simm.s32 @!p1 $0x10;
	s29 =	simm.s32 @!p1 $0x7680;
	[sflag:s0] =	ssyncadd.s32 @!p1 $0xFFFFF800  }
0x32: {  	[spmem:s2] =	stream.indirect.scatter @!p1 [tilespmem:s7], [sflag:$0x6], $0x80, s29, s11, $0xb8;
	[tilespmem:$0x1F380] =	vst v63  }
0x33: {  	_ =	swait.ge @!p1 [sflag:s0], $0x800  }
0x34: {  	[sflag:s0] =	ssyncset.done @!p1 $0x0  }
0x35: {  	[sflag:s0] =	ssyncadd.s32 @!p1 $0xFFFFF800  }
0x36: {  	s10 =	simm.s32 $0x3;
	[bflag:$0x0] =	sbarrier.arrive $0xFFFF  }
0x37: {  	_ =	swait.ge [sflag:s10], $0x2710  }
0x38: {  	[sflag:s10] =	ssyncset.done $0x0  }
0x39: {  	[sflag:s10] =	ssyncadd.s32 $0xFFFFD8F0  }
0x3a: {  	_ =	swait.ge [sflag:s18], $0x2710  }
0x3b: {  	[sflag:s18] =	ssyncset.done $0x0  }
0x3c: {  	[sflag:s18] =	ssyncadd.s32 $0xFFFFD8F0  }
0x3d: {  	_ =	swait.ge [sflag:s19], $0x2710  }
0x3e: {  	[sflag:s19] =	ssyncset.done $0x0  }
0x3f: {  	[sflag:s19] =	ssyncadd.s32 $0xFFFFD8F0  }
0x40: {  	v3 =	vld [tilespmem:$0x7680];
	_ =	sdelay $0x4  }
0x41: {  	vm1 =	vcmask $0x308;
	v4 =	vnsel vm0, $0xFFFFFFFF, v3  }
0x42: {  	v5 =	vsel vm1, $0xFFFFFFFF, v3;
	vm1 =	vcmask $0x70C;
	v4 =	vxor.u32 $0x80000000, v4  }
0x43: {  	(xrf0) =	vmax.scan.msk.u32 $0xffff, v4;
	v4 =	vxor.u32 $0x80000000, v5;
	v5 =	vsel vm1, $0xFFFFFFFF, v3;
	vm1 =	vcmask $0xB10  }
0x44: {  	(xrf0) =	vmax.scan.msk.u32 $0xffff, v4;
	v4 =	vxor.u32 $0x80000000, v5;
	v5 =	vsel vm1, $0xFFFFFFFF, v3;
	vm1 =	vcmask $0xF14  }
0x45: {  	(xrf0) =	vmax.scan.msk.u32 $0xffff, v4;
	v4 =	vxor.u32 $0x80000000, v5;
	v5 =	vsel vm1, $0xFFFFFFFF, v3;
	vm1 =	vcmask $0x1318  }
0x46: {  	(xrf0) =	vmax.scan.msk.u32 $0xffff, v4;
	v4 =	vxor.u32 $0x80000000, v5;
	v5 =	vsel vm1, $0xFFFFFFFF, v3;
	vm1 =	vcmask $0x171C  }
0x47: {  	(xrf0) =	vmax.scan.msk.u32 $0xffff, v4;
	v4 =	vxor.u32 $0x80000000, v5;
	v5 =	vsel vm1, $0xFFFFFFFF, v3;
	vm1 =	vcmask $0x1B20  }
0x48: {  	(xrf0) =	vmax.scan.msk.u32 $0xffff, v4;
	v4 =	vxor.u32 $0x80000000, v5;
	v5 =	vsel vm1, $0xFFFFFFFF, v3;
	vm1 =	vcmask $0x1F24  }
0x49: {  	v6, _, _ =	vpop (xrf0);
	(xrf0) =	vmax.scan.msk.u32 $0xffff, v4;
	v4 =	vxor.u32 $0x80000000, v5;
	v5 =	vsel vm1, $0xFFFFFFFF, v3  }
0x4a: {  	(v2sf) =	vpush v6, $0xF;
	v6, _, _ =	vpop (xrf0);
	(xrf0) =	vmax.scan.msk.u32 $0xffff, v4;
	v4 =	vxor.u32 $0x80000000, v5;
	v5 =	vsel vm9, $0xFFFFFFFF, v3  }
0x4b: {  	(v2sf) =	vpush v6, $0xF;
	v6, _, _ =	vpop (xrf0);
	(xrf0) =	vmax.scan.msk.u32 $0xffff, v4;
	v4 =	vxor.u32 $0x80000000, v5;
	v5 =	vsel vm10, $0xFFFFFFFF, v3  }
0x4c: {  	(v2sf) =	vpush v6, $0xF;
	v6, _, _ =	vpop (xrf0);
	(xrf0) =	vmax.scan.msk.u32 $0xffff, v4;
	v4 =	vxor.u32 $0x80000000, v5;
	v5 =	vsel vm11, $0xFFFFFFFF, v3  }
0x4d: {  	(v2sf) =	vpush v6, $0xF;
	v6, _, _ =	vpop (xrf0);
	(xrf0) =	vmax.scan.msk.u32 $0xffff, v4;
	v4 =	vxor.u32 $0x80000000, v5;
	v5 =	vsel vm12, $0xFFFFFFFF, v3  }
0x4e: {  	(v2sf) =	vpush v6, $0xF;
	v6, _, _ =	vpop (xrf0);
	(xrf0) =	vmax.scan.msk.u32 $0xffff, v4;
	v4 =	vxor.u32 $0x80000000, v5;
	v5 =	vsel vm13, $0xFFFFFFFF, v3  }
0x4f: {  	(v2sf) =	vpush v6, $0xF;
	v6, _, _ =	vpop (xrf0);
	(xrf0) =	vmax.scan.msk.u32 $0xffff, v4;
	v4 =	vxor.u32 $0x80000000, v5;
	v5 =	vsel vm14, $0xFFFFFFFF, v3  }
0x50: {  	(v2sf) =	vpush v6, $0xF;
	v6, _, _ =	vpop (xrf0);
	(xrf0) =	vmax.scan.msk.u32 $0xffff, v4;
	v4 =	vxor.u32 $0x80000000, v5;
	_ =	sdelay $0x1  }
0x51: {  	(v2sf) =	vpush v6, $0xF;
	v5, _, _ =	vpop (xrf0)  }
0x52: {  	(xrf0) =	vmax.scan.msk.u32 $0xffff, v4;
	v4, _, _ =	vpop (xrf0);
	(v2sf) =	vpush v5, $0xF  }
0x53: {  	v3 =	vsel vm15, $0xFFFFFFFF, v3;
	v5, _, _ =	vpop (xrf0);
	(v2sf) =	vpush v4, $0xF  }
0x54: {  	v3 =	vxor.u32 $0x80000000, v3;
	v4, _, _ =	vpop (xrf0);
	(v2sf) =	vpush v5, $0xF  }
0x55: {  	(v2sf) =	vpush v4, $0xF;
	v4, _, _ =	vpop (xrf0);
	(xrf0) =	vmax.scan.msk.u32 $0xffff, v3;
	_ =	sdelay $0x3  }
0x56: {  	v3, _, _ =	vpop (xrf0);
	(v2sf) =	vpush v4, $0xF  }
0x57: {  	v4, _, _ =	vpop (xrf0);
	(v2sf) =	vpush v3, $0xF  }
0x58: {  	(v2sf) =	vpush v4, $0xF;
	v3, _, _ =	vpop (xrf0)  }
0x59: {  	s0 =	spop (v2sf);
	(v2sf) =	vpush v3, $0xF  }
0x5a: {  	s7 =	spop (v2sf)  }
0x5b: {  	s11 =	spop (v2sf)  }
0x5c: {  	s29 =	spop (v2sf)  }
0x5d: {  	s31 =	spop (v2sf)  }
0x5e: {  	s1 =	spop (v2sf)  }
0x5f: {  	s13 =	spop (v2sf)  }
0x60: {  	s14 =	spop (v2sf)  }
0x61: {  	s15 =	spop (v2sf)  }
0x62: {  	s0 =	sxor.u32 $0x80000000, s0;
	s7 =	sxor.u32 $0x80000000, s7;
	s6 =	spop (v2sf)  }
0x63: {  	v3 =	vmov s0;
	s0 =	sxor.u32 $0x80000000, s11;
	s11 =	sxor.u32 $0x80000000, s29;
	s9 =	spop (v2sf)  }
0x64: {  	s29 =	sxor.u32 $0x80000000, s31;
	v6 =	vmov s11;
	s11 =	sxor.u32 $0x80000000, s1;
	s12 =	spop (v2sf)  }
0x65: {  	s13 =	sxor.u32 $0x80000000, s13;
	s14 =	sxor.u32 $0x80000000, s14;
	s10 =	spop (v2sf)  }
.Ltmp2:
0x66: {  	v4 =	vmov s7;
	v5 =	vmov s0;
	s1 =	sxor.u32 $0x80000000, s15;
	s8 =	spop (v2sf);
	(pc) =	sbr.rel .LBB2_2-.Ltmp2, $4  }
0x67: {  	v7 =	vmov s29;
	v8 =	vmov s11;
	v9 =	vmov s13;
	s6 =	sxor.u32 $0x80000000, s6;
	s11 =	sxor.u32 $0x80000000, s9;
	s17 =	spop (v2sf)  }
0x68: {  	v10 =	vmov s14;
	v11 =	vmov s1;
	v12 =	vmov s6;
	s12 =	sxor.u32 $0x80000000, s12;
	s13 =	sxor.u32 $0x80000000, s10;
	s14 =	spop (v2sf)  }
0x69: {  	v13 =	vmov s11;
	v14 =	vmov s12;
	v15 =	vmov s13;
	s15 =	sxor.u32 $0x80000000, s8;
	s17 =	sxor.u32 $0x80000000, s17;
	s29 =	sxor.u32 $0x80000000, s14  }
0x6a: {  	s0 =	simm.s32 $0x0;
	s31 =	simm.s32 $0x0;
	v16 =	vmov s15;
	v17 =	vmov s17;
	v18 =	vmov s29  }
.LBB2_24:
0x6b: {  	s7 =	smov.u32 @p2 s0  }
0x6c: {  	s7 =	simm.s32 @!p3 $0x0  }
0x6d: {  	s0 =	smov.u32 s7  }
.LBB2_10:
0x6e: {  	s31 =	sadd.s32 $0x1, s31  }
0x6f: {  	p2 =	sne.s32 s31, $0x7D  }
.Ltmp3:
0x70: {  	_ = 	snop;
	(pc) =	sbr.rel @!p2 .LBB2_11-.Ltmp3, $1  }
0x71: {  	_ =	sdelay $0x3  }
.LBB2_2:
0x72: {  	s7 =	smul.u32 $0x50, s31;
	_ =	sdelay $0x1  }
0x73: {  	v19 =	vld [tilespmem:s7+$0x2780];
	_ =	sdelay $0x4  }
0x74: {  	vm1 =	veq.s32 v19, v3;
	vm2 =	veq.s32 v19, v4  }
0x75: {  	vm1 =	vmor vm1, vm2;
	vm2 =	veq.s32 v19, v5  }
0x76: {  	vm1 =	vmor vm2, vm1;
	vm2 =	veq.s32 v19, v6  }
0x77: {  	vm1 =	vmor vm2, vm1;
	vm2 =	veq.s32 v19, v7  }
0x78: {  	v20 =	vld [tilespmem:s7+$0x2790];
	vm1 =	vmor vm2, vm1;
	vm2 =	veq.s32 v19, v8  }
0x79: {  	vm1 =	vmor vm2, vm1;
	vm2 =	veq.s32 v19, v9  }
0x7a: {  	vm1 =	vmor vm2, vm1;
	vm2 =	veq.s32 v19, v10  }
0x7b: {  	vm1 =	vmor vm2, vm1;
	vm2 =	veq.s32 v19, v11  }
0x7c: {  	vm1 =	vmor vm2, vm1;
	vm2 =	veq.s32 v19, v12  }
0x7d: {  	vm3 =	veq.s32 v20, v3;
	vm1 =	vmor vm2, vm1;
	vm2 =	veq.s32 v19, v13  }
0x7e: {  	vm4 =	veq.s32 v20, v4;
	vm1 =	vmor vm2, vm1;
	vm2 =	veq.s32 v19, v14  }
0x7f: {  	vm1 =	vmor vm2, vm1;
	vm2 =	vmor vm3, vm4;
	vm3 =	veq.s32 v20, v5  }
0x80: {  	vm4 =	veq.s32 v19, v15;
	vm2 =	vmor vm3, vm2;
	vm3 =	veq.s32 v20, v6  }
0x81: {  	vm1 =	vmor vm4, vm1;
	vm2 =	vmor vm3, vm2;
	vm3 =	veq.s32 v20, v7  }
0x82: {  	vm4 =	veq.s32 v19, v16;
	vm2 =	vmor vm3, vm2;
	vm3 =	veq.s32 v20, v8  }
0x83: {  	v21 =	vld [tilespmem:s7+$0x27A0];
	vm1 =	vmor vm4, vm1;
	vm2 =	vmor vm3, vm2;
	vm3 =	veq.s32 v20, v9  }
0x84: {  	vm4 =	veq.s32 v19, v17;
	vm2 =	vmor vm3, vm2;
	vm3 =	veq.s32 v20, v10  }
0x85: {  	vm1 =	vmor vm4, vm1;
	vm2 =	vmor vm3, vm2;
	vm3 =	veq.s32 v20, v11  }
0x86: {  	vm4 =	veq.s32 v19, v18;
	vm2 =	vmor vm3, vm2;
	vm3 =	veq.s32 v20, v12  }
0x87: {  	vm1 =	vmor vm4, vm1;
	vm2 =	vmor vm3, vm2;
	vm3 =	veq.s32 v20, v13  }
0x88: {  	vm4 =	veq.s32 v21, v4;
	vm2 =	vmor vm3, vm2;
	vm3 =	veq.s32 v21, v3  }
0x89: {  	vm5 =	veq.s32 v20, v14;
	vm3 =	vmor vm3, vm4;
	vm4 =	veq.s32 v21, v5  }
0x8a: {  	vm2 =	vmor vm5, vm2;
	vm3 =	vmor vm4, vm3;
	vm4 =	veq.s32 v21, v6  }
0x8b: {  	vm5 =	veq.s32 v20, v15;
	vm3 =	vmor vm4, vm3;
	vm4 =	veq.s32 v21, v7  }
0x8c: {  	vm2 =	vmor vm5, vm2;
	vm3 =	vmor vm4, vm3;
	vm4 =	veq.s32 v21, v8  }
0x8d: {  	vm5 =	veq.s32 v20, v16;
	vm3 =	vmor vm4, vm3;
	vm4 =	veq.s32 v21, v9  }
0x8e: {  	v22 =	vld [tilespmem:s7+$0x27B0];
	vm2 =	vmor vm5, vm2;
	vm3 =	vmor vm4, vm3;
	vm4 =	veq.s32 v21, v10  }
0x8f: {  	vm5 =	veq.s32 v20, v17;
	vm3 =	vmor vm4, vm3;
	vm4 =	veq.s32 v21, v11  }
0x90: {  	vm2 =	vmor vm5, vm2;
	vm3 =	vmor vm4, vm3;
	vm4 =	veq.s32 v21, v12  }
0x91: {  	vm5 =	veq.s32 v20, v18;
	vm3 =	vmor vm4, vm3;
	vm4 =	veq.s32 v21, v13  }
0x92: {  	vm2 =	vmor vm5, vm2;
	vm3 =	vmor vm4, vm3;
	vm4 =	veq.s32 v21, v14  }
0x93: {  	vm5 =	veq.s32 v22, v4;
	vm3 =	vmor vm4, vm3;
	vm4 =	veq.s32 v22, v3  }
0x94: {  	vm6 =	veq.s32 v21, v15;
	vm4 =	vmor vm4, vm5;
	vm5 =	veq.s32 v22, v5  }
0x95: {  	vm3 =	vmor vm6, vm3;
	vm4 =	vmor vm5, vm4;
	vm5 =	veq.s32 v22, v6  }
0x96: {  	vm6 =	veq.s32 v21, v16;
	vm4 =	vmor vm5, vm4;
	vm5 =	veq.s32 v22, v7  }
0x97: {  	v20 =	vld [tilespmem:s7+$0x27C0];
	vm3 =	vmor vm6, vm3;
	vm4 =	vmor vm5, vm4;
	vm5 =	veq.s32 v22, v8  }
0x98: {  	vm6 =	veq.s32 v21, v17;
	vm4 =	vmor vm5, vm4;
	vm5 =	veq.s32 v22, v9  }
0x99: {  	vm3 =	vmor vm6, vm3;
	vm4 =	vmor vm5, vm4;
	vm5 =	veq.s32 v22, v10  }
0x9a: {  	vm6 =	veq.s32 v21, v18;
	vm4 =	vmor vm5, vm4;
	vm5 =	veq.s32 v22, v11  }
0x9b: {  	vm3 =	vmor vm6, vm3;
	vm4 =	vmor vm5, vm4;
	vm5 =	veq.s32 v22, v12  }
0x9c: {  	vm6 =	veq.s32 v20, v4;
	vm4 =	vmor vm5, vm4;
	vm5 =	veq.s32 v20, v3  }
0x9d: {  	vm7 =	veq.s32 v22, v13;
	vm5 =	vmor vm5, vm6;
	vm6 =	veq.s32 v20, v5  }
0x9e: {  	vm8 =	veq.s32 v20, v15;
	vm5 =	vmor vm6, vm5;
	vm6 =	veq.s32 v20, v6  }
0x9f: {  	vm4 =	vmor vm7, vm4;
	vm5 =	vmor vm6, vm5;
	vm6 =	veq.s32 v20, v7  }
0xa0: {  	vm7 =	veq.s32 v22, v14;
	vm5 =	vmor vm6, vm5;
	vm6 =	veq.s32 v20, v8  }
0xa1: {  	vm4 =	vmor vm7, vm4;
	vm5 =	vmor vm6, vm5;
	vm6 =	veq.s32 v20, v9  }
0xa2: {  	vm7 =	veq.s32 v22, v15;
	vm5 =	vmor vm6, vm5;
	vm6 =	veq.s32 v20, v10  }
0xa3: {  	vm4 =	vmor vm7, vm4;
	vm5 =	vmor vm6, vm5;
	vm6 =	veq.s32 v20, v11  }
0xa4: {  	vm7 =	veq.s32 v22, v16;
	vm5 =	vmor vm6, vm5;
	vm6 =	veq.s32 v20, v12  }
0xa5: {  	vm4 =	vmor vm7, vm4;
	vm5 =	vmor vm6, vm5;
	vm6 =	veq.s32 v20, v13  }
0xa6: {  	vm7 =	veq.s32 v22, v17;
	vm5 =	vmor vm6, vm5;
	vm6 =	veq.s32 v20, v14  }
0xa7: {  	vm4 =	vmor vm7, vm4;
	vm7 =	veq.s32 v22, v18;
	vm6 =	vmor vm6, vm5  }
0xa8: {  	vm5 =	vmor vm7, vm4;
	vm4 =	vmor vm8, vm6;
	vm6 =	veq.s32 v20, v16  }
0xa9: {  	vm7 =	vmor vm1, vm2;
	vm4 =	vmor vm6, vm4;
	vm6 =	veq.s32 v20, v17  }
0xaa: {  	vm7 =	vmor vm7, vm3;
	vm4 =	vmor vm6, vm4;
	vm6 =	veq.s32 v20, v18  }
0xab: {  	vm4 =	vmor vm6, vm4;
	vm6 =	vmor vm7, vm5  }
0xac: {  	vm6 =	vmor vm6, vm4  }
0xad: {  	v20 =	vmpcnt.ones.xlane vm6;
	_ =	sdelay $0x1  }
0xae: {  	(v2sf) =	vpush v20, $0x0;
	_ =	sdelay $0xe  }
0xaf: {  	s1 =	spop (v2sf)  }
0xb0: {  	p2 =	slt.s32 s1, $0x1  }
0xb1: {  	v20 =	vmpcnt.ones.xlane @!p2 vm1;
	_ =	sdelay $0x1  }
0xb2: {  	(v2sf) =	vpush @!p2 v20, $0x0;
	_ =	sdelay $0x2  }
0xb3: {  	v20 =	vld @!p2 [tilespmem:s7+$0x0]  }
0xb4: {  	v21 =	vld @!p2 [tilespmem:s7+$0x4F00];
	_ =	sdelay $0x2  }
0xb5: {  	v22 =	vmpcnt.ones.xlane @!p2 vm2  }
0xb6: {  	[tilespmem:s0+$0x7700] =	vst.msk @!p2 vm1, v20  }
0xb7: {  	(v2sf) =	vpush @!p2 v22, $0x0;
	v20 =	vadd.s32 @!p2 v0, v21;
	[tilespmem:s0+$0x8000] =	vst.msk @!p2 vm1, v19  }
0xb8: {  	[tilespmem:s0+$0x8900] =	vst.msk @!p2 vm1, v20  }
0xb9: {  	s1 =	sadd.s32 $0x10, s7;
	v19 =	vld @!p2 [tilespmem:s7+$0x10]  }
0xba: {  	v20 =	vld @!p2 [tilespmem:s1+$0x2780]  }
0xbb: {  	v21 =	vld @!p2 [tilespmem:s1+$0x4F00];
	_ =	sdelay $0x1  }
0xbc: {  	s1 =	spop @!p2 (v2sf)  }
0xbd: {  	v22 =	vmpcnt.ones.xlane @!p2 vm3;
	s1 =	sadd.s32 @!p2 s0, s1  }
0xbe: {  	[tilespmem:s1+$0x7700] =	vst.msk @!p2 vm2, v19  }
0xbf: {  	(v2sf) =	vpush @!p2 v22, $0x0;
	v19 =	vadd.s32 @!p2 v0, v21;
	[tilespmem:s1+$0x8000] =	vst.msk @!p2 vm2, v20  }
0xc0: {  	[tilespmem:s1+$0x8900] =	vst.msk @!p2 vm2, v19  }
0xc1: {  	s6 =	sadd.s32 $0x20, s7;
	v20 =	vmpcnt.ones.xlane @!p2 vm5;
	v19 =	vld @!p2 [tilespmem:s7+$0x20]  }
0xc2: {  	v22 =	vmpcnt.ones.xlane @!p2 vm4;
	v21 =	vld @!p2 [tilespmem:s6+$0x2780]  }
0xc3: {  	(v2sf) =	vpush @!p2 v20, $0x0;
	v20 =	vld @!p2 [tilespmem:s6+$0x4F00]  }
0xc4: {  	(v2sf) =	vpush @!p2 v22, $0x0  }
0xc5: {  	s6 =	spop @!p2 (v2sf)  }
0xc6: {  	s1 =	sadd.s32 @!p2 s1, s6  }
0xc7: {  	[tilespmem:s1+$0x7700] =	vst.msk @!p2 vm3, v19  }
0xc8: {  	v19 =	vadd.s32 @!p2 v0, v20;
	[tilespmem:s1+$0x8000] =	vst.msk @!p2 vm3, v21  }
0xc9: {  	[tilespmem:s1+$0x8900] =	vst.msk @!p2 vm3, v19  }
0xca: {  	s6 =	sadd.s32 $0x30, s7;
	v19 =	vld @!p2 [tilespmem:s7+$0x30]  }
0xcb: {  	v20 =	vld @!p2 [tilespmem:s6+$0x2780]  }
0xcc: {  	v21 =	vld @!p2 [tilespmem:s6+$0x4F00];
	_ =	sdelay $0x1  }
0xcd: {  	s6 =	spop @!p2 (v2sf)  }
0xce: {  	s1 =	sadd.s32 @!p2 s1, s6  }
0xcf: {  	[tilespmem:s1+$0x7700] =	vst.msk @!p2 vm5, v19  }
0xd0: {  	v19 =	vadd.s32 @!p2 v0, v21;
	[tilespmem:s1+$0x8000] =	vst.msk @!p2 vm5, v20  }
0xd1: {  	s6 =	spop @!p2 (v2sf);
	[tilespmem:s1+$0x8900] =	vst.msk @!p2 vm5, v19  }
0xd2: {  	s8 =	sadd.s32 $0x40, s7;
	s1 =	sadd.s32 @!p2 s1, s6;
	v19 =	vld @!p2 [tilespmem:s7+$0x40];
	s6 =	spop @!p2 (v2sf)  }
0xd3: {  	v20 =	vld @!p2 [tilespmem:s8+$0x2780];
	s7 =	sadd.s32 @!p2 s1, s6  }
0xd4: {  	v21 =	vld @!p2 [tilespmem:s8+$0x4F00];
	p3 =	slt.s32 @!p2 s7, $0x800  }
0xd5: {  	p3 =	por p2, p3  }
0xd6: {  	s6 =	sadd.s32 @!p3 $0x1F, s7  }
0xd7: {  	s8 =	sand.u32 @!p3 $0x1F, s6  }
0xd8: {  	[tilespmem:s1+$0x7700] =	vst.msk @!p2 vm4, v19;
	p4 =	slt.s32 @!p3 s6, $0x0;
	p5 =	sne.s32 @!p3 s8, $0x0  }
0xd9: {  	v19 =	vadd.s32 @!p2 v0, v21;
	[tilespmem:s1+$0x8000] =	vst.msk @!p2 vm4, v20;
	s8 =	sshra.s32 @!p3 s6, $0x1F;
	p4 =	por @!p3 !p4, !p5  }
0xda: {  	[tilespmem:s1+$0x8900] =	vst.msk @!p2 vm4, v19;
	s1 =	sshrl.u32 @!p3 s8, $0x1B;
	p4 =	por @!p3 !p4, !p4  }
0xdb: {  	s1 =	sadd.s32 @!p3 s1, s6;
	s6 =	simm.s32 @!p3 $0x1;
	p4 =	por !p4, p3  }
0xdc: {  	s1 =	sshra.s32 @!p3 s1, $0x5;
	s6 =	simm.s32 @p4 $0x0  }
0xdd: {  	s29 =	ssub.s32 @!p3 s1, s6  }
0xde: {  	v19 =	vimm.s32 @!p3 $0x27D8;
	p4 =	slt.s32 @!p3 s29, $0x1  }
0xdf: {  	[tilespmem:s7+$0x7700] =	vst @!p3 v19;
	p4 =	por p3, p4  }
.Ltmp4:
0xe0: {  	v20 =	vimm.s32 @!p3 $0x27;
	[tilespmem:s7+$0x8000] =	vst @!p3 v19;
	(pc) =	sbr.rel @p4 .LBB2_24-.Ltmp4, $4  }
0xe1: {  	[tilespmem:s7+$0x8900] =	vst @!p3 v20  }
0xe2: {  	[tilespmem:s7+$0x7710] =	vst @!p3 v19  }
0xe3: {  	[tilespmem:s7+$0x8010] =	vst @!p3 v19  }
0xe4: {  	s11 =	simm.s32 @!p3 $0x0;
	[tilespmem:s7+$0x8910] =	vst @!p3 v20  }
0xe5: {  	p3 =	sgt.s32 @!p2 s7, $0x7FF  }
0xe6: {  	p2 =	por !p3, p2  }
0xe7: {  	s7 =	simm.s32 @!p2 $0x0  }
.LBB2_4:
0xe8: {  	s0 =	sshll.u32 s11, $0x5  }
0xe9: {  	v19 =	vld [tilespmem:s0+$0x7700];
	_ =	sdelay $0x4  }
0xea: {  	[tilespmem:$0x9200] =	vst v19  }
0xeb: {  	v19 =	vld [tilespmem:s0+$0x8000];
	_ =	sdelay $0x4  }
0xec: {  	[tilespmem:$0x9280] =	vst v19  }
0xed: {  	v19 =	vld [tilespmem:s0+$0x8900];
	_ =	sdelay $0x4  }
0xee: {  	[tilespmem:$0x9300] =	vst v19  }
0xef: {  	v19 =	vld [tilespmem:s0+$0x7710];
	_ =	sdelay $0x4  }
0xf0: {  	[tilespmem:$0x9210] =	vst v19  }
0xf1: {  	v19 =	vld [tilespmem:s0+$0x8010];
	_ =	sdelay $0x4  }
0xf2: {  	[tilespmem:$0x9290] =	vst v19  }
0xf3: {  	v19 =	vld [tilespmem:s0+$0x8910];
	_ =	sdelay $0x4  }
0xf4: {  	s15 =	simm.s32 $0x0;
	[tilespmem:$0x9310] =	vst v19  }
0xf5: {  	v19 =	vmov s15;
	[tilespmem:s22], [sflag:$0x1] =	stream.indirect.gather [hbm4b:s4+s20], $0x80, s21, s20, $0xb8;
	[tilespmem:$0x1F380] =	vst v63  }
0xf6: {  	v19 =	vand.u32 $0x7F, v19  }
0xf7: {  	v19 =	vbroadcast v19, $0x0;
	[tilespmem:s24], [sflag:$0x2] =	stream.indirect.gather [hbm4b:s5+s20], $0x80, s23, s20, $0xb8;
	[tilespmem:$0x1F380] =	vst v63  }
0xf8: {  	_ =	swait.ge [sflag:s25], $0x1000  }
0xf9: {  	v21 =	vor.u32 v1, v19;
	[sflag:s25] =	ssyncset.done $0x0  }
0xfa: {  	[sflag:s25] =	ssyncadd.s32 $0xFFFFF000  }
0xfb: {  	_ =	swait.ge [sflag:s26], $0x1000  }
0xfc: {  	[sflag:s26] =	ssyncset.done $0x0  }
0xfd: {  	s17 =	simm.s32 $0x1;
	[sflag:s26] =	ssyncadd.s32 $0xFFFFF000  }
0xfe: {  	v20 =	vmov s17;
	v22 =	vld.idx.msk [tilespmem:v21+s24+$0x0], $0xffff  }
0xff: {  	v24 =	vand.u32 $0x7F, v20;
	s0 =	simm.s32 $0x2;
	v23 =	vld.idx.msk [tilespmem:v21+s22+$0x0], $0xffff  }
.LBB2_5:
0x100: {  	p2 =	sne.s32 s0, $0x7F;
	v24 =	vbroadcast v24, $0x0;
	_ =	sdelay $0x1  }
0x101: {  	v24 =	vor.u32 v1, v24;
	_ =	sdelay $0x1  }
0x102: {  	v22 =	vmul.f32 v22, v23  }
.Ltmp5:
0x103: {  	(pc) =	sbr.rel @p2 .LBB2_5-.Ltmp5, $4  }
0x104: {  	[tilespmem:v21+s22+$0x0] =	vst.idx.msk $0xffff, v22;
	v21 =	vmov v24  }
0x105: {  	v22 =	vld.idx.msk [tilespmem:v24+s24+$0x0], $0xffff  }
0x106: {  	v25 =	vmov s0;
	v23 =	vld.idx.msk [tilespmem:v24+s22+$0x0], $0xffff  }
0x107: {  	s0 =	sadd.s32 $0x1, s0;
	v24 =	vand.u32 $0x7F, v25  }
0x108: {  	v24 =	vbroadcast v24, $0x0;
	_ =	sdelay $0x1  }
0x109: {  	v24 =	vor.u32 v1, v24;
	_ =	sdelay $0x1  }
0x10a: {  	v22 =	vmul.f32 v22, v23;
	_ =	sdelay $0x1  }
0x10b: {  	[tilespmem:v21+s22+$0x0] =	vst.idx.msk $0xffff, v22  }
0x10c: {  	v21 =	vld.idx.msk [tilespmem:v24+s24+$0x0], $0xffff  }
0x10d: {  	v22 =	vld.idx.msk [tilespmem:v24+s22+$0x0], $0xffff;
	_ =	sdelay $0x2  }
0x10e: {  	v19 =	vor.u32 v2, v19;
	_ =	sdelay $0x1  }
0x10f: {  	v21 =	vmul.f32 v21, v22;
	_ =	sdelay $0x1  }
0x110: {  	[tilespmem:v24+s22+$0x0] =	vst.idx.msk $0xffff, v21  }
0x111: {  	v21 =	vld.idx.msk [tilespmem:v19+s24+$0x0], $0xffff  }
0x112: {  	v20 =	vand.u32 $0x7F, v20;
	s0 =	simm.s32 $0x2;
	v22 =	vld.idx.msk [tilespmem:v19+s22+$0x0], $0xffff  }
.LBB2_7:
0x113: {  	p2 =	sne.s32 s0, $0x7F;
	v20 =	vbroadcast v20, $0x0;
	_ =	sdelay $0x1  }
0x114: {  	v20 =	vor.u32 v2, v20;
	_ =	sdelay $0x1  }
0x115: {  	v21 =	vmul.f32 v21, v22  }
.Ltmp6:
0x116: {  	(pc) =	sbr.rel @p2 .LBB2_7-.Ltmp6, $4  }
0x117: {  	[tilespmem:v19+s22+$0x0] =	vst.idx.msk $0xffff, v21;
	v19 =	vmov v20  }
0x118: {  	v21 =	vld.idx.msk [tilespmem:v20+s24+$0x0], $0xffff  }
0x119: {  	v23 =	vmov s0;
	v22 =	vld.idx.msk [tilespmem:v20+s22+$0x0], $0xffff  }
0x11a: {  	s0 =	sadd.s32 $0x1, s0;
	v20 =	vand.u32 $0x7F, v23  }
0x11b: {  	v20 =	vbroadcast v20, $0x0;
	_ =	sdelay $0x1  }
0x11c: {  	v20 =	vor.u32 v2, v20;
	_ =	sdelay $0x1  }
0x11d: {  	v21 =	vmul.f32 v21, v22;
	_ =	sdelay $0x1  }
0x11e: {  	[tilespmem:v19+s22+$0x0] =	vst.idx.msk $0xffff, v21  }
0x11f: {  	v19 =	vld.idx.msk [tilespmem:v20+s24+$0x0], $0xffff  }
0x120: {  	v21 =	vld.idx.msk [tilespmem:v20+s22+$0x0], $0xffff;
	_ =	sdelay $0x4  }
0x121: {  	s11 =	sadd.s32 $0x1, s11;
	v19 =	vmul.f32 v19, v21  }
0x122: {  	p2 =	sne.s32 s11, s29  }
.Ltmp7:
0x123: {  	[tilespmem:v20+s22+$0x0] =	vst.idx.msk $0xffff, v19;
	(pc) =	sbr.rel @p2 .LBB2_4-.Ltmp7, $4  }
0x124: {  	[spmem:s2] =	stream.indirect.scatter.add.f32 [tilespmem:s22], [sflag:$0x6], $0x80, s28, s20, $0xb8;
	[tilespmem:$0x1F380] =	vst v63  }
0x125: {  	_ =	swait.ge [sflag:s16], $0x1000  }
0x126: {  	[sflag:s16] =	ssyncset.done $0x0  }
0x127: {  	[sflag:s16] =	ssyncadd.s32 $0xFFFFF000  }
.Ltmp8:
0x128: {  	(pc) =	sbr.rel .LBB2_10-.Ltmp8, $2  }
0x129: {  	_ =	sdelay $0x2  }
0x12a: {  	s0 =	smov.u32 s7  }
.LBB2_11:
0x12b: {  	p2 =	slt.s32 s0, $0x1  }
0x12c: {  	s1 =	sadd.s32 @!p2 $0x1F, s0  }
0x12d: {  	s6 =	sand.u32 @!p2 $0x1F, s1  }
0x12e: {  	p3 =	slt.s32 @!p2 s1, $0x0;
	p4 =	sne.s32 @!p2 s6, $0x0  }
0x12f: {  	s6 =	sshra.s32 @!p2 s1, $0x1F;
	p3 =	por @!p2 !p3, !p4  }
0x130: {  	s6 =	sshrl.u32 @!p2 s6, $0x1B;
	p3 =	por @!p2 !p3, !p3  }
0x131: {  	s1 =	sadd.s32 @!p2 s6, s1;
	s6 =	simm.s32 @!p2 $0x1;
	p3 =	por !p3, p2  }
0x132: {  	s1 =	sshra.s32 @!p2 s1, $0x5;
	s6 =	simm.s32 @p3 $0x0  }
0x133: {  	s7 =	ssub.s32 @!p2 s1, s6  }
0x134: {  	v3 =	vimm.s32 @!p2 $0x27D8;
	p3 =	slt.s32 @!p2 s7, $0x1  }
0x135: {  	[tilespmem:s0+$0x7700] =	vst @!p2 v3;
	p3 =	por p2, p3  }
.Ltmp9:
0x136: {  	v4 =	vimm.s32 @!p2 $0x27;
	[tilespmem:s0+$0x8000] =	vst @!p2 v3;
	(pc) =	sbr.rel @p3 .LBB2_17-.Ltmp9, $4  }
0x137: {  	[tilespmem:s0+$0x8900] =	vst @!p2 v4  }
0x138: {  	[tilespmem:s0+$0x7710] =	vst @!p2 v3  }
0x139: {  	[tilespmem:s0+$0x8010] =	vst @!p2 v3  }
0x13a: {  	[tilespmem:s0+$0x8910] =	vst @!p2 v4;
	s0 =	simm.s32 @!p2 $0x0  }
.LBB2_12:
0x13b: {  	s1 =	sshll.u32 s0, $0x5  }
0x13c: {  	v3 =	vld [tilespmem:s1+$0x7700];
	_ =	sdelay $0x4  }
0x13d: {  	[tilespmem:$0x9200] =	vst v3  }
0x13e: {  	v3 =	vld [tilespmem:s1+$0x8000];
	_ =	sdelay $0x4  }
0x13f: {  	[tilespmem:$0x9280] =	vst v3  }
0x140: {  	v3 =	vld [tilespmem:s1+$0x8900];
	_ =	sdelay $0x4  }
0x141: {  	[tilespmem:$0x9300] =	vst v3  }
0x142: {  	v3 =	vld [tilespmem:s1+$0x7710];
	_ =	sdelay $0x4  }
0x143: {  	[tilespmem:$0x9210] =	vst v3  }
0x144: {  	v3 =	vld [tilespmem:s1+$0x8010];
	_ =	sdelay $0x4  }
0x145: {  	[tilespmem:$0x9290] =	vst v3  }
0x146: {  	v3 =	vld [tilespmem:s1+$0x8910];
	_ =	sdelay $0x4  }
0x147: {  	s29 =	simm.s32 $0x0;
	[tilespmem:$0x9310] =	vst v3  }
0x148: {  	v3 =	vmov s29;
	[tilespmem:s22], [sflag:$0x1] =	stream.indirect.gather [hbm4b:s4+s20], $0x80, s21, s20, $0xb8;
	[tilespmem:$0x1F380] =	vst v63  }
0x149: {  	v3 =	vand.u32 $0x7F, v3  }
0x14a: {  	v3 =	vbroadcast v3, $0x0;
	[tilespmem:s24], [sflag:$0x2] =	stream.indirect.gather [hbm4b:s5+s20], $0x80, s23, s20, $0xb8;
	[tilespmem:$0x1F380] =	vst v63  }
0x14b: {  	_ =	swait.ge [sflag:s25], $0x1000  }
0x14c: {  	v5 =	vor.u32 v1, v3;
	[sflag:s25] =	ssyncset.done $0x0  }
0x14d: {  	[sflag:s25] =	ssyncadd.s32 $0xFFFFF000  }
0x14e: {  	_ =	swait.ge [sflag:s26], $0x1000  }
0x14f: {  	[sflag:s26] =	ssyncset.done $0x0  }
0x150: {  	s31 =	simm.s32 $0x1;
	[sflag:s26] =	ssyncadd.s32 $0xFFFFF000  }
0x151: {  	v4 =	vmov s31;
	v6 =	vld.idx.msk [tilespmem:v5+s24+$0x0], $0xffff  }
0x152: {  	s11 =	simm.s32 $0x2;
	v8 =	vand.u32 $0x7F, v4;
	v7 =	vld.idx.msk [tilespmem:v5+s22+$0x0], $0xffff  }
.LBB2_13:
0x153: {  	p2 =	sne.s32 s11, $0x7F;
	v8 =	vbroadcast v8, $0x0;
	_ =	sdelay $0x1  }
0x154: {  	v8 =	vor.u32 v1, v8;
	_ =	sdelay $0x1  }
0x155: {  	v6 =	vmul.f32 v6, v7  }
.Ltmp10:
0x156: {  	(pc) =	sbr.rel @p2 .LBB2_13-.Ltmp10, $4  }
0x157: {  	[tilespmem:v5+s22+$0x0] =	vst.idx.msk $0xffff, v6;
	v5 =	vmov v8  }
0x158: {  	v6 =	vld.idx.msk [tilespmem:v8+s24+$0x0], $0xffff  }
0x159: {  	v9 =	vmov s11;
	v7 =	vld.idx.msk [tilespmem:v8+s22+$0x0], $0xffff  }
0x15a: {  	s11 =	sadd.s32 $0x1, s11;
	v8 =	vand.u32 $0x7F, v9  }
0x15b: {  	v8 =	vbroadcast v8, $0x0;
	_ =	sdelay $0x1  }
0x15c: {  	v8 =	vor.u32 v1, v8;
	_ =	sdelay $0x1  }
0x15d: {  	v6 =	vmul.f32 v6, v7;
	_ =	sdelay $0x1  }
0x15e: {  	[tilespmem:v5+s22+$0x0] =	vst.idx.msk $0xffff, v6  }
0x15f: {  	v5 =	vld.idx.msk [tilespmem:v8+s24+$0x0], $0xffff  }
0x160: {  	v6 =	vld.idx.msk [tilespmem:v8+s22+$0x0], $0xffff;
	_ =	sdelay $0x2  }
0x161: {  	v3 =	vor.u32 v2, v3;
	_ =	sdelay $0x1  }
0x162: {  	v5 =	vmul.f32 v5, v6;
	_ =	sdelay $0x1  }
0x163: {  	[tilespmem:v8+s22+$0x0] =	vst.idx.msk $0xffff, v5  }
0x164: {  	v5 =	vld.idx.msk [tilespmem:v3+s24+$0x0], $0xffff  }
0x165: {  	v4 =	vand.u32 $0x7F, v4;
	s11 =	simm.s32 $0x2;
	v6 =	vld.idx.msk [tilespmem:v3+s22+$0x0], $0xffff  }
.LBB2_15:
0x166: {  	p2 =	sne.s32 s11, $0x7F;
	v4 =	vbroadcast v4, $0x0;
	_ =	sdelay $0x1  }
0x167: {  	v4 =	vor.u32 v2, v4;
	_ =	sdelay $0x1  }
0x168: {  	v5 =	vmul.f32 v5, v6  }
.Ltmp11:
0x169: {  	(pc) =	sbr.rel @p2 .LBB2_15-.Ltmp11, $4  }
0x16a: {  	[tilespmem:v3+s22+$0x0] =	vst.idx.msk $0xffff, v5;
	v3 =	vmov v4  }
0x16b: {  	v5 =	vld.idx.msk [tilespmem:v4+s24+$0x0], $0xffff  }
0x16c: {  	v7 =	vmov s11;
	v6 =	vld.idx.msk [tilespmem:v4+s22+$0x0], $0xffff  }
0x16d: {  	s11 =	sadd.s32 $0x1, s11;
	v4 =	vand.u32 $0x7F, v7  }
0x16e: {  	v4 =	vbroadcast v4, $0x0;
	_ =	sdelay $0x1  }
0x16f: {  	v4 =	vor.u32 v2, v4;
	_ =	sdelay $0x1  }
0x170: {  	v5 =	vmul.f32 v5, v6;
	_ =	sdelay $0x1  }
0x171: {  	[tilespmem:v3+s22+$0x0] =	vst.idx.msk $0xffff, v5  }
0x172: {  	v3 =	vld.idx.msk [tilespmem:v4+s24+$0x0], $0xffff  }
0x173: {  	v5 =	vld.idx.msk [tilespmem:v4+s22+$0x0], $0xffff;
	_ =	sdelay $0x4  }
0x174: {  	s0 =	sadd.s32 $0x1, s0;
	v3 =	vmul.f32 v3, v5  }
0x175: {  	p2 =	sne.s32 s0, s7  }
.Ltmp12:
0x176: {  	[tilespmem:v4+s22+$0x0] =	vst.idx.msk $0xffff, v3;
	(pc) =	sbr.rel @p2 .LBB2_12-.Ltmp12, $4  }
0x177: {  	[spmem:s2] =	stream.indirect.scatter.add.f32 [tilespmem:s22], [sflag:$0x6], $0x80, s28, s20, $0xb8;
	[tilespmem:$0x1F380] =	vst v63  }
0x178: {  	_ =	swait.ge [sflag:s16], $0x1000  }
0x179: {  	[sflag:s16] =	ssyncset.done $0x0  }
0x17a: {  	[sflag:s16] =	ssyncadd.s32 $0xFFFFF000  }
.LBB2_17:
.Ltmp13:
0x17b: {  	(pc) =	sbr.rel @!p1 .LBB2_18-.Ltmp13, $2  }
0x17c: {  	_ =	sdelay $0x1  }
0x17d: {  	[bflag:$0x0] =	sbarrier.arrive $0xFFFF;
	_ =	sdelay $0x1  }
.Ltmp14:
0x17e: {  	(pc) =	sbr.rel @!p0 .LBB2_22-.Ltmp14, $1  }
0x17f: {  	_ =	sdelay $0x3  }
0x180: {  	s0 =	simm.s32 $0x7680;
	s1 =	simm.s32 $0x10  }
0x181: {  	[tilespmem:s24], [sflag:$0x6] =	stream.indirect.gather [hbm4b:s4+s1], $0x80, s0, s1, $0xb8;
	[tilespmem:$0x1F380] =	vst v63  }
.Ltmp15:
0x182: {  	_ = 	snop;
	(pc) =	sbr.rel .LBB2_21-.Ltmp15, $4  }
0x183: {  	_ =	swait.ge [sflag:s16], $0x800  }
0x184: {  	[sflag:s16] =	ssyncset.done $0x0  }
0x185: {  	s31 =	rddreg [dreg:$0x6];
	[sflag:s16] =	ssyncadd.s32 $0xFFFFF800  }
0x186: {  	[hbm4b:s31+s3] =	stream.linear.scatter [tilespmem:s24], [sflag:$0x6], $0x800, $0x38;
	[tilespmem:$0x1F380] =	vst v63  }
.LBB2_23:
0x187: {  	_ =	sfence.sel $0x180000  }
0x188: {  	[bflag:$0x0] =	sbarrier.arrive $0xFFFF  }
0x189: {  	_ =	strace $0x9000004A  }
0x18a: {  	[bflag:$0x2] =	sbarrier.arrive $0xFFFF  }
0x18b: {  	s0 =	rddreg [dreg:$0x4]  }
0x18c: {  	s0 =	sadd.s32 @!p1 $0x100000, s0  }
0x18d: {  	[sflag:s0] =	ssyncadd.tile.s32 @!p1 $0x1;
	_ =	shalt  }
.Lfunc_end2:
_tile_overlayer_lowered:
.L_overlay_start_2:
0x18e: {  	(tag) =	ssettag $0x2  }
0x18f: {  	s0 =	rddreg [dreg:$0x0];
	s2 =	stileid.u32  }
0x190: {  	s1 =	rddreg [dreg:$0x1];
	p0 =	sne.s32 s2, $0x0  }
0x191: {  	s3 =	rddreg [dreg:$0x2];
	[bflag:$0x3] =	sbarrier.arrive $0xFFFF;
	s2 =	simm.s32 @!p0 $0x1C06  }
0x192: {  	[timem:s3], [sflag:s2] =	dma.local @!p0 [hbm:s0], s1  }
0x193: {  	s0 =	simm.s32 @!p0 $0x6  }
0x194: {  	_ =	swait.ge @!p0 [sflag:s0], s1  }
0x195: {  	s1 =	ssub.s32 @!p0 $0x0, s1;
	[sflag:s0] =	ssyncset.done @!p0 $0x0  }
0x196: {  	[sflag:s0] =	ssyncadd.s32 @!p0 s1  }
0x197: {  	[bflag:$0x3] =	sbarrier.arrive $0xFFFF  }
0x198: {  	_ =	shalt  }

// kernel: kernel.7.cloned.1.call-start
scs
__scs_entry_jumppad:
0x0: {  	(pc) =	sbr.rel $0x88, $3  }
0x1: {  	(tag) =	ssettag $0x0;
	lr =	simm.s32 $0x1  }
0x2: {  	[smem:$0x3F8F] =	sst lr;
	_ =	strace $0xD0000000  }
0x3: {  	_ = 	snop  }
0x4: {  	_ = 	snop  }
0x5: {  	_ = 	snop  }
0x6: {  	_ = 	snop  }
0x7: {  	_ = 	snop  }
__scs_overlays_trampoline_lowered:
0x8: {  	[smem:$0x3F9E] =	sst s0  }
0x9: {  	[smem:$0x3F9F] =	sst s1  }
0xa: {  	[smem:$0x3FA0] =	sst s2  }
0xb: {  	[smem:$0x3FA1] =	sst s3  }
0xc: {  	[smem:$0x3FA2] =	sst s4  }
0xd: {  	[smem:$0x3FA3] =	sst s5  }
0xe: {  	[smem:$0x3FA4] =	sst s6  }
0xf: {  	[smem:$0x3FA5] =	sst s7  }
0x10: {  	[smem:$0x3FA6] =	sst s8  }
0x11: {  	[smem:$0x3FA7] =	sst s9;
	s0 =	simm.s32 @!p0 $0x0  }
0x12: {  	s1 =	sld [smem:$0x3F8D];
	s0 =	simm.s32 @p0 $0x1  }
0x13: {  	[smem:$0x3FA8] =	sst s0;
	s0 =	simm.s32 @!p1 $0x0  }
0x14: {  	s2 =	sld [smem:$0x3F8C];
	s0 =	simm.s32 @p1 $0x1  }
0x15: {  	[smem:$0x3FA9] =	sst s0;
	s0 =	simm.s32 @!p2 $0x0  }
0x16: {  	s3 =	sld [smem:$0x3FDB];
	s0 =	simm.s32 @p2 $0x1  }
0x17: {  	s4 =	simm.s32 $0x1BF5;
	[smem:$0x3FAB] =	sst s0  }
0x18: {  	s0 =	sld [smem:$0x3F8E];
	_ =	swait.ge [sflag:s4], $0x0  }
0x19: {  	s7 =	sld [smem:$0x3F8F]  }
0x1a: {  	s8 =	sadd.s32 $0xFFFFE003, lr  }
0x1b: {  	s9 =	sadd.s32 $0xFFFFFEF7, lr;
	s5 =	simm.s32 $0xFFFFFFFF;
	p2 =	slt.u32 s8, $0xFFFFF086  }
0x1c: {  	p1 =	slt.u32 s9, $0xF7A;
	s5 =	simm.s32 @!p2 $0x0  }
0x1d: {  	s5 =	simm.s32 @p1 $0x1;
	p0 =	seq.s32 s7, s2  }
0x1e: {  	s7 =	smul.u32 @!p0 $0xF7A, s2;
	p2 =	seq.s32 @!p0 s5, $0x0  }
0x1f: {  	s9 =	smul.u32 $0xF7A, s1;
	s8 =	simm.s32 @!p0 $0x1BF5;
	p2 =	por !p2, p0  }
0x20: {  	[sflag:s8] =	ssyncset.s32 @!p0 $0xFFFFF086;
	s6 =	sadd.s32 @!p0 s3, s7;
	s7 =	simm.s32 @!p0 $0x108  }
0x21: {  	s3 =	sadd.s32 s3, s9;
	s6 =	sadd.s32 @!p0 $0x88, s6;
	s7 =	simm.s32 @p2 $0x1082  }
0x22: {  	[simem:s7], [sflag:s8] =	dma.local @!p0 [hbm:s6], $0xF7A  }
0x23: {  	s9 =	sor.u32 $0xD0000000, s2;
	s6 =	simm.s32 $0x108;
	_ =	swait.ge @!p0 [sflag:s8], $0x0  }
0x24: {  	s3 =	sadd.s32 $0x88, s3;
	s6 =	simm.s32 @!p1 $0x1082;
	[sflag:s4] =	ssyncset.s32 $0xFFFFF086  }
0x25: {  	[simem:s6], [sflag:s4] =	dma.local [hbm:s3], $0xF7A  }
0x26: {  	[smem:$0x3F8F] =	sst s1;
	(tag) =	ssettag s2;
	_ =	strace s9  }
0x27: {  	s1 =	sld [smem:$0x3F9F]  }
0x28: {  	s2 =	sld [smem:$0x3FA0]  }
0x29: {  	s4 =	sld [smem:$0x3FA2]  }
0x2a: {  	p0 =	seq.s32 s5, $0x0;
	s5 =	sld [smem:$0x3FA3]  }
0x2b: {  	s6 =	sld [smem:$0x3FA4]  }
0x2c: {  	s7 =	sld [smem:$0x3FA5]  }
0x2d: {  	s3 =	simm.s32 $0x108;
	s8 =	sld [smem:$0x3FA6]  }
0x2e: {  	s3 =	simm.s32 @!p0 $0x1082;
	s9 =	sld [smem:$0x3FA7]  }
0x2f: {  	lr =	sadd.s32 s0, s3;
	s0 =	sld [smem:$0x3F9E]  }
0x30: {  	s3 =	sld [smem:$0x3FA1]  }
0x31: {  	[smem:$0x3FAA] =	sst s10  }
0x32: {  	s10 =	sld [smem:$0x3FA8];
	_ =	sdelay $0x3  }
0x33: {  	p0 =	seq.s32 s10, $0x1;
	s10 =	sld [smem:$0x3FAA];
	_ =	sdelay $0x3  }
0x34: {  	[smem:$0x3FAA] =	sst s10  }
0x35: {  	s10 =	sld [smem:$0x3FA9];
	_ =	sdelay $0x3  }
0x36: {  	p1 =	seq.s32 s10, $0x1;
	s10 =	sld [smem:$0x3FAA];
	_ =	sdelay $0x3  }
0x37: {  	[smem:$0x3FAA] =	sst s10  }
0x38: {  	s10 =	sld [smem:$0x3FAB]  }
0x39: {  	_ = 	snop;
	(pc) =	sbr.ind lr, $3  }
0x3a: {  	_ = 	snop  }
0x3b: {  	_ = 	snop  }
0x3c: {  	p2 =	seq.s32 s10, $0x1;
	s10 =	sld [smem:$0x3FAA]  }
0x3d: {  	_ =	shalt  }
0x3e: {  	_ =	shalt  }
0x3f: {  	_ =	shalt  }
0x40: {  	_ =	shalt  }
0x41: {  	_ =	shalt  }
0x42: {  	_ =	shalt  }
0x43: {  	_ =	shalt  }
0x44: {  	_ =	shalt  }
0x45: {  	_ =	shalt  }
0x46: {  	_ =	shalt  }
0x47: {  	_ =	shalt  }
0x48: {  	_ =	shalt  }
0x49: {  	_ =	shalt  }
0x4a: {  	_ =	shalt  }
0x4b: {  	_ =	shalt  }
0x4c: {  	_ =	shalt  }
0x4d: {  	_ =	shalt  }
0x4e: {  	_ =	shalt  }
0x4f: {  	_ =	shalt  }
0x50: {  	_ =	shalt  }
0x51: {  	_ =	shalt  }
0x52: {  	_ =	shalt  }
0x53: {  	_ =	shalt  }
0x54: {  	_ =	shalt  }
0x55: {  	_ =	shalt  }
0x56: {  	_ =	shalt  }
0x57: {  	_ =	shalt  }
0x58: {  	_ =	shalt  }
0x59: {  	_ =	shalt  }
0x5a: {  	_ =	shalt  }
0x5b: {  	_ =	shalt  }
0x5c: {  	_ =	shalt  }
0x5d: {  	_ =	shalt  }
0x5e: {  	_ =	shalt  }
0x5f: {  	_ =	shalt  }
0x60: {  	_ =	shalt  }
0x61: {  	_ =	shalt  }
0x62: {  	_ =	shalt  }
0x63: {  	_ =	shalt  }
0x64: {  	_ =	shalt  }
0x65: {  	_ =	shalt  }
0x66: {  	_ =	shalt  }
0x67: {  	_ =	shalt  }
0x68: {  	_ =	shalt  }
0x69: {  	_ =	shalt  }
0x6a: {  	_ =	shalt  }
0x6b: {  	_ =	shalt  }
0x6c: {  	_ =	shalt  }
0x6d: {  	_ =	shalt  }
0x6e: {  	_ =	shalt  }
0x6f: {  	_ =	shalt  }
0x70: {  	_ =	shalt  }
0x71: {  	_ =	shalt  }
0x72: {  	_ =	shalt  }
0x73: {  	_ =	shalt  }
0x74: {  	_ =	shalt  }
0x75: {  	_ =	shalt  }
0x76: {  	_ =	shalt  }
0x77: {  	_ =	shalt  }
0x78: {  	_ =	shalt  }
0x79: {  	_ =	shalt  }
0x7a: {  	_ =	shalt  }
0x7b: {  	_ =	shalt  }
0x7c: {  	_ =	shalt  }
0x7d: {  	_ =	shalt  }
0x7e: {  	_ =	shalt  }
0x7f: {  	_ =	shalt  }
0x80: {  	_ =	shalt  }
0x81: {  	_ =	shalt  }
0x82: {  	_ =	shalt  }
0x83: {  	_ =	shalt  }
0x84: {  	_ =	shalt  }
0x85: {  	_ =	shalt  }
0x86: {  	_ =	shalt  }
0x87: {  	_ =	shalt  }
.Lfunc_end0:
.L_simem_size_0:
called_computation_lowered:
.L_overlay_start_0:
0x88: {  	s2 =	sld [smem:$0x3FD9]  }
0x89: {  	s3 =	sld [smem:$0x3FFE];
	_ =	sdelay $0x1  }
0x8a: {  	s1 =	srdreg.scid  }
0x8b: {  	s0 =	sand.u32 $0x1, s1  }
0x8c: {  	s17 =	sshll.u32 s0, $0xA;
	s2 =	sadd.s32 s3, s2  }
0x8d: {  	s2 =	sadd.s32 s2, s17  }
0x8e: {  	[smem:$0x3FB6] =	sst s2  }
0x8f: {  	_ = 	snop  }
0x90: {  	s2 =	sld [smem:$0x3FC8];
	(tm) =	ssettm $0x1  }
0x91: {  	s18 =	sld [smem:$0x3FFB];
	_ =	sdelay $0x3  }
0x92: {  	_ =	strace s18  }
0x93: {  	s3 =	sld [smem:$0x3FFC];
	_ =	sdelay $0x3  }
0x94: {  	_ =	strace s3  }
0x95: {  	s3 =	sld [smem:$0x3FFD];
	_ =	sdelay $0x3  }
0x96: {  	_ =	strace s3  }
0x97: {  	_ =	strace $0x8FFFFFFF  }
0x98: {  	s19 =	sld [smem:$0x3FDB];
	_ =	sdelay $0x1  }
0x99: {  	s4 =	simm.s32 $_scs_section_size  }
0x9a: {  	s5 =	simm.s32 $_size__tile_overlayer_lowered;
	s6 =	simm.s32 $_tile_overlayer_lowered  }
0x9b: {  	s22 =	simm.s32 $0x1BFF;
	s21 =	sshll.u32 s6, $0x1;
	s3 =	sadd.s32 s4, s19  }
0x9c: {  	s7 =	simm.s32 $0x0;
	s20 =	sshll.u32 s5, $0x1;
	s5 =	sadd.s32 s21, s3  }
0x9d: {  	[timem:s7], [sflag:s22] =	dma.local [hbm:s5], s20  }
0x9e: {  	_ =	swait.ge [sflag:s22], s20  }
0x9f: {  	s4 =	ssub.s32 $0x0, s20;
	[sflag:s22] =	ssyncset.done $0x0  }
0xa0: {  	[sflag:s22] =	ssyncadd.s32 s4;
	_ =	sdelay $0x1  }
0xa1: {  	s23 =	simm.s32 $0x1B8B  }
0xa2: {  	_ =	swait.ge [sflag:s23], $0x1  }
0xa3: {  	[sflag:s23] =	ssyncset.done $0x0  }
0xa4: {  	s25 =	simm.s32 $0x1B8E;
	s24 =	sld [smem:$0x3FFE];
	[sflag:s23] =	ssyncadd.s32 $0xFFFFFFFF  }
0xa5: {  	s26 =	simm.s32 $execute0_lowered;
	[smem:$0x3FD2] =	sst s25  }
0xa6: {  	s5 =	sshll.u32 s26, $0x1;
	_ =	strace $0x80000046;
	[dreg:$0x1] =	wrdreg $0xFFFFFFFF  }
0xa7: {  	s28 =	simm.s32 $_size_execute0_lowered;
	s3 =	sadd.s32 s3, s5;
	[dreg:$0x0] =	wrdreg $0x0  }
0xa8: {  	s5 =	sshll.u32 s28, $0x1;
	[dreg:$0x2] =	wrdreg s3  }
0xa9: {  	[dreg:$0x3] =	wrdreg s5  }
0xaa: {  	[dreg:$0x4] =	wrdreg $0xC0  }
0xab: {  	_ =	task [dreg:s7], $0x5FFFF  }
0xac: {  	[dreg:$0x1] =	wrdreg $0xFFFFFFFF  }
0xad: {  	[dreg:$0x0] =	wrdreg $0x60  }
0xae: {  	[dreg:$0x2] =	wrdreg s24  }
0xaf: {  	[dreg:$0x3] =	wrdreg s2  }
0xb0: {  	[dreg:$0x4] =	wrdreg $0x9A000  }
0xb1: {  	[dreg:$0x5] =	wrdreg $0x9  }
0xb2: {  	_ =	task.clear_ibuf [dreg:s7], $0x6FFFF;
	_ =	strace $0x90000046  }
0xb3: {  	s29 =	simm.s32 $0x9;
	_ =	strace $0x80000048  }
0xb4: {  	_ =	swait.ge [sflag:s29], $0x1  }
0xb5: {  	[sflag:s29] =	ssyncadd.s32 $0xFFFFFFFF  }
0xb6: {  	_ =	strace $0x90000048  }
0xb7: {  	_ =	sfence  }
0xb8: {  	s30 =	sld [smem:$0x0];
	_ =	sdelay $0x2  }
0xb9: {  	s31 =	sshll.u32 s1, $0xD;
	s1 =	sshrl.u32 s1, $0x2  }
0xba: {  	s3 =	sand.u32 $0x4000, s31;
	s1 =	sadd.s32 s1, s30  }
0xbb: {  	s0 =	sor.u32 s3, s0;
	s1 =	sshll.u32 s1, $0x11  }
0xbc: {  	s0 =	sor.u32 s1, s0  }
0xbd: {  	s0 =	sadd.s32 $0x8F2B, s0  }
0xbe: {  	[sflag:s0] =	ssyncadd.remote.s32 $0x1  }
0xbf: {  	_ =	sfence.sel $0xFFFF  }
0xc0: {  	[dreg:$0x0] =	wrdreg $0xFFFFFFFF;
	(pc) =	sbr.abs _section_cstart, $3  }
0xc1: {  	[dreg:$0x1] =	wrdreg $0xFFFFFFFF  }
0xc2: {  	_ =	task.clear_ibuf [dreg:s7], $0x2FFFF;
	_ =	strace $0x9FFFFFFF  }
0xc3: {  	(tm) =	ssettm $0x7FFFFFFF  }
tec
execute0_lowered:
.L_overlay_start_1:
0x0: {  	(tag) =	ssettag $0x1  }
0x1: {  	s0 =	rddreg [dreg:$0x0]  }
0x2: {  	s1 =	rddreg [dreg:$0x1];
	s15 =	stileid.u32  }
0x3: {  	s3 =	srdreg.scid;
	s2 =	rddreg [dreg:$0x2];
	s17 =	simm.s32 $0x7680  }
0x4: {  	s18 =	simm.s32 $0x5;
	s19 =	simm.s32 $0x4;
	s20 =	simm.s32 $0x1  }
0x5: {  	s21 =	simm.s32 $0x2;
	s22 =	simm.s32 $0x3;
	s4 =	smul.u32 $0x2710, s15  }
0x6: {  	s23 =	simm.s32 $0x20;
	s26 =	simm.s32 $0x8900;
	s7 =	smul.u32 $0x14000, s15  }
0x7: {  	s28 =	simm.s32 $0x0;
	s9 =	sand.u32 $0x1, s3;
	s12 =	smul.u32 $0x50000, s15  }
0x8: {  	s3 =	simm.s32 $0x0;
	s5 =	sadd.s32 $0xCE00, s0;
	s6 =	smul.u32 $0x140000, s9  }
0x9: {  	[smem:$0x7FF] =	sst s3;
	s11 =	ssub.s32 $0x2, s9;
	p0 =	seq.s32 s9, $0x0  }
0xa: {  	s25 =	sshll.u32 s9, $0x4;
	s24 =	sor.u32 s15, s9;
	s8 =	sshrl.u32 s4, $0x3  }
0xb: {  	_ =	strace $0x80000047;
	s4 =	sadd.s32 $0xD600, s0;
	s30 =	sshrl.u32 s11, $0x1  }
0xc: {  	s31 =	sshrl.u32 s12, $0x2;
	v0 =	vmov s25;
	s25 =	simm.s32 $0x8A00;
	s10 =	sadd.s32 s8, s0  }
0xd: {  	s7 =	sadd.s32 s7, s6;
	s6 =	sadd.s32 $0xD800, s0;
	s13 =	ssub.s32 s11, s30  }
0xe: {  	s8 =	sadd.s32 s1, s8;
	s1 =	sadd.s32 s31, s2;
	s11 =	sshll.u32 s15, $0x6  }
.Ltmp0:
0xf: {  	s15 =	simm.s32 $0x4F00;
	s7 =	sshrl.u32 s7, $0x3;
	(pc) =	sbr.rel .LBB2_1-.Ltmp0, $4  }
0x10: {  	s14 =	sadd.s32 $0x7E20, s10;
	s12 =	smax.u32 s13, $0x1;
	s13 =	sor.u32 $0x1C04, s11  }
0x11: {  	s0 =	sadd.s32 s7, s0;
	s7 =	sadd.s32 $0x3000, s10;
	s9 =	smov.u32 s14  }
0x12: {  	s16 =	sshrl.u32 s1, $0x3;
	s10 =	sadd.s32 $0x10000, s0;
	s9 =	smov.u32 @p0 s7  }
0x13: {  	s7 =	smov.u32 @p0 s14;
	p0 =	sne.s32 s24, $0x0;
	s24 =	simm.s32 $0x8980  }
.LBB2_10:
0x14: {  	[sflag:s18] =	ssyncadd.s32 $0xFFFFF000  }
.LBB2_11:
0x15: {  	s28 =	sadd.s32 $0x1, s28  }
0x16: {  	p1 =	sne.s32 s28, s12  }
.Ltmp1:
0x17: {  	[bflag:$0x0] =	sbarrier.arrive $0xFFFF;
	s0 =	sor.u32 $0x1C05, s11;
	(pc) =	sbr.rel @!p1 .LBB2_12-.Ltmp1, $4  }
0x18: {  	[hbm:s10], [sflag:s0] =	dma.local [spmem:s16], $0x2800  }
0x19: {  	_ =	swait.ge [sflag:s18], $0x2800  }
0x1a: {  	[sflag:s18] =	ssyncset.done $0x0  }
0x1b: {  	[sflag:s18] =	ssyncadd.s32 $0xFFFFD800  }
.LBB2_1:
0x1c: {  	[tilespmem:s3], [sflag:$0x1] =	stream.linear.gather [hbm4b:s9+s3], $0x2710, $0x38;
	[tilespmem:$0x1DA00] =	vst v63  }
0x1d: {  	s0 =	simm.s32 $0x2780  }
0x1e: {  	[tilespmem:s0], [sflag:$0x2] =	stream.linear.gather [hbm4b:s7+s3], $0x2710, $0x38;
	[tilespmem:$0x1DA00] =	vst v63  }
0x1f: {  	_ = 	snop  }
0x20: {  	[tilespmem:s15], [sflag:$0x3] =	stream.linear.gather [hbm4b:s8+s3], $0x2710, $0x38;
	[tilespmem:$0x1DA00] =	vst v63  }
0x21: {  	[spmem:s16], [sflag:s13] =	dma.local [hbm:s6], $0x2800  }
0x22: {  	[tilespmem:s17], [sflag:$0x5] =	stream.linear.gather [hbm4b:s4+s3], $0x80, $0x38;
	[tilespmem:$0x1DA00] =	vst v63  }
0x23: {  	_ =	swait.ge [sflag:s18], $0x80  }
0x24: {  	[sflag:s18] =	ssyncset.done $0x0  }
0x25: {  	[sflag:s18] =	ssyncadd.s32 $0xFFFFFF80  }
0x26: {  	_ =	swait.ge [sflag:s19], $0x2800  }
0x27: {  	[sflag:s19] =	ssyncset.done $0x0  }
0x28: {  	[sflag:s19] =	ssyncadd.s32 $0xFFFFD800  }
0x29: {  	[bflag:$0x0] =	sbarrier.arrive $0xFFFF  }
0x2a: {  	_ =	swait.ge [sflag:s20], $0x2710  }
0x2b: {  	[sflag:s20] =	ssyncset.done $0x0  }
0x2c: {  	[sflag:s20] =	ssyncadd.s32 $0xFFFFD8F0  }
0x2d: {  	_ =	swait.ge [sflag:s21], $0x2710  }
0x2e: {  	[sflag:s21] =	ssyncset.done $0x0  }
.Ltmp2:
0x2f: {  	[sflag:s21] =	ssyncadd.s32 $0xFFFFD8F0;
	(pc) =	sbr.rel .LBB2_2-.Ltmp2, $4  }
0x30: {  	_ =	swait.ge [sflag:s22], $0x2710  }
0x31: {  	[sflag:s22] =	ssyncset.done $0x0  }
0x32: {  	[sflag:s22] =	ssyncadd.s32 $0xFFFFD8F0  }
0x33: {  	s30 =	simm.s32 $0x0;
	s29 =	simm.s32 $0x0;
	v1 =	vld [tilespmem:$0x7680]  }
.LBB2_13:
0x34: {  	s1 =	smov.u32 @p1 s30  }
0x35: {  	s1 =	simm.s32 @!p2 $0x0  }
0x36: {  	s30 =	smov.u32 s1  }
.LBB2_6:
0x37: {  	s29 =	sadd.s32 $0x1, s29  }
0x38: {  	p1 =	sne.s32 s29, $0x7D  }
.Ltmp3:
0x39: {  	_ = 	snop;
	(pc) =	sbr.rel @!p1 .LBB2_7-.Ltmp3, $1  }
0x3a: {  	_ =	sdelay $0x3  }
.LBB2_2:
0x3b: {  	s31 =	smul.u32 $0x50, s29;
	_ =	sdelay $0x1  }
0x3c: {  	v2 =	vld [tilespmem:s31+$0x0]  }
0x3d: {  	v3 =	vld [tilespmem:s31+$0x10]  }
0x3e: {  	v4 =	vld [tilespmem:s31+$0x20]  }
0x3f: {  	v5 =	vld [tilespmem:s31+$0x30]  }
0x40: {  	v6 =	vld [tilespmem:s31+$0x40];
	_ =	sdelay $0x1  }
0x41: {  	vm0 =	veq.s32 v2, v1;
	vm1 =	veq.s32 v3, v1  }
0x42: {  	vm2 =	veq.s32 v4, v1;
	vm0 =	vmor vm0, vm1  }
0x43: {  	vm14 =	veq.s32 v5, v1;
	vm0 =	vmor vm0, vm2  }
0x44: {  	vm15 =	veq.s32 v6, v1;
	vm0 =	vmor vm0, vm14  }
0x45: {  	vm0 =	vmor vm0, vm15  }
0x46: {  	v7 =	vmpcnt.ones.xlane vm0;
	_ =	sdelay $0x1  }
0x47: {  	(v2sf) =	vpush v7, $0x0;
	_ =	sdelay $0xe  }
0x48: {  	s0 =	spop (v2sf)  }
0x49: {  	p1 =	slt.s32 s0, $0x1  }
0x4a: {  	vm0 =	veq.s32 @!p1 v2, v1  }
0x4b: {  	v2 =	vmpcnt.ones.xlane @!p1 vm0;
	_ =	sdelay $0x1  }
0x4c: {  	(v2sf) =	vpush @!p1 v2, $0x0;
	_ =	sdelay $0x3  }
0x4d: {  	v7 =	vld @!p1 [tilespmem:s31+$0x4F00]  }
0x4e: {  	v2 =	vld @!p1 [tilespmem:s31+$0x2780]  }
0x4f: {  	vm2 =	veq.s32 @!p1 v3, v1  }
0x50: {  	v3 =	vmpcnt.ones.xlane @!p1 vm2;
	_ =	sdelay $0x1  }
0x51: {  	(v2sf) =	vpush @!p1 v3, $0x0  }
0x52: {  	v3 =	vadd.s32 @!p1 v0, v7;
	[tilespmem:s30+$0x7700] =	vst.msk @!p1 vm0, v2  }
0x53: {  	s0 =	sadd.s32 $0x10, s31;
	[tilespmem:s30+$0x8000] =	vst.msk @!p1 vm0, v3  }
0x54: {  	vm3 =	veq.s32 @!p1 v4, v1;
	v2 =	vld @!p1 [tilespmem:s0+$0x2780]  }
0x55: {  	vm1 =	veq.s32 @!p1 v5, v1;
	v4 =	vmpcnt.ones.xlane @!p1 vm3;
	v3 =	vld @!p1 [tilespmem:s0+$0x4F00]  }
0x56: {  	v5 =	vmpcnt.ones.xlane @!p1 vm1;
	vm0 =	veq.s32 @!p1 v6, v1  }
0x57: {  	s0 =	spop @!p1 (v2sf);
	(v2sf) =	vpush @!p1 v4, $0x0;
	v4 =	vmpcnt.ones.xlane @!p1 vm0  }
0x58: {  	(v2sf) =	vpush @!p1 v5, $0x0  }
0x59: {  	s0 =	sadd.s32 @!p1 s30, s0;
	(v2sf) =	vpush @!p1 v4, $0x0  }
0x5a: {  	v3 =	vadd.s32 @!p1 v0, v3;
	[tilespmem:s0+$0x7700] =	vst.msk @!p1 vm2, v2  }
0x5b: {  	s1 =	sadd.s32 $0x20, s31;
	[tilespmem:s0+$0x8000] =	vst.msk @!p1 vm2, v3  }
0x5c: {  	v2 =	vld @!p1 [tilespmem:s1+$0x2780]  }
0x5d: {  	v3 =	vld @!p1 [tilespmem:s1+$0x4F00];
	_ =	sdelay $0x2  }
0x5e: {  	s1 =	spop @!p1 (v2sf)  }
0x5f: {  	s0 =	sadd.s32 @!p1 s0, s1  }
0x60: {  	v3 =	vadd.s32 @!p1 v0, v3;
	[tilespmem:s0+$0x7700] =	vst.msk @!p1 vm3, v2  }
0x61: {  	s1 =	sadd.s32 $0x30, s31;
	[tilespmem:s0+$0x8000] =	vst.msk @!p1 vm3, v3  }
0x62: {  	v2 =	vld @!p1 [tilespmem:s1+$0x2780]  }
0x63: {  	v3 =	vld @!p1 [tilespmem:s1+$0x4F00]  }
0x64: {  	s1 =	spop @!p1 (v2sf)  }
0x65: {  	s14 =	spop @!p1 (v2sf);
	s0 =	sadd.s32 @!p1 s0, s1  }
0x66: {  	s14 =	sadd.s32 @!p1 s0, s14;
	s1 =	spop @!p1 (v2sf)  }
0x67: {  	s1 =	sadd.s32 @!p1 s14, s1  }
0x68: {  	v3 =	vadd.s32 @!p1 v0, v3;
	[tilespmem:s0+$0x7700] =	vst.msk @!p1 vm1, v2;
	p2 =	slt.s32 @!p1 s1, $0x800  }
0x69: {  	s31 =	sadd.s32 $0x40, s31;
	[tilespmem:s0+$0x8000] =	vst.msk @!p1 vm1, v3;
	p2 =	por p1, p2  }
0x6a: {  	v2 =	vld @!p1 [tilespmem:s31+$0x2780];
	s0 =	sadd.s32 @!p2 $0x1F, s1  }
0x6b: {  	v3 =	vld @!p1 [tilespmem:s31+$0x4F00];
	s31 =	sand.u32 @!p2 $0x1F, s0  }
0x6c: {  	p3 =	slt.s32 @!p2 s0, $0x0;
	p4 =	sne.s32 @!p2 s31, $0x0  }
0x6d: {  	s31 =	sshra.s32 @!p2 s0, $0x1F;
	p3 =	por @!p2 !p3, !p4  }
0x6e: {  	s31 =	sshrl.u32 @!p2 s31, $0x1B;
	p3 =	por @!p2 !p3, !p3  }
0x6f: {  	s0 =	sadd.s32 @!p2 s31, s0;
	s31 =	simm.s32 @!p2 $0x1;
	p3 =	por !p3, p2  }
0x70: {  	s0 =	sshra.s32 @!p2 s0, $0x5;
	s31 =	simm.s32 @p3 $0x0  }
0x71: {  	s0 =	ssub.s32 @!p2 s0, s31  }
0x72: {  	p3 =	slt.s32 @!p2 s0, $0x1  }
0x73: {  	v3 =	vadd.s32 @!p1 v0, v3;
	[tilespmem:s14+$0x7700] =	vst.msk @!p1 vm0, v2;
	p3 =	por p2, p3  }
.Ltmp4:
0x74: {  	v2 =	vimm.s32 @!p2 $0x27D8;
	[tilespmem:s14+$0x8000] =	vst.msk @!p1 vm0, v3;
	(pc) =	sbr.rel @p3 .LBB2_13-.Ltmp4, $4  }
0x75: {  	v3 =	vimm.s32 @!p2 $0x27;
	[tilespmem:s1+$0x7700] =	vst @!p2 v2  }
0x76: {  	[tilespmem:s1+$0x8000] =	vst @!p2 v3  }
0x77: {  	[tilespmem:s1+$0x7710] =	vst @!p2 v2  }
0x78: {  	[tilespmem:s1+$0x8010] =	vst @!p2 v3  }
0x79: {  	s31 =	simm.s32 @!p2 $0x7710  }
0x7a: {  	v2 =	vld [tilespmem:s31+$0xFFFFFFF0];
	_ =	sdelay $0x4  }
0x7b: {  	s30 =	simm.s32 @!p2 $0x8010;
	[tilespmem:$0x8900] =	vst v2  }
0x7c: {  	v2 =	vld [tilespmem:s30+$0xFFFFFFF0];
	_ =	sdelay $0x4  }
0x7d: {  	[tilespmem:$0x8980] =	vst v2  }
0x7e: {  	v2 =	vld [tilespmem:s31+$0x0];
	_ =	sdelay $0x4  }
0x7f: {  	[tilespmem:$0x8910] =	vst v2  }
0x80: {  	v2 =	vld [tilespmem:s30+$0x0];
	_ =	sdelay $0x4  }
0x81: {  	[tilespmem:$0x8990] =	vst v2  }
0x82: {  	[tilespmem:s25], [sflag:$0x5] =	stream.indirect.gather [hbm4b:s5+s23], $0x80, s24, s23, $0xb8;
	[tilespmem:$0x1DA00] =	vst v63  }
0x83: {  	p1 =	sne.s32 s0, $0x1;
	_ =	swait.ge [sflag:s18], $0x1000  }
.Ltmp5:
0x84: {  	[sflag:s18] =	ssyncset.done $0x0;
	(pc) =	sbr.rel @!p1 .LBB2_5-.Ltmp5, $4  }
0x85: {  	[sflag:s18] =	ssyncadd.s32 $0xFFFFF000  }
0x86: {  	[spmem:s2] =	stream.indirect.scatter.add.f32 [tilespmem:s25], [sflag:$0x5], $0x80, s26, s23, $0xb8;
	[tilespmem:$0x1DA00] =	vst v63  }
0x87: {  	_ =	swait.ge [sflag:s18], $0x1000  }
0x88: {  	s1 =	sadd.s32 $0xFFFFFFFF, s0;
	[sflag:s18] =	ssyncset.done $0x0  }
.LBB2_4:
0x89: {  	[sflag:s18] =	ssyncadd.s32 $0xFFFFF000;
	s30 =	sadd.s32 $0x20, s30;
	s31 =	sadd.s32 $0x20, s31  }
0x8a: {  	p1 =	sne.s32 s1, $0x1;
	s1 =	sadd.s32 $0xFFFFFFFF, s1;
	v2 =	vld [tilespmem:s31+$0xFFFFFFF0];
	_ =	sdelay $0x4  }
0x8b: {  	[tilespmem:$0x8900] =	vst v2  }
0x8c: {  	v2 =	vld [tilespmem:s30+$0xFFFFFFF0];
	_ =	sdelay $0x4  }
0x8d: {  	[tilespmem:$0x8980] =	vst v2  }
0x8e: {  	v2 =	vld [tilespmem:s31+$0x0];
	_ =	sdelay $0x4  }
0x8f: {  	[tilespmem:$0x8910] =	vst v2  }
0x90: {  	v2 =	vld [tilespmem:s30+$0x0];
	_ =	sdelay $0x4  }
0x91: {  	[tilespmem:$0x8990] =	vst v2  }
0x92: {  	[tilespmem:s25], [sflag:$0x5] =	stream.indirect.gather [hbm4b:s5+s23], $0x80, s24, s23, $0xb8;
	[tilespmem:$0x1DA00] =	vst v63  }
0x93: {  	_ =	swait.ge [sflag:s18], $0x1000  }
.Ltmp6:
0x94: {  	[sflag:s18] =	ssyncset.done $0x0;
	(pc) =	sbr.rel @p1 .LBB2_4-.Ltmp6, $4  }
0x95: {  	[sflag:s18] =	ssyncadd.s32 $0xFFFFF000  }
0x96: {  	[spmem:s2] =	stream.indirect.scatter.add.f32 [tilespmem:s25], [sflag:$0x5], $0x80, s26, s23, $0xb8;
	[tilespmem:$0x1DA00] =	vst v63  }
0x97: {  	_ =	swait.ge [sflag:s18], $0x1000  }
0x98: {  	[sflag:s18] =	ssyncset.done $0x0  }
.LBB2_5:
.Ltmp7:
0x99: {  	(pc) =	sbr.rel .LBB2_6-.Ltmp7, $2  }
0x9a: {  	_ =	sdelay $0x2  }
0x9b: {  	[sflag:s18] =	ssyncadd.s32 $0xFFFFF000;
	s30 =	simm.s32 $0x0  }
.LBB2_7:
0x9c: {  	s1 =	sadd.s32 @!p0 $0x1, s30  }
0x9d: {  	s1 =	smov.u32 @p0 s30  }
0x9e: {  	p1 =	slt.s32 s1, $0x1  }
0x9f: {  	s0 =	sadd.s32 @!p1 $0x1F, s1  }
0xa0: {  	s14 =	sand.u32 @!p1 $0x1F, s0  }
0xa1: {  	p2 =	slt.s32 @!p1 s0, $0x0;
	p3 =	sne.s32 @!p1 s14, $0x0  }
0xa2: {  	s14 =	sshra.s32 @!p1 s0, $0x1F;
	p2 =	por @!p1 !p2, !p3  }
0xa3: {  	s14 =	sshrl.u32 @!p1 s14, $0x1B;
	p2 =	por @!p1 !p2, !p2  }
0xa4: {  	s0 =	sadd.s32 @!p1 s14, s0;
	s14 =	simm.s32 @!p1 $0x1;
	p2 =	por !p2, p1  }
0xa5: {  	s0 =	sshra.s32 @!p1 s0, $0x5;
	s14 =	simm.s32 @p2 $0x0  }
0xa6: {  	s0 =	ssub.s32 @!p1 s0, s14  }
0xa7: {  	p2 =	slt.s32 @!p1 s0, $0x1  }
0xa8: {  	[tilespmem:s30+$0x7700] =	vst.msk @!p0 $0x1, v1;
	v1 =	vimm.s32 @!p0 $0x20;
	p2 =	por p1, p2  }
.Ltmp8:
0xa9: {  	[tilespmem:s30+$0x8000] =	vst.msk @!p0 $0x1, v1;
	v1 =	vimm.s32 @!p1 $0x27D8;
	(pc) =	sbr.rel @p2 .LBB2_11-.Ltmp8, $4  }
0xaa: {  	v2 =	vimm.s32 @!p1 $0x27;
	[tilespmem:s1+$0x7700] =	vst @!p1 v1  }
0xab: {  	[tilespmem:s1+$0x8000] =	vst @!p1 v2  }
0xac: {  	[tilespmem:s1+$0x7710] =	vst @!p1 v1  }
0xad: {  	[tilespmem:s1+$0x8010] =	vst @!p1 v2  }
0xae: {  	s29 =	simm.s32 @!p1 $0x7710  }
0xaf: {  	v1 =	vld [tilespmem:s29+$0xFFFFFFF0];
	_ =	sdelay $0x4  }
0xb0: {  	s30 =	simm.s32 @!p1 $0x8010;
	[tilespmem:$0x8900] =	vst v1  }
0xb1: {  	v1 =	vld [tilespmem:s30+$0xFFFFFFF0];
	_ =	sdelay $0x4  }
0xb2: {  	[tilespmem:$0x8980] =	vst v1  }
0xb3: {  	v1 =	vld [tilespmem:s29+$0x0];
	_ =	sdelay $0x4  }
0xb4: {  	[tilespmem:$0x8910] =	vst v1  }
0xb5: {  	v1 =	vld [tilespmem:s30+$0x0];
	_ =	sdelay $0x4  }
0xb6: {  	[tilespmem:$0x8990] =	vst v1  }
0xb7: {  	[tilespmem:s25], [sflag:$0x5] =	stream.indirect.gather [hbm4b:s5+s23], $0x80, s24, s23, $0xb8;
	[tilespmem:$0x1DA00] =	vst v63  }
0xb8: {  	p1 =	sne.s32 s0, $0x1;
	_ =	swait.ge [sflag:s18], $0x1000  }
.Ltmp9:
0xb9: {  	[sflag:s18] =	ssyncset.done $0x0;
	(pc) =	sbr.rel @!p1 .LBB2_10-.Ltmp9, $4  }
0xba: {  	[sflag:s18] =	ssyncadd.s32 $0xFFFFF000  }
0xbb: {  	[spmem:s2] =	stream.indirect.scatter.add.f32 [tilespmem:s25], [sflag:$0x5], $0x80, s26, s23, $0xb8;
	[tilespmem:$0x1DA00] =	vst v63  }
0xbc: {  	_ =	swait.ge [sflag:s18], $0x1000  }
0xbd: {  	s31 =	sadd.s32 $0xFFFFFFFF, s0;
	[sflag:s18] =	ssyncset.done $0x0  }
.LBB2_9:
0xbe: {  	[sflag:s18] =	ssyncadd.s32 $0xFFFFF000;
	s30 =	sadd.s32 $0x20, s30;
	s29 =	sadd.s32 $0x20, s29  }
0xbf: {  	p1 =	sne.s32 s31, $0x1;
	s31 =	sadd.s32 $0xFFFFFFFF, s31;
	v1 =	vld [tilespmem:s29+$0xFFFFFFF0];
	_ =	sdelay $0x4  }
0xc0: {  	[tilespmem:$0x8900] =	vst v1  }
0xc1: {  	v1 =	vld [tilespmem:s30+$0xFFFFFFF0];
	_ =	sdelay $0x4  }
0xc2: {  	[tilespmem:$0x8980] =	vst v1  }
0xc3: {  	v1 =	vld [tilespmem:s29+$0x0];
	_ =	sdelay $0x4  }
0xc4: {  	[tilespmem:$0x8910] =	vst v1  }
0xc5: {  	v1 =	vld [tilespmem:s30+$0x0];
	_ =	sdelay $0x4  }
0xc6: {  	[tilespmem:$0x8990] =	vst v1  }
0xc7: {  	[tilespmem:s25], [sflag:$0x5] =	stream.indirect.gather [hbm4b:s5+s23], $0x80, s24, s23, $0xb8;
	[tilespmem:$0x1DA00] =	vst v63  }
0xc8: {  	_ =	swait.ge [sflag:s18], $0x1000  }
.Ltmp10:
0xc9: {  	[sflag:s18] =	ssyncset.done $0x0;
	(pc) =	sbr.rel @p1 .LBB2_9-.Ltmp10, $4  }
0xca: {  	[sflag:s18] =	ssyncadd.s32 $0xFFFFF000  }
0xcb: {  	[spmem:s2] =	stream.indirect.scatter.add.f32 [tilespmem:s25], [sflag:$0x5], $0x80, s26, s23, $0xb8;
	[tilespmem:$0x1DA00] =	vst v63  }
0xcc: {  	_ =	swait.ge [sflag:s18], $0x1000  }
0xcd: {  	[sflag:s18] =	ssyncset.done $0x0  }
.Ltmp11:
0xce: {  	_ = 	snop;
	(pc) =	sbr.rel .LBB2_10-.Ltmp11, $1  }
0xcf: {  	_ =	sdelay $0x3  }
.LBB2_12:
0xd0: {  	_ =	sfence.sel $0x180000  }
0xd1: {  	[bflag:$0x0] =	sbarrier.arrive $0xFFFF  }
0xd2: {  	_ =	strace $0x90000047  }
0xd3: {  	s0 =	stileid.u32;
	[bflag:$0x2] =	sbarrier.arrive $0xFFFF  }
0xd4: {  	p0 =	sne.s32 s0, $0x0;
	s0 =	rddreg [dreg:$0x3]  }
0xd5: {  	s0 =	sadd.s32 @!p0 $0x100000, s0  }
0xd6: {  	[sflag:s0] =	ssyncadd.tile.s32 @!p0 $0x1;
	_ =	shalt  }
.Lfunc_end2:
_tile_overlayer_lowered:
.L_overlay_start_2:
0xd7: {  	(tag) =	ssettag $0x2  }
0xd8: {  	s0 =	rddreg [dreg:$0x0];
	s2 =	stileid.u32  }
0xd9: {  	s1 =	rddreg [dreg:$0x1];
	p0 =	sne.s32 s2, $0x0  }
0xda: {  	s3 =	rddreg [dreg:$0x2];
	[bflag:$0x3] =	sbarrier.arrive $0xFFFF;
	s2 =	simm.s32 @!p0 $0x1C05  }
0xdb: {  	[timem:s3], [sflag:s2] =	dma.local @!p0 [hbm:s0], s1  }
0xdc: {  	s0 =	simm.s32 @!p0 $0x5  }
0xdd: {  	_ =	swait.ge @!p0 [sflag:s0], s1  }
0xde: {  	s1 =	ssub.s32 @!p0 $0x0, s1;
	[sflag:s0] =	ssyncset.done @!p0 $0x0  }
0xdf: {  	[sflag:s0] =	ssyncadd.s32 @!p0 s1  }
0xe0: {  	[bflag:$0x3] =	sbarrier.arrive $0xFFFF  }
0xe1: {  	_ =	shalt  }

</sc_bundles>
